<compile_context>
chip_gen: v7x
topology: tpu7x:2x2x1
jax: 0.10.2.dev20260603
libtpu: 0.0.44.dev20260713+nightly
codegen_flags: <defaults>
</compile_context>

<pallas_src>
import functools

import jax
import jax.numpy as jnp
from jax.experimental import pallas as pl

_N = 256
_D = 128
_BS = 16

_bf = jnp.bfloat16
_f32 = jnp.float32


def _mm(a_bf, w_ref):
    return jnp.dot(a_bf, w_ref[...].astype(_bf), preferred_element_type=_f32)




def _edge_body(first, e_ref, vs_ref, v_ref, up_ref,
               w1a_ref, w1b_ref, b1_ref, w2_ref, b2_ref, w3_ref, b3_ref,
               w4_ref, b4_ref, *rest):
    if first:
        wee_ref, bee_ref, ep_ref = rest
        e_bf = (_mm(e_ref[...].astype(_bf), wee_ref) + bee_ref[...]).astype(_bf)
    else:
        (ep_ref,) = rest
        e_bf = e_ref[...].astype(_bf)
    vs = vs_ref[...].astype(_bf)
    vd = v_ref[...].astype(_bf)
    ub = up_ref[...].astype(_bf)
    vs_t = jnp.broadcast_to(vs[:, None, :], (_BS, _N, _D)).reshape(_BS * _N, _D)
    vd_t = jnp.broadcast_to(vd[None, :, :], (_BS, _N, _D)).reshape(_BS * _N, _D)
    u_t = jnp.broadcast_to(ub, (_BS * _N, 128))
    x1 = jnp.concatenate([e_bf, vs_t], axis=1)
    x2 = jnp.concatenate([vd_t, u_t], axis=1)
    h = _mm(x1, w1a_ref) + _mm(x2, w1b_ref)
    h = jnp.maximum(h + b1_ref[...], 0.0)
    h = jnp.maximum(_mm(h.astype(_bf), w2_ref) + b2_ref[...], 0.0)
    h = jnp.maximum(_mm(h.astype(_bf), w3_ref) + b3_ref[...], 0.0)
    ep_ref[...] = _mm(h.astype(_bf), w4_ref) + b4_ref[...]


def _edge_round(e, v, up, w1a, w1b, b1, w2, b2, w3, b3, w4, b4, embed=None):
    de = e.shape[1]
    first = embed is not None
    args = [e, v, v, up, w1a, w1b, b1, w2, b2, w3, b3, w4, b4]
    in_specs = [
        pl.BlockSpec((_BS * _N, de), lambda i: (i, 0)),
        pl.BlockSpec((_BS, _D), lambda i: (i, 0)),
        pl.BlockSpec((_N, _D), lambda i: (0, 0)),
        pl.BlockSpec((1, 128), lambda i: (0, 0)),
    ] + [pl.BlockSpec(w.shape, lambda i: (0, 0))
         for w in (w1a, w1b, b1, w2, b2, w3, b3, w4, b4)]
    if first:
        args += list(embed)
        in_specs += [pl.BlockSpec(w.shape, lambda i: (0, 0)) for w in embed]
    return pl.pallas_call(
        functools.partial(_edge_body, first),
        grid=(_N // _BS,),
        in_specs=in_specs,
        out_specs=pl.BlockSpec((_BS * _N, _D), lambda i: (i, 0)),
        out_shape=jax.ShapeDtypeStruct((_N * _N, _D), _f32),
    )(*args)


def _node_body(epc_ref, v_ref, up_ref,
               wv1a_ref, wv1b_ref, bv1_ref, wv2_ref, bv2_ref, wv3_ref,
               bv3_ref, wv4_ref, bv4_ref,
               wq1a_ref, wq1b_ref, bq1_ref, wq2_ref, bq2_ref, wq3_ref,
               bq3_ref, wq4_ref, bq4_ref,
               vp_ref, uo_ref):
    epc = epc_ref[...]
    ub = up_ref[...].astype(_bf)
    u_t = jnp.broadcast_to(ub, (_N, 128))
    x = jnp.concatenate([epc.astype(_bf), v_ref[...].astype(_bf)], axis=1)
    vp = _mm(x, wv1a_ref) + _mm(u_t, wv1b_ref)
    vp = jnp.maximum(vp + bv1_ref[...], 0.0)
    vp = jnp.maximum(_mm(vp.astype(_bf), wv2_ref) + bv2_ref[...], 0.0)
    vp = jnp.maximum(_mm(vp.astype(_bf), wv3_ref) + bv3_ref[...], 0.0)
    vp = _mm(vp.astype(_bf), wv4_ref) + bv4_ref[...]
    vp_ref[...] = vp
    e_bar = jnp.sum(epc, axis=0, keepdims=True)
    v_bar = jnp.sum(vp, axis=0, keepdims=True)
    x2 = jnp.concatenate([e_bar.astype(_bf), v_bar.astype(_bf)], axis=1)
    uu = _mm(x2, wq1a_ref) + _mm(ub, wq1b_ref)
    uu = jnp.maximum(uu + bq1_ref[...], 0.0)
    uu = jnp.maximum(_mm(uu.astype(_bf), wq2_ref) + bq2_ref[...], 0.0)
    uu = jnp.maximum(_mm(uu.astype(_bf), wq3_ref) + bq3_ref[...], 0.0)
    uo_ref[...] = _mm(uu.astype(_bf), wq4_ref) + bq4_ref[...]


def _node_round(epc, v, up, pv, pu):
    return pl.pallas_call(
        _node_body,
        out_shape=(
            jax.ShapeDtypeStruct((_N, _D), _f32),
            jax.ShapeDtypeStruct((1, 16), _f32),
        ),
    )(epc, v, up, *pv, *pu)


def _prologue_body(x_ref, w_ref, b_ref, v_ref):
    v_ref[...] = _mm(x_ref[...].astype(_bf), w_ref) + b_ref[...]


def _decoder_body(vp_ref, w1_ref, b1_ref, w2_ref, b2_ref, w3_ref, b3_ref,
                  w4_ref, b4_ref, y_ref):
    y = jnp.maximum(_mm(vp_ref[...].astype(_bf), w1_ref) + b1_ref[...], 0.0)
    y = jnp.maximum(_mm(y.astype(_bf), w2_ref) + b2_ref[...], 0.0)
    y = jnp.maximum(_mm(y.astype(_bf), w3_ref) + b3_ref[...], 0.0)
    y_ref[...] = _mm(y.astype(_bf), w4_ref) + b4_ref[...]


def _single(body, args, out_shape):
    return pl.pallas_call(body, out_shape=out_shape)(*args)


def kernel(edge_list, ev_in, ee_in, pu_in, params):
    p = params

    def row(name):
        return p[name + "_b"][None, :].astype(_f32)

    def padk(w, k):
        return jnp.pad(w, ((0, k - w.shape[0]), (0, 0)))

    def padu(u):
        return jnp.pad(u, ((0, 0), (0, 112)))

    w1a = p["pe1_W"][:256]
    w1b = padk(p["pe1_W"][256:], 256)
    pv = (p["pv1_W"][:256], padk(p["pv1_W"][256:], 128), row("pv1"),
          p["pv2_W"], row("pv2"), p["pv3_W"], row("pv3"),
          p["pv4_W"], row("pv4"))
    pu = (p["pu1_W"][:256], padk(p["pu1_W"][256:], 128), row("pu1"),
          p["pu2_W"], row("pu2"), p["pu3_W"], row("pu3"),
          p["pu4_W"], row("pu4"))
    common = (row("pe1"), p["pe2_W"], row("pe2"), p["pe3_W"], row("pe3"),
              p["pe4_W"], row("pe4"))

    xev = jnp.concatenate([ev_in, p["attribs"]], axis=1)
    v = _single(_prologue_body, (xev, p["ev_W"], row("ev")),
                jax.ShapeDtypeStruct((_N, _D), _f32))

    up = padu(p["u0"][None, :])

    seg = jnp.repeat(jnp.arange(_N), _N)

    ep = _edge_round(ee_in, v, up, w1a, w1b, *common,
                     embed=(p["ee_W"], row("ee")))
    epc = jax.ops.segment_sum(ep, seg, num_segments=_N)
    v, u = _node_round(epc, v, up, pv, pu)
    up = padu(u)
    ep = _edge_round(ep, v, up, w1a, w1b, *common)
    epc = jax.ops.segment_sum(ep, seg, num_segments=_N)
    v, u = _node_round(epc, v, up, pv, pu)
    up = padu(u)
    ep = _edge_round(ep, v, up, w1a, w1b, *common)
    epc = jax.ops.segment_sum(ep, seg, num_segments=_N)
    v, u = _node_round(epc, v, up, pv, pu)

    y = _single(_decoder_body,
                (v, p["d1_W"], row("d1"), p["d2_W"], row("d2"),
                 p["d3_W"], row("d3"), p["d4_W"], row("d4")),
                jax.ShapeDtypeStruct((_N, 3), _f32))
    return y

# --- scband reference (transcript-rebuilt; emitter-appended) ---
"""Pipeline reference for scband-gnn-49134425866983 (READ-ONLY COPY).

The authoritative reference and input builder live on the scoring server;
editing this copy changes nothing except your own understanding.
"""

import jax, jax.numpy as jnp
import numpy as np

N_NODES = 256
_LAYERS = [("ev",40,128),("ee",5,128),("pe1",400,128),("pe2",128,128),("pe3",128,128),("pe4",128,128),("pv1",272,128),("pv2",128,128),("pv3",128,128),("pv4",128,128),("pu1",272,128),("pu2",128,128),("pu3",128,128),("pu4",128,16),("d1",128,128),("d2",128,128),("d3",128,128),("d4",128,3)]

def setup_inputs(seed: int = 0):
    key = jax.random.key(seed)
    params = {}
    for i, (name, din, dout) in enumerate(_LAYERS):
        lim = 1.0 / np.sqrt(din)
        params[name + "_W"] = jax.random.uniform(jax.random.fold_in(key, 2 * i), (din, dout), jnp.float32, -lim, lim)
        params[name + "_b"] = jax.random.uniform(jax.random.fold_in(key, 2 * i + 1), (dout,), jnp.float32, -lim, lim)
    params["attribs"] = jax.random.uniform(jax.random.fold_in(key, 100), (N_NODES, 16), jnp.float32)
    params["u0"] = jax.random.uniform(jax.random.fold_in(key, 101), (16,), jnp.float32)
    edge_list = jnp.ones((N_NODES, N_NODES), jnp.int32)
    ev_in = jax.random.normal(jax.random.fold_in(key, 102), (N_NODES, 24), jnp.float32)
    ee_in = jax.random.normal(jax.random.fold_in(key, 103), (N_NODES * N_NODES, 5), jnp.float32)
    pu_in = jnp.zeros((16,), jnp.float32)
    return {"edge_list": edge_list, "ev_in": ev_in, "ee_in": ee_in, "pu_in": pu_in, "params": params}

def _lin(x, p, name):
    return x @ p[name + "_W"] + p[name + "_b"]

def _forward(ev_in, ee_in, params):
    N = ev_in.shape[0]
    src = jnp.repeat(jnp.arange(N), N)
    dst = jnp.tile(jnp.arange(N), N)
    v = _lin(jnp.concatenate([ev_in, params["attribs"]], axis=1), params, "ev")
    e = _lin(ee_in, params, "ee")
    u = params["u0"]
    vp = v
    for _ in range(3):
        ub_e = jnp.broadcast_to(u, (e.shape[0], u.shape[0]))
        ep = jnp.concatenate([e, v[src], v[dst], ub_e], axis=1)
        ep = jax.nn.relu(_lin(ep, params, "pe1"))
        ep = jax.nn.relu(_lin(ep, params, "pe2"))
        ep = jax.nn.relu(_lin(ep, params, "pe3"))
        ep = _lin(ep, params, "pe4")
        ep_comb = jax.ops.segment_sum(ep, src, num_segments=N)
        ub_n = jnp.broadcast_to(u, (N, u.shape[0]))
        vp = jnp.concatenate([ep_comb, v, ub_n], axis=1)
        vp = jax.nn.relu(_lin(vp, params, "pv1"))
        vp = jax.nn.relu(_lin(vp, params, "pv2"))
        vp = jax.nn.relu(_lin(vp, params, "pv3"))
        vp = _lin(vp, params, "pv4")
        e_bar = jnp.sum(ep_comb, axis=0)
        v_bar = jnp.sum(vp, axis=0)
        uu = jnp.concatenate([e_bar, v_bar, u])
        uu = jax.nn.relu(_lin(uu, params, "pu1"))
        uu = jax.nn.relu(_lin(uu, params, "pu2"))
        uu = jax.nn.relu(_lin(uu, params, "pu3"))
        u = _lin(uu, params, "pu4")
        e = ep
        v = vp
    y = jax.nn.relu(_lin(vp, params, "d1"))
    y = jax.nn.relu(_lin(y, params, "d2"))
    y = jax.nn.relu(_lin(y, params, "d3"))
    y = _lin(y, params, "d4")
    return y

def reference(edge_list, ev_in, ee_in, pu_in, params):
    # edge_list is all-ones (fully connected), so edges enumerate (x, y) pairs
    # in row-major order, exactly matching the original nested Python loops.
    # pu_in is accepted but unused, as in the original forward.
    return _forward(ev_in, ee_in, params)

if __name__ == "__main__":
    import jax
    _d = setup_inputs()
    print(jax.jit(kernel)(*tuple(_d.values())))

</pallas_src>

<mosaic_0001>
module attributes {stable_mosaic.version = 14 : i64} {
  func.func @_node_body(%arg0: memref<256x128xf32, #tpu.memory_space<vmem>>, %arg1: memref<256x128xf32, #tpu.memory_space<vmem>>, %arg2: memref<1x128xf32, #tpu.memory_space<vmem>>, %arg3: memref<256x128xf32, #tpu.memory_space<vmem>>, %arg4: memref<128x128xf32, #tpu.memory_space<vmem>>, %arg5: memref<1x128xf32, #tpu.memory_space<vmem>>, %arg6: memref<128x128xf32, #tpu.memory_space<vmem>>, %arg7: memref<1x128xf32, #tpu.memory_space<vmem>>, %arg8: memref<128x128xf32, #tpu.memory_space<vmem>>, %arg9: memref<1x128xf32, #tpu.memory_space<vmem>>, %arg10: memref<128x128xf32, #tpu.memory_space<vmem>>, %arg11: memref<1x128xf32, #tpu.memory_space<vmem>>, %arg12: memref<256x128xf32, #tpu.memory_space<vmem>>, %arg13: memref<128x128xf32, #tpu.memory_space<vmem>>, %arg14: memref<1x128xf32, #tpu.memory_space<vmem>>, %arg15: memref<128x128xf32, #tpu.memory_space<vmem>>, %arg16: memref<1x128xf32, #tpu.memory_space<vmem>>, %arg17: memref<128x128xf32, #tpu.memory_space<vmem>>, %arg18: memref<1x128xf32, #tpu.memory_space<vmem>>, %arg19: memref<128x16xf32, #tpu.memory_space<vmem>>, %arg20: memref<1x16xf32, #tpu.memory_space<vmem>>, %arg21: memref<256x128xf32, #tpu.memory_space<vmem>>, %arg22: memref<1x16xf32, #tpu.memory_space<vmem>>) attributes {dimension_semantics = [], scalar_prefetch = 0 : i64, scratch_operands = 0 : i64, tpu.core_type = #tpu.core_type<tc>} {
    %get3A = arith.constant 0 : index
    %get3A_0 = arith.constant 0 : index
    %get3A_1 = vector.load %arg0[%get3A, %get3A_0] : memref<256x128xf32, #tpu.memory_space<vmem>>, vector<256x128xf32>
    %get3A_2 = arith.constant 0 : index
    %get3A_3 = arith.constant 0 : index
    %get3A_4 = vector.load %arg2[%get3A_2, %get3A_3] : memref<1x128xf32, #tpu.memory_space<vmem>>, vector<1x128xf32>
    %convert_element_type3A = arith.truncf %get3A_4 : vector<1x128xf32> to vector<1x128xbf16>
    %broadcast_in_dim3A = vector.shape_cast %convert_element_type3A : vector<1x128xbf16> to vector<1x128xbf16>
    %broadcast_in_dim3A_5 = vector.broadcast %broadcast_in_dim3A : vector<1x128xbf16> to vector<256x128xbf16>
    %convert_element_type3A_6 = arith.truncf %get3A_1 : vector<256x128xf32> to vector<256x128xbf16>
    %get3A_7 = arith.constant 0 : index
    %get3A_8 = arith.constant 0 : index
    %get3A_9 = vector.load %arg1[%get3A_7, %get3A_8] : memref<256x128xf32, #tpu.memory_space<vmem>>, vector<256x128xf32>
    %convert_element_type3A_10 = arith.truncf %get3A_9 : vector<256x128xf32> to vector<256x128xbf16>
    %concatenate3A = tpu.concatenate %convert_element_type3A_6, %convert_element_type3A_10 in 1 : vector<256x128xbf16>, vector<256x128xbf16> -> vector<256x256xbf16>
    %get3A_11 = arith.constant 0 : index
    %get3A_12 = arith.constant 0 : index
    %get3A_13 = vector.load %arg3[%get3A_11, %get3A_12] : memref<256x128xf32, #tpu.memory_space<vmem>>, vector<256x128xf32>
    %convert_element_type3A_14 = arith.truncf %get3A_13 : vector<256x128xf32> to vector<256x128xbf16>
    %dot_general3A = arith.constant dense<0.000000e+00> : vector<256x128xf32>
    %dot_general3A_15 = tpu.matmul %concatenate3A, %convert_element_type3A_14, %dot_general3A {dimension_numbers = #tpu.dot_dimension_numbers<[1], [0], [0], [1], [0, 0, 1, 1], [], []>, transpose_lhs_hint = false} : vector<256x256xbf16>, vector<256x128xbf16>, vector<256x128xf32> -> vector<256x128xf32>
    %get3A_16 = arith.constant 0 : index
    %get3A_17 = arith.constant 0 : index
    %get3A_18 = vector.load %arg4[%get3A_16, %get3A_17] : memref<128x128xf32, #tpu.memory_space<vmem>>, vector<128x128xf32>
    %convert_element_type3A_19 = arith.truncf %get3A_18 : vector<128x128xf32> to vector<128x128xbf16>
    %dot_general3A_20 = arith.constant dense<0.000000e+00> : vector<256x128xf32>
    %dot_general3A_21 = tpu.matmul %broadcast_in_dim3A_5, %convert_element_type3A_19, %dot_general3A_20 {dimension_numbers = #tpu.dot_dimension_numbers<[1], [0], [0], [1], [0, 0, 1, 1], [], []>, transpose_lhs_hint = false} : vector<256x128xbf16>, vector<128x128xbf16>, vector<256x128xf32> -> vector<256x128xf32>
    %add3A = arith.addf %dot_general3A_15, %dot_general3A_21 : vector<256x128xf32>
    %get3A_22 = arith.constant 0 : index
    %get3A_23 = arith.constant 0 : index
    %get3A_24 = vector.load %arg5[%get3A_22, %get3A_23] : memref<1x128xf32, #tpu.memory_space<vmem>>, vector<1x128xf32>
    %add3A_25 = vector.broadcast %get3A_24 : vector<1x128xf32> to vector<256x128xf32>
    %add3A_26 = arith.addf %add3A, %add3A_25 : vector<256x128xf32>
    %max3A = arith.constant 0.000000e+00 : f32
    %max3A_27 = vector.broadcast %max3A : f32 to vector<256x128xf32>
    %max3A_28 = arith.maximumf %add3A_26, %max3A_27 : vector<256x128xf32>
    %convert_element_type3A_29 = arith.truncf %max3A_28 : vector<256x128xf32> to vector<256x128xbf16>
    %get3A_30 = arith.constant 0 : index
    %get3A_31 = arith.constant 0 : index
    %get3A_32 = vector.load %arg6[%get3A_30, %get3A_31] : memref<128x128xf32, #tpu.memory_space<vmem>>, vector<128x128xf32>
    %convert_element_type3A_33 = arith.truncf %get3A_32 : vector<128x128xf32> to vector<128x128xbf16>
    %dot_general3A_34 = arith.constant dense<0.000000e+00> : vector<256x128xf32>
    %dot_general3A_35 = tpu.matmul %convert_element_type3A_29, %convert_element_type3A_33, %dot_general3A_34 {dimension_numbers = #tpu.dot_dimension_numbers<[1], [0], [0], [1], [0, 0, 1, 1], [], []>, transpose_lhs_hint = false} : vector<256x128xbf16>, vector<128x128xbf16>, vector<256x128xf32> -> vector<256x128xf32>
    %get3A_36 = arith.constant 0 : index
    %get3A_37 = arith.constant 0 : index
    %get3A_38 = vector.load %arg7[%get3A_36, %get3A_37] : memref<1x128xf32, #tpu.memory_space<vmem>>, vector<1x128xf32>
    %add3A_39 = vector.broadcast %get3A_38 : vector<1x128xf32> to vector<256x128xf32>
    %add3A_40 = arith.addf %dot_general3A_35, %add3A_39 : vector<256x128xf32>
    %max3A_41 = arith.constant 0.000000e+00 : f32
    %max3A_42 = vector.broadcast %max3A_41 : f32 to vector<256x128xf32>
    %max3A_43 = arith.maximumf %add3A_40, %max3A_42 : vector<256x128xf32>
    %convert_element_type3A_44 = arith.truncf %max3A_43 : vector<256x128xf32> to vector<256x128xbf16>
    %get3A_45 = arith.constant 0 : index
    %get3A_46 = arith.constant 0 : index
    %get3A_47 = vector.load %arg8[%get3A_45, %get3A_46] : memref<128x128xf32, #tpu.memory_space<vmem>>, vector<128x128xf32>
    %convert_element_type3A_48 = arith.truncf %get3A_47 : vector<128x128xf32> to vector<128x128xbf16>
    %dot_general3A_49 = arith.constant dense<0.000000e+00> : vector<256x128xf32>
    %dot_general3A_50 = tpu.matmul %convert_element_type3A_44, %convert_element_type3A_48, %dot_general3A_49 {dimension_numbers = #tpu.dot_dimension_numbers<[1], [0], [0], [1], [0, 0, 1, 1], [], []>, transpose_lhs_hint = false} : vector<256x128xbf16>, vector<128x128xbf16>, vector<256x128xf32> -> vector<256x128xf32>
    %get3A_51 = arith.constant 0 : index
    %get3A_52 = arith.constant 0 : index
    %get3A_53 = vector.load %arg9[%get3A_51, %get3A_52] : memref<1x128xf32, #tpu.memory_space<vmem>>, vector<1x128xf32>
    %add3A_54 = vector.broadcast %get3A_53 : vector<1x128xf32> to vector<256x128xf32>
    %add3A_55 = arith.addf %dot_general3A_50, %add3A_54 : vector<256x128xf32>
    %max3A_56 = arith.constant 0.000000e+00 : f32
    %max3A_57 = vector.broadcast %max3A_56 : f32 to vector<256x128xf32>
    %max3A_58 = arith.maximumf %add3A_55, %max3A_57 : vector<256x128xf32>
    %convert_element_type3A_59 = arith.truncf %max3A_58 : vector<256x128xf32> to vector<256x128xbf16>
    %get3A_60 = arith.constant 0 : index
    %get3A_61 = arith.constant 0 : index
    %get3A_62 = vector.load %arg10[%get3A_60, %get3A_61] : memref<128x128xf32, #tpu.memory_space<vmem>>, vector<128x128xf32>
    %convert_element_type3A_63 = arith.truncf %get3A_62 : vector<128x128xf32> to vector<128x128xbf16>
    %dot_general3A_64 = arith.constant dense<0.000000e+00> : vector<256x128xf32>
    %dot_general3A_65 = tpu.matmul %convert_element_type3A_59, %convert_element_type3A_63, %dot_general3A_64 {dimension_numbers = #tpu.dot_dimension_numbers<[1], [0], [0], [1], [0, 0, 1, 1], [], []>, transpose_lhs_hint = false} : vector<256x128xbf16>, vector<128x128xbf16>, vector<256x128xf32> -> vector<256x128xf32>
    %get3A_66 = arith.constant 0 : index
    %get3A_67 = arith.constant 0 : index
    %get3A_68 = vector.load %arg11[%get3A_66, %get3A_67] : memref<1x128xf32, #tpu.memory_space<vmem>>, vector<1x128xf32>
    %add3A_69 = vector.broadcast %get3A_68 : vector<1x128xf32> to vector<256x128xf32>
    %add3A_70 = arith.addf %dot_general3A_65, %add3A_69 : vector<256x128xf32>
    %swap3A = arith.constant 0 : index
    %swap3A_71 = arith.constant 0 : index
    %swap3A_72 = vector.load %arg21[%swap3A, %swap3A_71] : memref<256x128xf32, #tpu.memory_space<vmem>>, vector<256x128xf32>
    tpu.vector_store %arg21[%swap3A, %swap3A_71], %add3A_70 {strides = array<i32>} : memref<256x128xf32, #tpu.memory_space<vmem>>, vector<256x128xf32>,
    %reduce_sum3A = arith.constant dense<0.000000e+00> : vector<128xf32>
    %reduce_sum3A_73 = vector.multi_reduction <add>, %get3A_1, %reduce_sum3A [0] : vector<256x128xf32> to vector<128xf32>
    %broadcast_in_dim3A_74 = vector.shape_cast %reduce_sum3A_73 : vector<128xf32> to vector<1x128xf32>
    %reduce_sum3A_75 = arith.constant dense<0.000000e+00> : vector<128xf32>
    %reduce_sum3A_76 = vector.multi_reduction <add>, %add3A_70, %reduce_sum3A_75 [0] : vector<256x128xf32> to vector<128xf32>
    %broadcast_in_dim3A_77 = vector.shape_cast %reduce_sum3A_76 : vector<128xf32> to vector<1x128xf32>
    %convert_element_type3A_78 = arith.truncf %broadcast_in_dim3A_74 : vector<1x128xf32> to vector<1x128xbf16>
    %convert_element_type3A_79 = arith.truncf %broadcast_in_dim3A_77 : vector<1x128xf32> to vector<1x128xbf16>
    %concatenate3A_80 = tpu.concatenate %convert_element_type3A_78, %convert_element_type3A_79 in 1 : vector<1x128xbf16>, vector<1x128xbf16> -> vector<1x256xbf16>
    %get3A_81 = arith.constant 0 : index
    %get3A_82 = arith.constant 0 : index
    %get3A_83 = vector.load %arg12[%get3A_81, %get3A_82] : memref<256x128xf32, #tpu.memory_space<vmem>>, vector<256x128xf32>
    %convert_element_type3A_84 = arith.truncf %get3A_83 : vector<256x128xf32> to vector<256x128xbf16>
    %dot_general3A_85 = arith.constant dense<0.000000e+00> : vector<1x128xf32>
    %dot_general3A_86 = tpu.matmul %concatenate3A_80, %convert_element_type3A_84, %dot_general3A_85 {dimension_numbers = #tpu.dot_dimension_numbers<[1], [0], [0], [1], [0, 0, 1, 1], [], []>, transpose_lhs_hint = false} : vector<1x256xbf16>, vector<256x128xbf16>, vector<1x128xf32> -> vector<1x128xf32>
    %get3A_87 = arith.constant 0 : index
    %get3A_88 = arith.constant 0 : index
    %get3A_89 = vector.load %arg13[%get3A_87, %get3A_88] : memref<128x128xf32, #tpu.memory_space<vmem>>, vector<128x128xf32>
    %convert_element_type3A_90 = arith.truncf %get3A_89 : vector<128x128xf32> to vector<128x128xbf16>
    %dot_general3A_91 = arith.constant dense<0.000000e+00> : vector<1x128xf32>
    %dot_general3A_92 = tpu.matmul %convert_element_type3A, %convert_element_type3A_90, %dot_general3A_91 {dimension_numbers = #tpu.dot_dimension_numbers<[1], [0], [0], [1], [0, 0, 1, 1], [], []>, transpose_lhs_hint = false} : vector<1x128xbf16>, vector<128x128xbf16>, vector<1x128xf32> -> vector<1x128xf32>
    %add3A_93 = arith.addf %dot_general3A_86, %dot_general3A_92 : vector<1x128xf32>
    %get3A_94 = arith.constant 0 : index
    %get3A_95 = arith.constant 0 : index
    %get3A_96 = vector.load %arg14[%get3A_94, %get3A_95] : memref<1x128xf32, #tpu.memory_space<vmem>>, vector<1x128xf32>
    %add3A_97 = arith.addf %add3A_93, %get3A_96 : vector<1x128xf32>
    %max3A_98 = arith.constant 0.000000e+00 : f32
    %max3A_99 = vector.broadcast %max3A_98 : f32 to vector<1x128xf32>
    %max3A_100 = arith.maximumf %add3A_97, %max3A_99 : vector<1x128xf32>
    %convert_element_type3A_101 = arith.truncf %max3A_100 : vector<1x128xf32> to vector<1x128xbf16>
    %get3A_102 = arith.constant 0 : index
    %get3A_103 = arith.constant 0 : index
    %get3A_104 = vector.load %arg15[%get3A_102, %get3A_103] : memref<128x128xf32, #tpu.memory_space<vmem>>, vector<128x128xf32>
    %convert_element_type3A_105 = arith.truncf %get3A_104 : vector<128x128xf32> to vector<128x128xbf16>
    %dot_general3A_106 = arith.constant dense<0.000000e+00> : vector<1x128xf32>
    %dot_general3A_107 = tpu.matmul %convert_element_type3A_101, %convert_element_type3A_105, %dot_general3A_106 {dimension_numbers = #tpu.dot_dimension_numbers<[1], [0], [0], [1], [0, 0, 1, 1], [], []>, transpose_lhs_hint = false} : vector<1x128xbf16>, vector<128x128xbf16>, vector<1x128xf32> -> vector<1x128xf32>
    %get3A_108 = arith.constant 0 : index
    %get3A_109 = arith.constant 0 : index
    %get3A_110 = vector.load %arg16[%get3A_108, %get3A_109] : memref<1x128xf32, #tpu.memory_space<vmem>>, vector<1x128xf32>
    %add3A_111 = arith.addf %dot_general3A_107, %get3A_110 : vector<1x128xf32>
    %max3A_112 = arith.constant 0.000000e+00 : f32
    %max3A_113 = vector.broadcast %max3A_112 : f32 to vector<1x128xf32>
    %max3A_114 = arith.maximumf %add3A_111, %max3A_113 : vector<1x128xf32>
    %convert_element_type3A_115 = arith.truncf %max3A_114 : vector<1x128xf32> to vector<1x128xbf16>
    %get3A_116 = arith.constant 0 : index
    %get3A_117 = arith.constant 0 : index
    %get3A_118 = vector.load %arg17[%get3A_116, %get3A_117] : memref<128x128xf32, #tpu.memory_space<vmem>>, vector<128x128xf32>
    %convert_element_type3A_119 = arith.truncf %get3A_118 : vector<128x128xf32> to vector<128x128xbf16>
    %dot_general3A_120 = arith.constant dense<0.000000e+00> : vector<1x128xf32>
    %dot_general3A_121 = tpu.matmul %convert_element_type3A_115, %convert_element_type3A_119, %dot_general3A_120 {dimension_numbers = #tpu.dot_dimension_numbers<[1], [0], [0], [1], [0, 0, 1, 1], [], []>, transpose_lhs_hint = false} : vector<1x128xbf16>, vector<128x128xbf16>, vector<1x128xf32> -> vector<1x128xf32>
    %get3A_122 = arith.constant 0 : index
    %get3A_123 = arith.constant 0 : index
    %get3A_124 = vector.load %arg18[%get3A_122, %get3A_123] : memref<1x128xf32, #tpu.memory_space<vmem>>, vector<1x128xf32>
    %add3A_125 = arith.addf %dot_general3A_121, %get3A_124 : vector<1x128xf32>
    %max3A_126 = arith.constant 0.000000e+00 : f32
    %max3A_127 = vector.broadcast %max3A_126 : f32 to vector<1x128xf32>
    %max3A_128 = arith.maximumf %add3A_125, %max3A_127 : vector<1x128xf32>
    %convert_element_type3A_129 = arith.truncf %max3A_128 : vector<1x128xf32> to vector<1x128xbf16>
    %get3A_130 = arith.constant 0 : index
    %get3A_131 = arith.constant 0 : index
    %get3A_132 = vector.load %arg19[%get3A_130, %get3A_131] : memref<128x16xf32, #tpu.memory_space<vmem>>, vector<128x16xf32>
    %convert_element_type3A_133 = arith.truncf %get3A_132 : vector<128x16xf32> to vector<128x16xbf16>
    %dot_general3A_134 = arith.constant dense<0.000000e+00> : vector<1x16xf32>
    %dot_general3A_135 = tpu.matmul %convert_element_type3A_129, %convert_element_type3A_133, %dot_general3A_134 {dimension_numbers = #tpu.dot_dimension_numbers<[1], [0], [0], [1], [0, 0, 1, 1], [], []>, transpose_lhs_hint = false} : vector<1x128xbf16>, vector<128x16xbf16>, vector<1x16xf32> -> vector<1x16xf32>
    %get3A_136 = arith.constant 0 : index
    %get3A_137 = arith.constant 0 : index
    %get3A_138 = vector.load %arg20[%get3A_136, %get3A_137] : memref<1x16xf32, #tpu.memory_space<vmem>>, vector<1x16xf32>
    %add3A_139 = arith.addf %dot_general3A_135, %get3A_138 : vector<1x16xf32>
    %swap3A_140 = arith.constant 0 : index
    %swap3A_141 = arith.constant 0 : index
    %swap3A_142 = vector.load %arg22[%swap3A_140, %swap3A_141] : memref<1x16xf32, #tpu.memory_space<vmem>>, vector<1x16xf32>
    tpu.vector_store %arg22[%swap3A_140, %swap3A_141], %add3A_139 {strides = array<i32>} : memref<1x16xf32, #tpu.memory_space<vmem>>, vector<1x16xf32>,
    return
  }
}

module attributes {stable_mosaic.version = 14 : i64} {
  func.func @_prologue_body(%arg0: memref<256x40xf32, #tpu.memory_space<vmem>>, %arg1: memref<40x128xf32, #tpu.memory_space<vmem>>, %arg2: memref<1x128xf32, #tpu.memory_space<vmem>>, %arg3: memref<256x128xf32, #tpu.memory_space<vmem>>) attributes {dimension_semantics = [], scalar_prefetch = 0 : i64, scratch_operands = 0 : i64, tpu.core_type = #tpu.core_type<tc>} {
    %get3A = arith.constant 0 : index
    %get3A_0 = arith.constant 0 : index
    %get3A_1 = vector.load %arg0[%get3A, %get3A_0] : memref<256x40xf32, #tpu.memory_space<vmem>>, vector<256x40xf32>
    %convert_element_type3A = arith.truncf %get3A_1 : vector<256x40xf32> to vector<256x40xbf16>
    %get3A_2 = arith.constant 0 : index
    %get3A_3 = arith.constant 0 : index
    %get3A_4 = vector.load %arg1[%get3A_2, %get3A_3] : memref<40x128xf32, #tpu.memory_space<vmem>>, vector<40x128xf32>
    %convert_element_type3A_5 = arith.truncf %get3A_4 : vector<40x128xf32> to vector<40x128xbf16>
    %dot_general3A = arith.constant dense<0.000000e+00> : vector<256x128xf32>
    %dot_general3A_6 = tpu.matmul %convert_element_type3A, %convert_element_type3A_5, %dot_general3A {dimension_numbers = #tpu.dot_dimension_numbers<[1], [0], [0], [1], [0, 0, 1, 1], [], []>, transpose_lhs_hint = false} : vector<256x40xbf16>, vector<40x128xbf16>, vector<256x128xf32> -> vector<256x128xf32>
    %get3A_7 = arith.constant 0 : index
    %get3A_8 = arith.constant 0 : index
    %get3A_9 = vector.load %arg2[%get3A_7, %get3A_8] : memref<1x128xf32, #tpu.memory_space<vmem>>, vector<1x128xf32>
    %add3A = vector.broadcast %get3A_9 : vector<1x128xf32> to vector<256x128xf32>
    %add3A_10 = arith.addf %dot_general3A_6, %add3A : vector<256x128xf32>
    %swap3A = arith.constant 0 : index
    %swap3A_11 = arith.constant 0 : index
    %swap3A_12 = vector.load %arg3[%swap3A, %swap3A_11] : memref<256x128xf32, #tpu.memory_space<vmem>>, vector<256x128xf32>
    tpu.vector_store %arg3[%swap3A, %swap3A_11], %add3A_10 {strides = array<i32>} : memref<256x128xf32, #tpu.memory_space<vmem>>, vector<256x128xf32>,
    return
  }
}

module attributes {stable_mosaic.version = 14 : i64} {
  func.func @_edge_body(%arg0: i32, %arg1: memref<4096x5xf32, #tpu.memory_space<vmem>>, %arg2: memref<16x128xf32, #tpu.memory_space<vmem>>, %arg3: memref<256x128xf32, #tpu.memory_space<vmem>>, %arg4: memref<1x128xf32, #tpu.memory_space<vmem>>, %arg5: memref<256x128xf32, #tpu.memory_space<vmem>>, %arg6: memref<256x128xf32, #tpu.memory_space<vmem>>, %arg7: memref<1x128xf32, #tpu.memory_space<vmem>>, %arg8: memref<128x128xf32, #tpu.memory_space<vmem>>, %arg9: memref<1x128xf32, #tpu.memory_space<vmem>>, %arg10: memref<128x128xf32, #tpu.memory_space<vmem>>, %arg11: memref<1x128xf32, #tpu.memory_space<vmem>>, %arg12: memref<128x128xf32, #tpu.memory_space<vmem>>, %arg13: memref<1x128xf32, #tpu.memory_space<vmem>>, %arg14: memref<5x128xf32, #tpu.memory_space<vmem>>, %arg15: memref<1x128xf32, #tpu.memory_space<vmem>>, %arg16: memref<4096x128xf32, #tpu.memory_space<vmem>>) attributes {dimension_semantics = [#tpu.dimension_semantics<arbitrary>], iteration_bounds = array<i64: 16>, scalar_prefetch = 0 : i64, scratch_operands = 0 : i64, tpu.core_type = #tpu.core_type<tc>, window_params = [{transform_indices = @transform_0, window_bounds = array<i64: 4096, 5>}, {transform_indices = @transform_1, window_bounds = array<i64: 16, 128>}, {pipeline_mode = #tpu.pipeline_mode<synchronous>, transform_indices = @transform_2, window_bounds = array<i64: 256, 128>}, {pipeline_mode = #tpu.pipeline_mode<synchronous>, transform_indices = @transform_3, window_bounds = array<i64: 1, 128>}, {pipeline_mode = #tpu.pipeline_mode<synchronous>, transform_indices = @transform_4, window_bounds = array<i64: 256, 128>}, {pipeline_mode = #tpu.pipeline_mode<synchronous>, transform_indices = @transform_5, window_bounds = array<i64: 256, 128>}, {pipeline_mode = #tpu.pipeline_mode<synchronous>, transform_indices = @transform_6, window_bounds = array<i64: 1, 128>}, {pipeline_mode = #tpu.pipeline_mode<synchronous>, transform_indices = @transform_7, window_bounds = array<i64: 128, 128>}, {pipeline_mode = #tpu.pipeline_mode<synchronous>, transform_indices = @transform_8, window_bounds = array<i64: 1, 128>}, {pipeline_mode = #tpu.pipeline_mode<synchronous>, transform_indices = @transform_9, window_bounds = array<i64: 128, 128>}, {pipeline_mode = #tpu.pipeline_mode<synchronous>, transform_indices = @transform_10, window_bounds = array<i64: 1, 128>}, {pipeline_mode = #tpu.pipeline_mode<synchronous>, transform_indices = @transform_11, window_bounds = array<i64: 128, 128>}, {pipeline_mode = #tpu.pipeline_mode<synchronous>, transform_indices = @transform_12, window_bounds = array<i64: 1, 128>}, {pipeline_mode = #tpu.pipeline_mode<synchronous>, transform_indices = @transform_13, window_bounds = array<i64: 5, 128>}, {pipeline_mode = #tpu.pipeline_mode<synchronous>, transform_indices = @transform_14, window_bounds = array<i64: 1, 128>}, {transform_indices = @transform_15, window_bounds = array<i64: 4096, 128>}]} {
    %get3A = arith.constant 0 : index
    %get3A_0 = arith.constant 0 : index
    %get3A_1 = vector.load %arg1[%get3A, %get3A_0] : memref<4096x5xf32, #tpu.memory_space<vmem>>, vector<4096x5xf32>
    %convert_element_type3A = arith.truncf %get3A_1 : vector<4096x5xf32> to vector<4096x5xbf16>
    %get3A_2 = arith.constant 0 : index
    %get3A_3 = arith.constant 0 : index
    %get3A_4 = vector.load %arg14[%get3A_2, %get3A_3] : memref<5x128xf32, #tpu.memory_space<vmem>>, vector<5x128xf32>
    %convert_element_type3A_5 = arith.truncf %get3A_4 : vector<5x128xf32> to vector<5x128xbf16>
    %dot_general3A = arith.constant dense<0.000000e+00> : vector<4096x128xf32>
    %dot_general3A_6 = tpu.matmul %convert_element_type3A, %convert_element_type3A_5, %dot_general3A {dimension_numbers = #tpu.dot_dimension_numbers<[1], [0], [0], [1], [0, 0, 1, 1], [], []>, transpose_lhs_hint = false} : vector<4096x5xbf16>, vector<5x128xbf16>, vector<4096x128xf32> -> vector<4096x128xf32>
    %get3A_7 = arith.constant 0 : index
    %get3A_8 = arith.constant 0 : index
    %get3A_9 = vector.load %arg15[%get3A_7, %get3A_8] : memref<1x128xf32, #tpu.memory_space<vmem>>, vector<1x128xf32>
    %add3A = vector.broadcast %get3A_9 : vector<1x128xf32> to vector<4096x128xf32>
    %add3A_10 = arith.addf %dot_general3A_6, %add3A : vector<4096x128xf32>
    %convert_element_type3A_11 = arith.truncf %add3A_10 : vector<4096x128xf32> to vector<4096x128xbf16>
    %get3A_12 = arith.constant 0 : index
    %get3A_13 = arith.constant 0 : index
    %get3A_14 = vector.load %arg2[%get3A_12, %get3A_13] : memref<16x128xf32, #tpu.memory_space<vmem>>, vector<16x128xf32>
    %convert_element_type3A_15 = arith.truncf %get3A_14 : vector<16x128xf32> to vector<16x128xbf16>
    %get3A_16 = arith.constant 0 : index
    %get3A_17 = arith.constant 0 : index
    %get3A_18 = vector.load %arg3[%get3A_16, %get3A_17] : memref<256x128xf32, #tpu.memory_space<vmem>>, vector<256x128xf32>
    %convert_element_type3A_19 = arith.truncf %get3A_18 : vector<256x128xf32> to vector<256x128xbf16>
    %get3A_20 = arith.constant 0 : index
    %get3A_21 = arith.constant 0 : index
    %get3A_22 = vector.load %arg4[%get3A_20, %get3A_21] : memref<1x128xf32, #tpu.memory_space<vmem>>, vector<1x128xf32>
    %convert_element_type3A_23 = arith.truncf %get3A_22 : vector<1x128xf32> to vector<1x128xbf16>
    %broadcast_in_dim3A = vector.shape_cast %convert_element_type3A_15 : vector<16x128xbf16> to vector<16x1x128xbf16>
    %broadcast_in_dim3A_24 = vector.shape_cast %broadcast_in_dim3A : vector<16x1x128xbf16> to vector<16x1x128xbf16>
    %broadcast_in_dim3A_25 = vector.broadcast %broadcast_in_dim3A_24 : vector<16x1x128xbf16> to vector<16x256x128xbf16>
    %reshape3A = vector.shape_cast %broadcast_in_dim3A_25 : vector<16x256x128xbf16> to vector<4096x128xbf16>
    %broadcast_in_dim3A_26 = vector.shape_cast %convert_element_type3A_19 : vector<256x128xbf16> to vector<1x256x128xbf16>
    %broadcast_in_dim3A_27 = vector.shape_cast %broadcast_in_dim3A_26 : vector<1x256x128xbf16> to vector<1x256x128xbf16>
    %broadcast_in_dim3A_28 = vector.broadcast %broadcast_in_dim3A_27 : vector<1x256x128xbf16> to vector<16x256x128xbf16>
    %reshape3A_29 = vector.shape_cast %broadcast_in_dim3A_28 : vector<16x256x128xbf16> to vector<4096x128xbf16>
    %broadcast_in_dim3A_30 = vector.shape_cast %convert_element_type3A_23 : vector<1x128xbf16> to vector<1x128xbf16>
    %broadcast_in_dim3A_31 = vector.broadcast %broadcast_in_dim3A_30 : vector<1x128xbf16> to vector<4096x128xbf16>
    %concatenate3A = tpu.concatenate %convert_element_type3A_11, %reshape3A in 1 : vector<4096x128xbf16>, vector<4096x128xbf16> -> vector<4096x256xbf16>
    %concatenate3A_32 = tpu.concatenate %reshape3A_29, %broadcast_in_dim3A_31 in 1 : vector<4096x128xbf16>, vector<4096x128xbf16> -> vector<4096x256xbf16>
    %get3A_33 = arith.constant 0 : index
    %get3A_34 = arith.constant 0 : index
    %get3A_35 = vector.load %arg5[%get3A_33, %get3A_34] : memref<256x128xf32, #tpu.memory_space<vmem>>, vector<256x128xf32>
    %convert_element_type3A_36 = arith.truncf %get3A_35 : vector<256x128xf32> to vector<256x128xbf16>
    %dot_general3A_37 = arith.constant dense<0.000000e+00> : vector<4096x128xf32>
    %dot_general3A_38 = tpu.matmul %concatenate3A, %convert_element_type3A_36, %dot_general3A_37 {dimension_numbers = #tpu.dot_dimension_numbers<[1], [0], [0], [1], [0, 0, 1, 1], [], []>, transpose_lhs_hint = false} : vector<4096x256xbf16>, vector<256x128xbf16>, vector<4096x128xf32> -> vector<4096x128xf32>
    %get3A_39 = arith.constant 0 : index
    %get3A_40 = arith.constant 0 : index
    %get3A_41 = vector.load %arg6[%get3A_39, %get3A_40] : memref<256x128xf32, #tpu.memory_space<vmem>>, vector<256x128xf32>
    %convert_element_type3A_42 = arith.truncf %get3A_41 : vector<256x128xf32> to vector<256x128xbf16>
    %dot_general3A_43 = arith.constant dense<0.000000e+00> : vector<4096x128xf32>
    %dot_general3A_44 = tpu.matmul %concatenate3A_32, %convert_element_type3A_42, %dot_general3A_43 {dimension_numbers = #tpu.dot_dimension_numbers<[1], [0], [0], [1], [0, 0, 1, 1], [], []>, transpose_lhs_hint = false} : vector<4096x256xbf16>, vector<256x128xbf16>, vector<4096x128xf32> -> vector<4096x128xf32>
    %add3A_45 = arith.addf %dot_general3A_38, %dot_general3A_44 : vector<4096x128xf32>
    %get3A_46 = arith.constant 0 : index
    %get3A_47 = arith.constant 0 : index
    %get3A_48 = vector.load %arg7[%get3A_46, %get3A_47] : memref<1x128xf32, #tpu.memory_space<vmem>>, vector<1x128xf32>
    %add3A_49 = vector.broadcast %get3A_48 : vector<1x128xf32> to vector<4096x128xf32>
    %add3A_50 = arith.addf %add3A_45, %add3A_49 : vector<4096x128xf32>
    %max3A = arith.constant 0.000000e+00 : f32
    %max3A_51 = vector.broadcast %max3A : f32 to vector<4096x128xf32>
    %max3A_52 = arith.maximumf %add3A_50, %max3A_51 : vector<4096x128xf32>
    %convert_element_type3A_53 = arith.truncf %max3A_52 : vector<4096x128xf32> to vector<4096x128xbf16>
    %get3A_54 = arith.constant 0 : index
    %get3A_55 = arith.constant 0 : index
    %get3A_56 = vector.load %arg8[%get3A_54, %get3A_55] : memref<128x128xf32, #tpu.memory_space<vmem>>, vector<128x128xf32>
    %convert_element_type3A_57 = arith.truncf %get3A_56 : vector<128x128xf32> to vector<128x128xbf16>
    %dot_general3A_58 = arith.constant dense<0.000000e+00> : vector<4096x128xf32>
    %dot_general3A_59 = tpu.matmul %convert_element_type3A_53, %convert_element_type3A_57, %dot_general3A_58 {dimension_numbers = #tpu.dot_dimension_numbers<[1], [0], [0], [1], [0, 0, 1, 1], [], []>, transpose_lhs_hint = false} : vector<4096x128xbf16>, vector<128x128xbf16>, vector<4096x128xf32> -> vector<4096x128xf32>
    %get3A_60 = arith.constant 0 : index
    %get3A_61 = arith.constant 0 : index
    %get3A_62 = vector.load %arg9[%get3A_60, %get3A_61] : memref<1x128xf32, #tpu.memory_space<vmem>>, vector<1x128xf32>
    %add3A_63 = vector.broadcast %get3A_62 : vector<1x128xf32> to vector<4096x128xf32>
    %add3A_64 = arith.addf %dot_general3A_59, %add3A_63 : vector<4096x128xf32>
    %max3A_65 = arith.constant 0.000000e+00 : f32
    %max3A_66 = vector.broadcast %max3A_65 : f32 to vector<4096x128xf32>
    %max3A_67 = arith.maximumf %add3A_64, %max3A_66 : vector<4096x128xf32>
    %convert_element_type3A_68 = arith.truncf %max3A_67 : vector<4096x128xf32> to vector<4096x128xbf16>
    %get3A_69 = arith.constant 0 : index
    %get3A_70 = arith.constant 0 : index
    %get3A_71 = vector.load %arg10[%get3A_69, %get3A_70] : memref<128x128xf32, #tpu.memory_space<vmem>>, vector<128x128xf32>
    %convert_element_type3A_72 = arith.truncf %get3A_71 : vector<128x128xf32> to vector<128x128xbf16>
    %dot_general3A_73 = arith.constant dense<0.000000e+00> : vector<4096x128xf32>
    %dot_general3A_74 = tpu.matmul %convert_element_type3A_68, %convert_element_type3A_72, %dot_general3A_73 {dimension_numbers = #tpu.dot_dimension_numbers<[1], [0], [0], [1], [0, 0, 1, 1], [], []>, transpose_lhs_hint = false} : vector<4096x128xbf16>, vector<128x128xbf16>, vector<4096x128xf32> -> vector<4096x128xf32>
    %get3A_75 = arith.constant 0 : index
    %get3A_76 = arith.constant 0 : index
    %get3A_77 = vector.load %arg11[%get3A_75, %get3A_76] : memref<1x128xf32, #tpu.memory_space<vmem>>, vector<1x128xf32>
    %add3A_78 = vector.broadcast %get3A_77 : vector<1x128xf32> to vector<4096x128xf32>
    %add3A_79 = arith.addf %dot_general3A_74, %add3A_78 : vector<4096x128xf32>
    %max3A_80 = arith.constant 0.000000e+00 : f32
    %max3A_81 = vector.broadcast %max3A_80 : f32 to vector<4096x128xf32>
    %max3A_82 = arith.maximumf %add3A_79, %max3A_81 : vector<4096x128xf32>
    %convert_element_type3A_83 = arith.truncf %max3A_82 : vector<4096x128xf32> to vector<4096x128xbf16>
    %get3A_84 = arith.constant 0 : index
    %get3A_85 = arith.constant 0 : index
    %get3A_86 = vector.load %arg12[%get3A_84, %get3A_85] : memref<128x128xf32, #tpu.memory_space<vmem>>, vector<128x128xf32>
    %convert_element_type3A_87 = arith.truncf %get3A_86 : vector<128x128xf32> to vector<128x128xbf16>
    %dot_general3A_88 = arith.constant dense<0.000000e+00> : vector<4096x128xf32>
    %dot_general3A_89 = tpu.matmul %convert_element_type3A_83, %convert_element_type3A_87, %dot_general3A_88 {dimension_numbers = #tpu.dot_dimension_numbers<[1], [0], [0], [1], [0, 0, 1, 1], [], []>, transpose_lhs_hint = false} : vector<4096x128xbf16>, vector<128x128xbf16>, vector<4096x128xf32> -> vector<4096x128xf32>
    %get3A_90 = arith.constant 0 : index
    %get3A_91 = arith.constant 0 : index
    %get3A_92 = vector.load %arg13[%get3A_90, %get3A_91] : memref<1x128xf32, #tpu.memory_space<vmem>>, vector<1x128xf32>
    %add3A_93 = vector.broadcast %get3A_92 : vector<1x128xf32> to vector<4096x128xf32>
    %add3A_94 = arith.addf %dot_general3A_89, %add3A_93 : vector<4096x128xf32>
    %swap3A = arith.constant 0 : index
    %swap3A_95 = arith.constant 0 : index
    %swap3A_96 = vector.load %arg16[%swap3A, %swap3A_95] : memref<4096x128xf32, #tpu.memory_space<vmem>>, vector<4096x128xf32>
    tpu.vector_store %arg16[%swap3A, %swap3A_95], %add3A_94 {strides = array<i32>} : memref<4096x128xf32, #tpu.memory_space<vmem>>, vector<4096x128xf32>,
    return
  }
  func.func @transform_0(%arg0: i32) -> (i32, i32) {
    %c0_i32 = arith.constant 0 : i32
    %c0_i32_0 = arith.constant 0 : i32
    return %arg0, %c0_i32 : i32, i32
  }
  func.func @transform_1(%arg0: i32) -> (i32, i32) {
    %c0_i32 = arith.constant 0 : i32
    %c0_i32_0 = arith.constant 0 : i32
    return %arg0, %c0_i32 : i32, i32
  }
  func.func @transform_2(%arg0: i32) -> (i32, i32) {
    %c0_i32 = arith.constant 0 : i32
    %c0_i32_0 = arith.constant 0 : i32
    %c0_i32_1 = arith.constant 0 : i32
    return %c0_i32, %c0_i32_0 : i32, i32
  }
  func.func @transform_3(%arg0: i32) -> (i32, i32) {
    %c0_i32 = arith.constant 0 : i32
    %c0_i32_0 = arith.constant 0 : i32
    %c0_i32_1 = arith.constant 0 : i32
    return %c0_i32, %c0_i32_0 : i32, i32
  }
  func.func @transform_4(%arg0: i32) -> (i32, i32) {
    %c0_i32 = arith.constant 0 : i32
    %c0_i32_0 = arith.constant 0 : i32
    %c0_i32_1 = arith.constant 0 : i32
    return %c0_i32, %c0_i32_0 : i32, i32
  }
  func.func @transform_5(%arg0: i32) -> (i32, i32) {
    %c0_i32 = arith.constant 0 : i32
    %c0_i32_0 = arith.constant 0 : i32
    %c0_i32_1 = arith.constant 0 : i32
    return %c0_i32, %c0_i32_0 : i32, i32
  }
  func.func @transform_6(%arg0: i32) -> (i32, i32) {
    %c0_i32 = arith.constant 0 : i32
    %c0_i32_0 = arith.constant 0 : i32
    %c0_i32_1 = arith.constant 0 : i32
    return %c0_i32, %c0_i32_0 : i32, i32
  }
  func.func @transform_7(%arg0: i32) -> (i32, i32) {
    %c0_i32 = arith.constant 0 : i32
    %c0_i32_0 = arith.constant 0 : i32
    %c0_i32_1 = arith.constant 0 : i32
    return %c0_i32, %c0_i32_0 : i32, i32
  }
  func.func @transform_8(%arg0: i32) -> (i32, i32) {
    %c0_i32 = arith.constant 0 : i32
    %c0_i32_0 = arith.constant 0 : i32
    %c0_i32_1 = arith.constant 0 : i32
    return %c0_i32, %c0_i32_0 : i32, i32
  }
  func.func @transform_9(%arg0: i32) -> (i32, i32) {
    %c0_i32 = arith.constant 0 : i32
    %c0_i32_0 = arith.constant 0 : i32
    %c0_i32_1 = arith.constant 0 : i32
    return %c0_i32, %c0_i32_0 : i32, i32
  }
  func.func @transform_10(%arg0: i32) -> (i32, i32) {
    %c0_i32 = arith.constant 0 : i32
    %c0_i32_0 = arith.constant 0 : i32
    %c0_i32_1 = arith.constant 0 : i32
    return %c0_i32, %c0_i32_0 : i32, i32
  }
  func.func @transform_11(%arg0: i32) -> (i32, i32) {
    %c0_i32 = arith.constant 0 : i32
    %c0_i32_0 = arith.constant 0 : i32
    %c0_i32_1 = arith.constant 0 : i32
    return %c0_i32, %c0_i32_0 : i32, i32
  }
  func.func @transform_12(%arg0: i32) -> (i32, i32) {
    %c0_i32 = arith.constant 0 : i32
    %c0_i32_0 = arith.constant 0 : i32
    %c0_i32_1 = arith.constant 0 : i32
    return %c0_i32, %c0_i32_0 : i32, i32
  }
  func.func @transform_13(%arg0: i32) -> (i32, i32) {
    %c0_i32 = arith.constant 0 : i32
    %c0_i32_0 = arith.constant 0 : i32
    %c0_i32_1 = arith.constant 0 : i32
    return %c0_i32, %c0_i32_0 : i32, i32
  }
  func.func @transform_14(%arg0: i32) -> (i32, i32) {
    %c0_i32 = arith.constant 0 : i32
    %c0_i32_0 = arith.constant 0 : i32
    %c0_i32_1 = arith.constant 0 : i32
    return %c0_i32, %c0_i32_0 : i32, i32
  }
  func.func @transform_15(%arg0: i32) -> (i32, i32) {
    %c0_i32 = arith.constant 0 : i32
    %c0_i32_0 = arith.constant 0 : i32
    return %arg0, %c0_i32 : i32, i32
  }
}

module attributes {stable_mosaic.version = 14 : i64} {
  func.func @_edge_body(%arg0: i32, %arg1: memref<4096x128xf32, #tpu.memory_space<vmem>>, %arg2: memref<16x128xf32, #tpu.memory_space<vmem>>, %arg3: memref<256x128xf32, #tpu.memory_space<vmem>>, %arg4: memref<1x128xf32, #tpu.memory_space<vmem>>, %arg5: memref<256x128xf32, #tpu.memory_space<vmem>>, %arg6: memref<256x128xf32, #tpu.memory_space<vmem>>, %arg7: memref<1x128xf32, #tpu.memory_space<vmem>>, %arg8: memref<128x128xf32, #tpu.memory_space<vmem>>, %arg9: memref<1x128xf32, #tpu.memory_space<vmem>>, %arg10: memref<128x128xf32, #tpu.memory_space<vmem>>, %arg11: memref<1x128xf32, #tpu.memory_space<vmem>>, %arg12: memref<128x128xf32, #tpu.memory_space<vmem>>, %arg13: memref<1x128xf32, #tpu.memory_space<vmem>>, %arg14: memref<4096x128xf32, #tpu.memory_space<vmem>>) attributes {dimension_semantics = [#tpu.dimension_semantics<arbitrary>], iteration_bounds = array<i64: 16>, scalar_prefetch = 0 : i64, scratch_operands = 0 : i64, tpu.core_type = #tpu.core_type<tc>, window_params = [{transform_indices = @transform_0, window_bounds = array<i64: 4096, 128>}, {transform_indices = @transform_1, window_bounds = array<i64: 16, 128>}, {pipeline_mode = #tpu.pipeline_mode<synchronous>, transform_indices = @transform_2, window_bounds = array<i64: 256, 128>}, {pipeline_mode = #tpu.pipeline_mode<synchronous>, transform_indices = @transform_3, window_bounds = array<i64: 1, 128>}, {pipeline_mode = #tpu.pipeline_mode<synchronous>, transform_indices = @transform_4, window_bounds = array<i64: 256, 128>}, {pipeline_mode = #tpu.pipeline_mode<synchronous>, transform_indices = @transform_5, window_bounds = array<i64: 256, 128>}, {pipeline_mode = #tpu.pipeline_mode<synchronous>, transform_indices = @transform_6, window_bounds = array<i64: 1, 128>}, {pipeline_mode = #tpu.pipeline_mode<synchronous>, transform_indices = @transform_7, window_bounds = array<i64: 128, 128>}, {pipeline_mode = #tpu.pipeline_mode<synchronous>, transform_indices = @transform_8, window_bounds = array<i64: 1, 128>}, {pipeline_mode = #tpu.pipeline_mode<synchronous>, transform_indices = @transform_9, window_bounds = array<i64: 128, 128>}, {pipeline_mode = #tpu.pipeline_mode<synchronous>, transform_indices = @transform_10, window_bounds = array<i64: 1, 128>}, {pipeline_mode = #tpu.pipeline_mode<synchronous>, transform_indices = @transform_11, window_bounds = array<i64: 128, 128>}, {pipeline_mode = #tpu.pipeline_mode<synchronous>, transform_indices = @transform_12, window_bounds = array<i64: 1, 128>}, {transform_indices = @transform_13, window_bounds = array<i64: 4096, 128>}]} {
    %get3A = arith.constant 0 : index
    %get3A_0 = arith.constant 0 : index
    %get3A_1 = vector.load %arg1[%get3A, %get3A_0] : memref<4096x128xf32, #tpu.memory_space<vmem>>, vector<4096x128xf32>
    %convert_element_type3A = arith.truncf %get3A_1 : vector<4096x128xf32> to vector<4096x128xbf16>
    %get3A_2 = arith.constant 0 : index
    %get3A_3 = arith.constant 0 : index
    %get3A_4 = vector.load %arg2[%get3A_2, %get3A_3] : memref<16x128xf32, #tpu.memory_space<vmem>>, vector<16x128xf32>
    %convert_element_type3A_5 = arith.truncf %get3A_4 : vector<16x128xf32> to vector<16x128xbf16>
    %get3A_6 = arith.constant 0 : index
    %get3A_7 = arith.constant 0 : index
    %get3A_8 = vector.load %arg3[%get3A_6, %get3A_7] : memref<256x128xf32, #tpu.memory_space<vmem>>, vector<256x128xf32>
    %convert_element_type3A_9 = arith.truncf %get3A_8 : vector<256x128xf32> to vector<256x128xbf16>
    %get3A_10 = arith.constant 0 : index
    %get3A_11 = arith.constant 0 : index
    %get3A_12 = vector.load %arg4[%get3A_10, %get3A_11] : memref<1x128xf32, #tpu.memory_space<vmem>>, vector<1x128xf32>
    %convert_element_type3A_13 = arith.truncf %get3A_12 : vector<1x128xf32> to vector<1x128xbf16>
    %broadcast_in_dim3A = vector.shape_cast %convert_element_type3A_5 : vector<16x128xbf16> to vector<16x1x128xbf16>
    %broadcast_in_dim3A_14 = vector.shape_cast %broadcast_in_dim3A : vector<16x1x128xbf16> to vector<16x1x128xbf16>
    %broadcast_in_dim3A_15 = vector.broadcast %broadcast_in_dim3A_14 : vector<16x1x128xbf16> to vector<16x256x128xbf16>
    %reshape3A = vector.shape_cast %broadcast_in_dim3A_15 : vector<16x256x128xbf16> to vector<4096x128xbf16>
    %broadcast_in_dim3A_16 = vector.shape_cast %convert_element_type3A_9 : vector<256x128xbf16> to vector<1x256x128xbf16>
    %broadcast_in_dim3A_17 = vector.shape_cast %broadcast_in_dim3A_16 : vector<1x256x128xbf16> to vector<1x256x128xbf16>
    %broadcast_in_dim3A_18 = vector.broadcast %broadcast_in_dim3A_17 : vector<1x256x128xbf16> to vector<16x256x128xbf16>
    %reshape3A_19 = vector.shape_cast %broadcast_in_dim3A_18 : vector<16x256x128xbf16> to vector<4096x128xbf16>
    %broadcast_in_dim3A_20 = vector.shape_cast %convert_element_type3A_13 : vector<1x128xbf16> to vector<1x128xbf16>
    %broadcast_in_dim3A_21 = vector.broadcast %broadcast_in_dim3A_20 : vector<1x128xbf16> to vector<4096x128xbf16>
    %concatenate3A = tpu.concatenate %convert_element_type3A, %reshape3A in 1 : vector<4096x128xbf16>, vector<4096x128xbf16> -> vector<4096x256xbf16>
    %concatenate3A_22 = tpu.concatenate %reshape3A_19, %broadcast_in_dim3A_21 in 1 : vector<4096x128xbf16>, vector<4096x128xbf16> -> vector<4096x256xbf16>
    %get3A_23 = arith.constant 0 : index
    %get3A_24 = arith.constant 0 : index
    %get3A_25 = vector.load %arg5[%get3A_23, %get3A_24] : memref<256x128xf32, #tpu.memory_space<vmem>>, vector<256x128xf32>
    %convert_element_type3A_26 = arith.truncf %get3A_25 : vector<256x128xf32> to vector<256x128xbf16>
    %dot_general3A = arith.constant dense<0.000000e+00> : vector<4096x128xf32>
    %dot_general3A_27 = tpu.matmul %concatenate3A, %convert_element_type3A_26, %dot_general3A {dimension_numbers = #tpu.dot_dimension_numbers<[1], [0], [0], [1], [0, 0, 1, 1], [], []>, transpose_lhs_hint = false} : vector<4096x256xbf16>, vector<256x128xbf16>, vector<4096x128xf32> -> vector<4096x128xf32>
    %get3A_28 = arith.constant 0 : index
    %get3A_29 = arith.constant 0 : index
    %get3A_30 = vector.load %arg6[%get3A_28, %get3A_29] : memref<256x128xf32, #tpu.memory_space<vmem>>, vector<256x128xf32>
    %convert_element_type3A_31 = arith.truncf %get3A_30 : vector<256x128xf32> to vector<256x128xbf16>
    %dot_general3A_32 = arith.constant dense<0.000000e+00> : vector<4096x128xf32>
    %dot_general3A_33 = tpu.matmul %concatenate3A_22, %convert_element_type3A_31, %dot_general3A_32 {dimension_numbers = #tpu.dot_dimension_numbers<[1], [0], [0], [1], [0, 0, 1, 1], [], []>, transpose_lhs_hint = false} : vector<4096x256xbf16>, vector<256x128xbf16>, vector<4096x128xf32> -> vector<4096x128xf32>
    %add3A = arith.addf %dot_general3A_27, %dot_general3A_33 : vector<4096x128xf32>
    %get3A_34 = arith.constant 0 : index
    %get3A_35 = arith.constant 0 : index
    %get3A_36 = vector.load %arg7[%get3A_34, %get3A_35] : memref<1x128xf32, #tpu.memory_space<vmem>>, vector<1x128xf32>
    %add3A_37 = vector.broadcast %get3A_36 : vector<1x128xf32> to vector<4096x128xf32>
    %add3A_38 = arith.addf %add3A, %add3A_37 : vector<4096x128xf32>
    %max3A = arith.constant 0.000000e+00 : f32
    %max3A_39 = vector.broadcast %max3A : f32 to vector<4096x128xf32>
    %max3A_40 = arith.maximumf %add3A_38, %max3A_39 : vector<4096x128xf32>
    %convert_element_type3A_41 = arith.truncf %max3A_40 : vector<4096x128xf32> to vector<4096x128xbf16>
    %get3A_42 = arith.constant 0 : index
    %get3A_43 = arith.constant 0 : index
    %get3A_44 = vector.load %arg8[%get3A_42, %get3A_43] : memref<128x128xf32, #tpu.memory_space<vmem>>, vector<128x128xf32>
    %convert_element_type3A_45 = arith.truncf %get3A_44 : vector<128x128xf32> to vector<128x128xbf16>
    %dot_general3A_46 = arith.constant dense<0.000000e+00> : vector<4096x128xf32>
    %dot_general3A_47 = tpu.matmul %convert_element_type3A_41, %convert_element_type3A_45, %dot_general3A_46 {dimension_numbers = #tpu.dot_dimension_numbers<[1], [0], [0], [1], [0, 0, 1, 1], [], []>, transpose_lhs_hint = false} : vector<4096x128xbf16>, vector<128x128xbf16>, vector<4096x128xf32> -> vector<4096x128xf32>
    %get3A_48 = arith.constant 0 : index
    %get3A_49 = arith.constant 0 : index
    %get3A_50 = vector.load %arg9[%get3A_48, %get3A_49] : memref<1x128xf32, #tpu.memory_space<vmem>>, vector<1x128xf32>
    %add3A_51 = vector.broadcast %get3A_50 : vector<1x128xf32> to vector<4096x128xf32>
    %add3A_52 = arith.addf %dot_general3A_47, %add3A_51 : vector<4096x128xf32>
    %max3A_53 = arith.constant 0.000000e+00 : f32
    %max3A_54 = vector.broadcast %max3A_53 : f32 to vector<4096x128xf32>
    %max3A_55 = arith.maximumf %add3A_52, %max3A_54 : vector<4096x128xf32>
    %convert_element_type3A_56 = arith.truncf %max3A_55 : vector<4096x128xf32> to vector<4096x128xbf16>
    %get3A_57 = arith.constant 0 : index
    %get3A_58 = arith.constant 0 : index
    %get3A_59 = vector.load %arg10[%get3A_57, %get3A_58] : memref<128x128xf32, #tpu.memory_space<vmem>>, vector<128x128xf32>
    %convert_element_type3A_60 = arith.truncf %get3A_59 : vector<128x128xf32> to vector<128x128xbf16>
    %dot_general3A_61 = arith.constant dense<0.000000e+00> : vector<4096x128xf32>
    %dot_general3A_62 = tpu.matmul %convert_element_type3A_56, %convert_element_type3A_60, %dot_general3A_61 {dimension_numbers = #tpu.dot_dimension_numbers<[1], [0], [0], [1], [0, 0, 1, 1], [], []>, transpose_lhs_hint = false} : vector<4096x128xbf16>, vector<128x128xbf16>, vector<4096x128xf32> -> vector<4096x128xf32>
    %get3A_63 = arith.constant 0 : index
    %get3A_64 = arith.constant 0 : index
    %get3A_65 = vector.load %arg11[%get3A_63, %get3A_64] : memref<1x128xf32, #tpu.memory_space<vmem>>, vector<1x128xf32>
    %add3A_66 = vector.broadcast %get3A_65 : vector<1x128xf32> to vector<4096x128xf32>
    %add3A_67 = arith.addf %dot_general3A_62, %add3A_66 : vector<4096x128xf32>
    %max3A_68 = arith.constant 0.000000e+00 : f32
    %max3A_69 = vector.broadcast %max3A_68 : f32 to vector<4096x128xf32>
    %max3A_70 = arith.maximumf %add3A_67, %max3A_69 : vector<4096x128xf32>
    %convert_element_type3A_71 = arith.truncf %max3A_70 : vector<4096x128xf32> to vector<4096x128xbf16>
    %get3A_72 = arith.constant 0 : index
    %get3A_73 = arith.constant 0 : index
    %get3A_74 = vector.load %arg12[%get3A_72, %get3A_73] : memref<128x128xf32, #tpu.memory_space<vmem>>, vector<128x128xf32>
    %convert_element_type3A_75 = arith.truncf %get3A_74 : vector<128x128xf32> to vector<128x128xbf16>
    %dot_general3A_76 = arith.constant dense<0.000000e+00> : vector<4096x128xf32>
    %dot_general3A_77 = tpu.matmul %convert_element_type3A_71, %convert_element_type3A_75, %dot_general3A_76 {dimension_numbers = #tpu.dot_dimension_numbers<[1], [0], [0], [1], [0, 0, 1, 1], [], []>, transpose_lhs_hint = false} : vector<4096x128xbf16>, vector<128x128xbf16>, vector<4096x128xf32> -> vector<4096x128xf32>
    %get3A_78 = arith.constant 0 : index
    %get3A_79 = arith.constant 0 : index
    %get3A_80 = vector.load %arg13[%get3A_78, %get3A_79] : memref<1x128xf32, #tpu.memory_space<vmem>>, vector<1x128xf32>
    %add3A_81 = vector.broadcast %get3A_80 : vector<1x128xf32> to vector<4096x128xf32>
    %add3A_82 = arith.addf %dot_general3A_77, %add3A_81 : vector<4096x128xf32>
    %swap3A = arith.constant 0 : index
    %swap3A_83 = arith.constant 0 : index
    %swap3A_84 = vector.load %arg14[%swap3A, %swap3A_83] : memref<4096x128xf32, #tpu.memory_space<vmem>>, vector<4096x128xf32>
    tpu.vector_store %arg14[%swap3A, %swap3A_83], %add3A_82 {strides = array<i32>} : memref<4096x128xf32, #tpu.memory_space<vmem>>, vector<4096x128xf32>,
    return
  }
  func.func @transform_0(%arg0: i32) -> (i32, i32) {
    %c0_i32 = arith.constant 0 : i32
    %c0_i32_0 = arith.constant 0 : i32
    return %arg0, %c0_i32 : i32, i32
  }
  func.func @transform_1(%arg0: i32) -> (i32, i32) {
    %c0_i32 = arith.constant 0 : i32
    %c0_i32_0 = arith.constant 0 : i32
    return %arg0, %c0_i32 : i32, i32
  }
  func.func @transform_2(%arg0: i32) -> (i32, i32) {
    %c0_i32 = arith.constant 0 : i32
    %c0_i32_0 = arith.constant 0 : i32
    %c0_i32_1 = arith.constant 0 : i32
    return %c0_i32, %c0_i32_0 : i32, i32
  }
  func.func @transform_3(%arg0: i32) -> (i32, i32) {
    %c0_i32 = arith.constant 0 : i32
    %c0_i32_0 = arith.constant 0 : i32
    %c0_i32_1 = arith.constant 0 : i32
    return %c0_i32, %c0_i32_0 : i32, i32
  }
  func.func @transform_4(%arg0: i32) -> (i32, i32) {
    %c0_i32 = arith.constant 0 : i32
    %c0_i32_0 = arith.constant 0 : i32
    %c0_i32_1 = arith.constant 0 : i32
    return %c0_i32, %c0_i32_0 : i32, i32
  }
  func.func @transform_5(%arg0: i32) -> (i32, i32) {
    %c0_i32 = arith.constant 0 : i32
    %c0_i32_0 = arith.constant 0 : i32
    %c0_i32_1 = arith.constant 0 : i32
    return %c0_i32, %c0_i32_0 : i32, i32
  }
  func.func @transform_6(%arg0: i32) -> (i32, i32) {
    %c0_i32 = arith.constant 0 : i32
    %c0_i32_0 = arith.constant 0 : i32
    %c0_i32_1 = arith.constant 0 : i32
    return %c0_i32, %c0_i32_0 : i32, i32
  }
  func.func @transform_7(%arg0: i32) -> (i32, i32) {
    %c0_i32 = arith.constant 0 : i32
    %c0_i32_0 = arith.constant 0 : i32
    %c0_i32_1 = arith.constant 0 : i32
    return %c0_i32, %c0_i32_0 : i32, i32
  }
  func.func @transform_8(%arg0: i32) -> (i32, i32) {
    %c0_i32 = arith.constant 0 : i32
    %c0_i32_0 = arith.constant 0 : i32
    %c0_i32_1 = arith.constant 0 : i32
    return %c0_i32, %c0_i32_0 : i32, i32
  }
  func.func @transform_9(%arg0: i32) -> (i32, i32) {
    %c0_i32 = arith.constant 0 : i32
    %c0_i32_0 = arith.constant 0 : i32
    %c0_i32_1 = arith.constant 0 : i32
    return %c0_i32, %c0_i32_0 : i32, i32
  }
  func.func @transform_10(%arg0: i32) -> (i32, i32) {
    %c0_i32 = arith.constant 0 : i32
    %c0_i32_0 = arith.constant 0 : i32
    %c0_i32_1 = arith.constant 0 : i32
    return %c0_i32, %c0_i32_0 : i32, i32
  }
  func.func @transform_11(%arg0: i32) -> (i32, i32) {
    %c0_i32 = arith.constant 0 : i32
    %c0_i32_0 = arith.constant 0 : i32
    %c0_i32_1 = arith.constant 0 : i32
    return %c0_i32, %c0_i32_0 : i32, i32
  }
  func.func @transform_12(%arg0: i32) -> (i32, i32) {
    %c0_i32 = arith.constant 0 : i32
    %c0_i32_0 = arith.constant 0 : i32
    %c0_i32_1 = arith.constant 0 : i32
    return %c0_i32, %c0_i32_0 : i32, i32
  }
  func.func @transform_13(%arg0: i32) -> (i32, i32) {
    %c0_i32 = arith.constant 0 : i32
    %c0_i32_0 = arith.constant 0 : i32
    return %arg0, %c0_i32 : i32, i32
  }
}

module attributes {stable_mosaic.version = 14 : i64} {
  func.func @_node_body(%arg0: memref<256x128xf32, #tpu.memory_space<vmem>>, %arg1: memref<256x128xf32, #tpu.memory_space<vmem>>, %arg2: memref<1x128xf32, #tpu.memory_space<vmem>>, %arg3: memref<256x128xf32, #tpu.memory_space<vmem>>, %arg4: memref<128x128xf32, #tpu.memory_space<vmem>>, %arg5: memref<1x128xf32, #tpu.memory_space<vmem>>, %arg6: memref<128x128xf32, #tpu.memory_space<vmem>>, %arg7: memref<1x128xf32, #tpu.memory_space<vmem>>, %arg8: memref<128x128xf32, #tpu.memory_space<vmem>>, %arg9: memref<1x128xf32, #tpu.memory_space<vmem>>, %arg10: memref<128x128xf32, #tpu.memory_space<vmem>>, %arg11: memref<1x128xf32, #tpu.memory_space<vmem>>, %arg12: memref<256x128xf32, #tpu.memory_space<vmem>>, %arg13: memref<128x128xf32, #tpu.memory_space<vmem>>, %arg14: memref<1x128xf32, #tpu.memory_space<vmem>>, %arg15: memref<128x128xf32, #tpu.memory_space<vmem>>, %arg16: memref<1x128xf32, #tpu.memory_space<vmem>>, %arg17: memref<128x128xf32, #tpu.memory_space<vmem>>, %arg18: memref<1x128xf32, #tpu.memory_space<vmem>>, %arg19: memref<128x16xf32, #tpu.memory_space<vmem>>, %arg20: memref<1x16xf32, #tpu.memory_space<vmem>>, %arg21: memref<256x128xf32, #tpu.memory_space<vmem>>, %arg22: memref<1x16xf32, #tpu.memory_space<vmem>>) attributes {dimension_semantics = [], scalar_prefetch = 0 : i64, scratch_operands = 0 : i64, tpu.core_type = #tpu.core_type<tc>} {
    %get3A = arith.constant 0 : index
    %get3A_0 = arith.constant 0 : index
    %get3A_1 = vector.load %arg0[%get3A, %get3A_0] : memref<256x128xf32, #tpu.memory_space<vmem>>, vector<256x128xf32>
    %get3A_2 = arith.constant 0 : index
    %get3A_3 = arith.constant 0 : index
    %get3A_4 = vector.load %arg2[%get3A_2, %get3A_3] : memref<1x128xf32, #tpu.memory_space<vmem>>, vector<1x128xf32>
    %convert_element_type3A = arith.truncf %get3A_4 : vector<1x128xf32> to vector<1x128xbf16>
    %broadcast_in_dim3A = vector.shape_cast %convert_element_type3A : vector<1x128xbf16> to vector<1x128xbf16>
    %broadcast_in_dim3A_5 = vector.broadcast %broadcast_in_dim3A : vector<1x128xbf16> to vector<256x128xbf16>
    %convert_element_type3A_6 = arith.truncf %get3A_1 : vector<256x128xf32> to vector<256x128xbf16>
    %get3A_7 = arith.constant 0 : index
    %get3A_8 = arith.constant 0 : index
    %get3A_9 = vector.load %arg1[%get3A_7, %get3A_8] : memref<256x128xf32, #tpu.memory_space<vmem>>, vector<256x128xf32>
    %convert_element_type3A_10 = arith.truncf %get3A_9 : vector<256x128xf32> to vector<256x128xbf16>
    %concatenate3A = tpu.concatenate %convert_element_type3A_6, %convert_element_type3A_10 in 1 : vector<256x128xbf16>, vector<256x128xbf16> -> vector<256x256xbf16>
    %get3A_11 = arith.constant 0 : index
    %get3A_12 = arith.constant 0 : index
    %get3A_13 = vector.load %arg3[%get3A_11, %get3A_12] : memref<256x128xf32, #tpu.memory_space<vmem>>, vector<256x128xf32>
    %convert_element_type3A_14 = arith.truncf %get3A_13 : vector<256x128xf32> to vector<256x128xbf16>
    %dot_general3A = arith.constant dense<0.000000e+00> : vector<256x128xf32>
    %dot_general3A_15 = tpu.matmul %concatenate3A, %convert_element_type3A_14, %dot_general3A {dimension_numbers = #tpu.dot_dimension_numbers<[1], [0], [0], [1], [0, 0, 1, 1], [], []>, transpose_lhs_hint = false} : vector<256x256xbf16>, vector<256x128xbf16>, vector<256x128xf32> -> vector<256x128xf32>
    %get3A_16 = arith.constant 0 : index
    %get3A_17 = arith.constant 0 : index
    %get3A_18 = vector.load %arg4[%get3A_16, %get3A_17] : memref<128x128xf32, #tpu.memory_space<vmem>>, vector<128x128xf32>
    %convert_element_type3A_19 = arith.truncf %get3A_18 : vector<128x128xf32> to vector<128x128xbf16>
    %dot_general3A_20 = arith.constant dense<0.000000e+00> : vector<256x128xf32>
    %dot_general3A_21 = tpu.matmul %broadcast_in_dim3A_5, %convert_element_type3A_19, %dot_general3A_20 {dimension_numbers = #tpu.dot_dimension_numbers<[1], [0], [0], [1], [0, 0, 1, 1], [], []>, transpose_lhs_hint = false} : vector<256x128xbf16>, vector<128x128xbf16>, vector<256x128xf32> -> vector<256x128xf32>
    %add3A = arith.addf %dot_general3A_15, %dot_general3A_21 : vector<256x128xf32>
    %get3A_22 = arith.constant 0 : index
    %get3A_23 = arith.constant 0 : index
    %get3A_24 = vector.load %arg5[%get3A_22, %get3A_23] : memref<1x128xf32, #tpu.memory_space<vmem>>, vector<1x128xf32>
    %add3A_25 = vector.broadcast %get3A_24 : vector<1x128xf32> to vector<256x128xf32>
    %add3A_26 = arith.addf %add3A, %add3A_25 : vector<256x128xf32>
    %max3A = arith.constant 0.000000e+00 : f32
    %max3A_27 = vector.broadcast %max3A : f32 to vector<256x128xf32>
    %max3A_28 = arith.maximumf %add3A_26, %max3A_27 : vector<256x128xf32>
    %convert_element_type3A_29 = arith.truncf %max3A_28 : vector<256x128xf32> to vector<256x128xbf16>
    %get3A_30 = arith.constant 0 : index
    %get3A_31 = arith.constant 0 : index
    %get3A_32 = vector.load %arg6[%get3A_30, %get3A_31] : memref<128x128xf32, #tpu.memory_space<vmem>>, vector<128x128xf32>
    %convert_element_type3A_33 = arith.truncf %get3A_32 : vector<128x128xf32> to vector<128x128xbf16>
    %dot_general3A_34 = arith.constant dense<0.000000e+00> : vector<256x128xf32>
    %dot_general3A_35 = tpu.matmul %convert_element_type3A_29, %convert_element_type3A_33, %dot_general3A_34 {dimension_numbers = #tpu.dot_dimension_numbers<[1], [0], [0], [1], [0, 0, 1, 1], [], []>, transpose_lhs_hint = false} : vector<256x128xbf16>, vector<128x128xbf16>, vector<256x128xf32> -> vector<256x128xf32>
    %get3A_36 = arith.constant 0 : index
    %get3A_37 = arith.constant 0 : index
    %get3A_38 = vector.load %arg7[%get3A_36, %get3A_37] : memref<1x128xf32, #tpu.memory_space<vmem>>, vector<1x128xf32>
    %add3A_39 = vector.broadcast %get3A_38 : vector<1x128xf32> to vector<256x128xf32>
    %add3A_40 = arith.addf %dot_general3A_35, %add3A_39 : vector<256x128xf32>
    %max3A_41 = arith.constant 0.000000e+00 : f32
    %max3A_42 = vector.broadcast %max3A_41 : f32 to vector<256x128xf32>
    %max3A_43 = arith.maximumf %add3A_40, %max3A_42 : vector<256x128xf32>
    %convert_element_type3A_44 = arith.truncf %max3A_43 : vector<256x128xf32> to vector<256x128xbf16>
    %get3A_45 = arith.constant 0 : index
    %get3A_46 = arith.constant 0 : index
    %get3A_47 = vector.load %arg8[%get3A_45, %get3A_46] : memref<128x128xf32, #tpu.memory_space<vmem>>, vector<128x128xf32>
    %convert_element_type3A_48 = arith.truncf %get3A_47 : vector<128x128xf32> to vector<128x128xbf16>
    %dot_general3A_49 = arith.constant dense<0.000000e+00> : vector<256x128xf32>
    %dot_general3A_50 = tpu.matmul %convert_element_type3A_44, %convert_element_type3A_48, %dot_general3A_49 {dimension_numbers = #tpu.dot_dimension_numbers<[1], [0], [0], [1], [0, 0, 1, 1], [], []>, transpose_lhs_hint = false} : vector<256x128xbf16>, vector<128x128xbf16>, vector<256x128xf32> -> vector<256x128xf32>
    %get3A_51 = arith.constant 0 : index
    %get3A_52 = arith.constant 0 : index
    %get3A_53 = vector.load %arg9[%get3A_51, %get3A_52] : memref<1x128xf32, #tpu.memory_space<vmem>>, vector<1x128xf32>
    %add3A_54 = vector.broadcast %get3A_53 : vector<1x128xf32> to vector<256x128xf32>
    %add3A_55 = arith.addf %dot_general3A_50, %add3A_54 : vector<256x128xf32>
    %max3A_56 = arith.constant 0.000000e+00 : f32
    %max3A_57 = vector.broadcast %max3A_56 : f32 to vector<256x128xf32>
    %max3A_58 = arith.maximumf %add3A_55, %max3A_57 : vector<256x128xf32>
    %convert_element_type3A_59 = arith.truncf %max3A_58 : vector<256x128xf32> to vector<256x128xbf16>
    %get3A_60 = arith.constant 0 : index
    %get3A_61 = arith.constant 0 : index
    %get3A_62 = vector.load %arg10[%get3A_60, %get3A_61] : memref<128x128xf32, #tpu.memory_space<vmem>>, vector<128x128xf32>
    %convert_element_type3A_63 = arith.truncf %get3A_62 : vector<128x128xf32> to vector<128x128xbf16>
    %dot_general3A_64 = arith.constant dense<0.000000e+00> : vector<256x128xf32>
    %dot_general3A_65 = tpu.matmul %convert_element_type3A_59, %convert_element_type3A_63, %dot_general3A_64 {dimension_numbers = #tpu.dot_dimension_numbers<[1], [0], [0], [1], [0, 0, 1, 1], [], []>, transpose_lhs_hint = false} : vector<256x128xbf16>, vector<128x128xbf16>, vector<256x128xf32> -> vector<256x128xf32>
    %get3A_66 = arith.constant 0 : index
    %get3A_67 = arith.constant 0 : index
    %get3A_68 = vector.load %arg11[%get3A_66, %get3A_67] : memref<1x128xf32, #tpu.memory_space<vmem>>, vector<1x128xf32>
    %add3A_69 = vector.broadcast %get3A_68 : vector<1x128xf32> to vector<256x128xf32>
    %add3A_70 = arith.addf %dot_general3A_65, %add3A_69 : vector<256x128xf32>
    %swap3A = arith.constant 0 : index
    %swap3A_71 = arith.constant 0 : index
    %swap3A_72 = vector.load %arg21[%swap3A, %swap3A_71] : memref<256x128xf32, #tpu.memory_space<vmem>>, vector<256x128xf32>
    tpu.vector_store %arg21[%swap3A, %swap3A_71], %add3A_70 {strides = array<i32>} : memref<256x128xf32, #tpu.memory_space<vmem>>, vector<256x128xf32>,
    %reduce_sum3A = arith.constant dense<0.000000e+00> : vector<128xf32>
    %reduce_sum3A_73 = vector.multi_reduction <add>, %get3A_1, %reduce_sum3A [0] : vector<256x128xf32> to vector<128xf32>
    %broadcast_in_dim3A_74 = vector.shape_cast %reduce_sum3A_73 : vector<128xf32> to vector<1x128xf32>
    %reduce_sum3A_75 = arith.constant dense<0.000000e+00> : vector<128xf32>
    %reduce_sum3A_76 = vector.multi_reduction <add>, %add3A_70, %reduce_sum3A_75 [0] : vector<256x128xf32> to vector<128xf32>
    %broadcast_in_dim3A_77 = vector.shape_cast %reduce_sum3A_76 : vector<128xf32> to vector<1x128xf32>
    %convert_element_type3A_78 = arith.truncf %broadcast_in_dim3A_74 : vector<1x128xf32> to vector<1x128xbf16>
    %convert_element_type3A_79 = arith.truncf %broadcast_in_dim3A_77 : vector<1x128xf32> to vector<1x128xbf16>
    %concatenate3A_80 = tpu.concatenate %convert_element_type3A_78, %convert_element_type3A_79 in 1 : vector<1x128xbf16>, vector<1x128xbf16> -> vector<1x256xbf16>
    %get3A_81 = arith.constant 0 : index
    %get3A_82 = arith.constant 0 : index
    %get3A_83 = vector.load %arg12[%get3A_81, %get3A_82] : memref<256x128xf32, #tpu.memory_space<vmem>>, vector<256x128xf32>
    %convert_element_type3A_84 = arith.truncf %get3A_83 : vector<256x128xf32> to vector<256x128xbf16>
    %dot_general3A_85 = arith.constant dense<0.000000e+00> : vector<1x128xf32>
    %dot_general3A_86 = tpu.matmul %concatenate3A_80, %convert_element_type3A_84, %dot_general3A_85 {dimension_numbers = #tpu.dot_dimension_numbers<[1], [0], [0], [1], [0, 0, 1, 1], [], []>, transpose_lhs_hint = false} : vector<1x256xbf16>, vector<256x128xbf16>, vector<1x128xf32> -> vector<1x128xf32>
    %get3A_87 = arith.constant 0 : index
    %get3A_88 = arith.constant 0 : index
    %get3A_89 = vector.load %arg13[%get3A_87, %get3A_88] : memref<128x128xf32, #tpu.memory_space<vmem>>, vector<128x128xf32>
    %convert_element_type3A_90 = arith.truncf %get3A_89 : vector<128x128xf32> to vector<128x128xbf16>
    %dot_general3A_91 = arith.constant dense<0.000000e+00> : vector<1x128xf32>
    %dot_general3A_92 = tpu.matmul %convert_element_type3A, %convert_element_type3A_90, %dot_general3A_91 {dimension_numbers = #tpu.dot_dimension_numbers<[1], [0], [0], [1], [0, 0, 1, 1], [], []>, transpose_lhs_hint = false} : vector<1x128xbf16>, vector<128x128xbf16>, vector<1x128xf32> -> vector<1x128xf32>
    %add3A_93 = arith.addf %dot_general3A_86, %dot_general3A_92 : vector<1x128xf32>
    %get3A_94 = arith.constant 0 : index
    %get3A_95 = arith.constant 0 : index
    %get3A_96 = vector.load %arg14[%get3A_94, %get3A_95] : memref<1x128xf32, #tpu.memory_space<vmem>>, vector<1x128xf32>
    %add3A_97 = arith.addf %add3A_93, %get3A_96 : vector<1x128xf32>
    %max3A_98 = arith.constant 0.000000e+00 : f32
    %max3A_99 = vector.broadcast %max3A_98 : f32 to vector<1x128xf32>
    %max3A_100 = arith.maximumf %add3A_97, %max3A_99 : vector<1x128xf32>
    %convert_element_type3A_101 = arith.truncf %max3A_100 : vector<1x128xf32> to vector<1x128xbf16>
    %get3A_102 = arith.constant 0 : index
    %get3A_103 = arith.constant 0 : index
    %get3A_104 = vector.load %arg15[%get3A_102, %get3A_103] : memref<128x128xf32, #tpu.memory_space<vmem>>, vector<128x128xf32>
    %convert_element_type3A_105 = arith.truncf %get3A_104 : vector<128x128xf32> to vector<128x128xbf16>
    %dot_general3A_106 = arith.constant dense<0.000000e+00> : vector<1x128xf32>
    %dot_general3A_107 = tpu.matmul %convert_element_type3A_101, %convert_element_type3A_105, %dot_general3A_106 {dimension_numbers = #tpu.dot_dimension_numbers<[1], [0], [0], [1], [0, 0, 1, 1], [], []>, transpose_lhs_hint = false} : vector<1x128xbf16>, vector<128x128xbf16>, vector<1x128xf32> -> vector<1x128xf32>
    %get3A_108 = arith.constant 0 : index
    %get3A_109 = arith.constant 0 : index
    %get3A_110 = vector.load %arg16[%get3A_108, %get3A_109] : memref<1x128xf32, #tpu.memory_space<vmem>>, vector<1x128xf32>
    %add3A_111 = arith.addf %dot_general3A_107, %get3A_110 : vector<1x128xf32>
    %max3A_112 = arith.constant 0.000000e+00 : f32
    %max3A_113 = vector.broadcast %max3A_112 : f32 to vector<1x128xf32>
    %max3A_114 = arith.maximumf %add3A_111, %max3A_113 : vector<1x128xf32>
    %convert_element_type3A_115 = arith.truncf %max3A_114 : vector<1x128xf32> to vector<1x128xbf16>
    %get3A_116 = arith.constant 0 : index
    %get3A_117 = arith.constant 0 : index
    %get3A_118 = vector.load %arg17[%get3A_116, %get3A_117] : memref<128x128xf32, #tpu.memory_space<vmem>>, vector<128x128xf32>
    %convert_element_type3A_119 = arith.truncf %get3A_118 : vector<128x128xf32> to vector<128x128xbf16>
    %dot_general3A_120 = arith.constant dense<0.000000e+00> : vector<1x128xf32>
    %dot_general3A_121 = tpu.matmul %convert_element_type3A_115, %convert_element_type3A_119, %dot_general3A_120 {dimension_numbers = #tpu.dot_dimension_numbers<[1], [0], [0], [1], [0, 0, 1, 1], [], []>, transpose_lhs_hint = false} : vector<1x128xbf16>, vector<128x128xbf16>, vector<1x128xf32> -> vector<1x128xf32>
    %get3A_122 = arith.constant 0 : index
    %get3A_123 = arith.constant 0 : index
    %get3A_124 = vector.load %arg18[%get3A_122, %get3A_123] : memref<1x128xf32, #tpu.memory_space<vmem>>, vector<1x128xf32>
    %add3A_125 = arith.addf %dot_general3A_121, %get3A_124 : vector<1x128xf32>
    %max3A_126 = arith.constant 0.000000e+00 : f32
    %max3A_127 = vector.broadcast %max3A_126 : f32 to vector<1x128xf32>
    %max3A_128 = arith.maximumf %add3A_125, %max3A_127 : vector<1x128xf32>
    %convert_element_type3A_129 = arith.truncf %max3A_128 : vector<1x128xf32> to vector<1x128xbf16>
    %get3A_130 = arith.constant 0 : index
    %get3A_131 = arith.constant 0 : index
    %get3A_132 = vector.load %arg19[%get3A_130, %get3A_131] : memref<128x16xf32, #tpu.memory_space<vmem>>, vector<128x16xf32>
    %convert_element_type3A_133 = arith.truncf %get3A_132 : vector<128x16xf32> to vector<128x16xbf16>
    %dot_general3A_134 = arith.constant dense<0.000000e+00> : vector<1x16xf32>
    %dot_general3A_135 = tpu.matmul %convert_element_type3A_129, %convert_element_type3A_133, %dot_general3A_134 {dimension_numbers = #tpu.dot_dimension_numbers<[1], [0], [0], [1], [0, 0, 1, 1], [], []>, transpose_lhs_hint = false} : vector<1x128xbf16>, vector<128x16xbf16>, vector<1x16xf32> -> vector<1x16xf32>
    %get3A_136 = arith.constant 0 : index
    %get3A_137 = arith.constant 0 : index
    %get3A_138 = vector.load %arg20[%get3A_136, %get3A_137] : memref<1x16xf32, #tpu.memory_space<vmem>>, vector<1x16xf32>
    %add3A_139 = arith.addf %dot_general3A_135, %get3A_138 : vector<1x16xf32>
    %swap3A_140 = arith.constant 0 : index
    %swap3A_141 = arith.constant 0 : index
    %swap3A_142 = vector.load %arg22[%swap3A_140, %swap3A_141] : memref<1x16xf32, #tpu.memory_space<vmem>>, vector<1x16xf32>
    tpu.vector_store %arg22[%swap3A_140, %swap3A_141], %add3A_139 {strides = array<i32>} : memref<1x16xf32, #tpu.memory_space<vmem>>, vector<1x16xf32>,
    return
  }
}

module attributes {stable_mosaic.version = 14 : i64} {
  func.func @_decoder_body(%arg0: memref<256x128xf32, #tpu.memory_space<vmem>>, %arg1: memref<128x128xf32, #tpu.memory_space<vmem>>, %arg2: memref<1x128xf32, #tpu.memory_space<vmem>>, %arg3: memref<128x128xf32, #tpu.memory_space<vmem>>, %arg4: memref<1x128xf32, #tpu.memory_space<vmem>>, %arg5: memref<128x128xf32, #tpu.memory_space<vmem>>, %arg6: memref<1x128xf32, #tpu.memory_space<vmem>>, %arg7: memref<128x3xf32, #tpu.memory_space<vmem>>, %arg8: memref<1x3xf32, #tpu.memory_space<vmem>>, %arg9: memref<256x3xf32, #tpu.memory_space<vmem>>) attributes {dimension_semantics = [], scalar_prefetch = 0 : i64, scratch_operands = 0 : i64, tpu.core_type = #tpu.core_type<tc>} {
    %get3A = arith.constant 0 : index
    %get3A_0 = arith.constant 0 : index
    %get3A_1 = vector.load %arg0[%get3A, %get3A_0] : memref<256x128xf32, #tpu.memory_space<vmem>>, vector<256x128xf32>
    %convert_element_type3A = arith.truncf %get3A_1 : vector<256x128xf32> to vector<256x128xbf16>
    %get3A_2 = arith.constant 0 : index
    %get3A_3 = arith.constant 0 : index
    %get3A_4 = vector.load %arg1[%get3A_2, %get3A_3] : memref<128x128xf32, #tpu.memory_space<vmem>>, vector<128x128xf32>
    %convert_element_type3A_5 = arith.truncf %get3A_4 : vector<128x128xf32> to vector<128x128xbf16>
    %dot_general3A = arith.constant dense<0.000000e+00> : vector<256x128xf32>
    %dot_general3A_6 = tpu.matmul %convert_element_type3A, %convert_element_type3A_5, %dot_general3A {dimension_numbers = #tpu.dot_dimension_numbers<[1], [0], [0], [1], [0, 0, 1, 1], [], []>, transpose_lhs_hint = false} : vector<256x128xbf16>, vector<128x128xbf16>, vector<256x128xf32> -> vector<256x128xf32>
    %get3A_7 = arith.constant 0 : index
    %get3A_8 = arith.constant 0 : index
    %get3A_9 = vector.load %arg2[%get3A_7, %get3A_8] : memref<1x128xf32, #tpu.memory_space<vmem>>, vector<1x128xf32>
    %add3A = vector.broadcast %get3A_9 : vector<1x128xf32> to vector<256x128xf32>
    %add3A_10 = arith.addf %dot_general3A_6, %add3A : vector<256x128xf32>
    %max3A = arith.constant 0.000000e+00 : f32
    %max3A_11 = vector.broadcast %max3A : f32 to vector<256x128xf32>
    %max3A_12 = arith.maximumf %add3A_10, %max3A_11 : vector<256x128xf32>
    %convert_element_type3A_13 = arith.truncf %max3A_12 : vector<256x128xf32> to vector<256x128xbf16>
    %get3A_14 = arith.constant 0 : index
    %get3A_15 = arith.constant 0 : index
    %get3A_16 = vector.load %arg3[%get3A_14, %get3A_15] : memref<128x128xf32, #tpu.memory_space<vmem>>, vector<128x128xf32>
    %convert_element_type3A_17 = arith.truncf %get3A_16 : vector<128x128xf32> to vector<128x128xbf16>
    %dot_general3A_18 = arith.constant dense<0.000000e+00> : vector<256x128xf32>
    %dot_general3A_19 = tpu.matmul %convert_element_type3A_13, %convert_element_type3A_17, %dot_general3A_18 {dimension_numbers = #tpu.dot_dimension_numbers<[1], [0], [0], [1], [0, 0, 1, 1], [], []>, transpose_lhs_hint = false} : vector<256x128xbf16>, vector<128x128xbf16>, vector<256x128xf32> -> vector<256x128xf32>
    %get3A_20 = arith.constant 0 : index
    %get3A_21 = arith.constant 0 : index
    %get3A_22 = vector.load %arg4[%get3A_20, %get3A_21] : memref<1x128xf32, #tpu.memory_space<vmem>>, vector<1x128xf32>
    %add3A_23 = vector.broadcast %get3A_22 : vector<1x128xf32> to vector<256x128xf32>
    %add3A_24 = arith.addf %dot_general3A_19, %add3A_23 : vector<256x128xf32>
    %max3A_25 = arith.constant 0.000000e+00 : f32
    %max3A_26 = vector.broadcast %max3A_25 : f32 to vector<256x128xf32>
    %max3A_27 = arith.maximumf %add3A_24, %max3A_26 : vector<256x128xf32>
    %convert_element_type3A_28 = arith.truncf %max3A_27 : vector<256x128xf32> to vector<256x128xbf16>
    %get3A_29 = arith.constant 0 : index
    %get3A_30 = arith.constant 0 : index
    %get3A_31 = vector.load %arg5[%get3A_29, %get3A_30] : memref<128x128xf32, #tpu.memory_space<vmem>>, vector<128x128xf32>
    %convert_element_type3A_32 = arith.truncf %get3A_31 : vector<128x128xf32> to vector<128x128xbf16>
    %dot_general3A_33 = arith.constant dense<0.000000e+00> : vector<256x128xf32>
    %dot_general3A_34 = tpu.matmul %convert_element_type3A_28, %convert_element_type3A_32, %dot_general3A_33 {dimension_numbers = #tpu.dot_dimension_numbers<[1], [0], [0], [1], [0, 0, 1, 1], [], []>, transpose_lhs_hint = false} : vector<256x128xbf16>, vector<128x128xbf16>, vector<256x128xf32> -> vector<256x128xf32>
    %get3A_35 = arith.constant 0 : index
    %get3A_36 = arith.constant 0 : index
    %get3A_37 = vector.load %arg6[%get3A_35, %get3A_36] : memref<1x128xf32, #tpu.memory_space<vmem>>, vector<1x128xf32>
    %add3A_38 = vector.broadcast %get3A_37 : vector<1x128xf32> to vector<256x128xf32>
    %add3A_39 = arith.addf %dot_general3A_34, %add3A_38 : vector<256x128xf32>
    %max3A_40 = arith.constant 0.000000e+00 : f32
    %max3A_41 = vector.broadcast %max3A_40 : f32 to vector<256x128xf32>
    %max3A_42 = arith.maximumf %add3A_39, %max3A_41 : vector<256x128xf32>
    %convert_element_type3A_43 = arith.truncf %max3A_42 : vector<256x128xf32> to vector<256x128xbf16>
    %get3A_44 = arith.constant 0 : index
    %get3A_45 = arith.constant 0 : index
    %get3A_46 = vector.load %arg7[%get3A_44, %get3A_45] : memref<128x3xf32, #tpu.memory_space<vmem>>, vector<128x3xf32>
    %convert_element_type3A_47 = arith.truncf %get3A_46 : vector<128x3xf32> to vector<128x3xbf16>
    %dot_general3A_48 = arith.constant dense<0.000000e+00> : vector<256x3xf32>
    %dot_general3A_49 = tpu.matmul %convert_element_type3A_43, %convert_element_type3A_47, %dot_general3A_48 {dimension_numbers = #tpu.dot_dimension_numbers<[1], [0], [0], [1], [0, 0, 1, 1], [], []>, transpose_lhs_hint = false} : vector<256x128xbf16>, vector<128x3xbf16>, vector<256x3xf32> -> vector<256x3xf32>
    %get3A_50 = arith.constant 0 : index
    %get3A_51 = arith.constant 0 : index
    %get3A_52 = vector.load %arg8[%get3A_50, %get3A_51] : memref<1x3xf32, #tpu.memory_space<vmem>>, vector<1x3xf32>
    %add3A_53 = vector.broadcast %get3A_52 : vector<1x3xf32> to vector<256x3xf32>
    %add3A_54 = arith.addf %dot_general3A_49, %add3A_53 : vector<256x3xf32>
    %swap3A = arith.constant 0 : index
    %swap3A_55 = arith.constant 0 : index
    %swap3A_56 = vector.load %arg9[%swap3A, %swap3A_55] : memref<256x3xf32, #tpu.memory_space<vmem>>, vector<256x3xf32>
    tpu.vector_store %arg9[%swap3A, %swap3A_55], %add3A_54 {strides = array<i32>} : memref<256x3xf32, #tpu.memory_space<vmem>>, vector<256x3xf32>,
    return
  }
}

</mosaic_0001>

<sc_bundles>
// kernel: scatter_offload_async_start.1
scs
__scs_entry_jumppad:
0x0: {  	(pc) =	sbr.rel $0x88, $3  }
0x1: {  	(tag) =	ssettag $0x0;
	lr =	simm.s32 $0x1  }
0x2: {  	[smem:$0x3F79] =	sst lr;
	_ =	strace $0xD0000000  }
0x3: {  	_ = 	snop  }
0x4: {  	_ = 	snop  }
0x5: {  	_ = 	snop  }
0x6: {  	_ = 	snop  }
0x7: {  	_ = 	snop  }
__scs_overlays_trampoline_lowered:
0x8: {  	[smem:$0x3F88] =	sst s0  }
0x9: {  	[smem:$0x3F89] =	sst s1  }
0xa: {  	[smem:$0x3F8A] =	sst s2  }
0xb: {  	[smem:$0x3F8B] =	sst s3  }
0xc: {  	[smem:$0x3F8C] =	sst s4  }
0xd: {  	[smem:$0x3F8D] =	sst s5  }
0xe: {  	[smem:$0x3F8E] =	sst s6  }
0xf: {  	[smem:$0x3F8F] =	sst s7  }
0x10: {  	[smem:$0x3F90] =	sst s8  }
0x11: {  	[smem:$0x3F91] =	sst s9;
	s0 =	simm.s32 @!p0 $0x0  }
0x12: {  	s1 =	sld [smem:$0x3F77];
	s0 =	simm.s32 @p0 $0x1  }
0x13: {  	[smem:$0x3F92] =	sst s0;
	s0 =	simm.s32 @!p1 $0x0  }
0x14: {  	s2 =	sld [smem:$0x3F76];
	s0 =	simm.s32 @p1 $0x1  }
0x15: {  	[smem:$0x3F93] =	sst s0;
	s0 =	simm.s32 @!p2 $0x0  }
0x16: {  	s3 =	sld [smem:$0x3FDB];
	s0 =	simm.s32 @p2 $0x1  }
0x17: {  	s4 =	simm.s32 $0x1BF5;
	[smem:$0x3F95] =	sst s0  }
0x18: {  	s0 =	sld [smem:$0x3F78];
	_ =	swait.ge [sflag:s4], $0x0  }
0x19: {  	s7 =	sld [smem:$0x3F79]  }
0x1a: {  	s8 =	sadd.s32 $0xFFFFE003, lr  }
0x1b: {  	s9 =	sadd.s32 $0xFFFFFEF7, lr;
	s5 =	simm.s32 $0xFFFFFFFF;
	p2 =	slt.u32 s8, $0xFFFFF086  }
0x1c: {  	p1 =	slt.u32 s9, $0xF7A;
	s5 =	simm.s32 @!p2 $0x0  }
0x1d: {  	s5 =	simm.s32 @p1 $0x1;
	p0 =	seq.s32 s7, s2  }
0x1e: {  	s7 =	smul.u32 @!p0 $0xF7A, s2;
	p2 =	seq.s32 @!p0 s5, $0x0  }
0x1f: {  	s9 =	smul.u32 $0xF7A, s1;
	s8 =	simm.s32 @!p0 $0x1BF5;
	p2 =	por !p2, p0  }
0x20: {  	[sflag:s8] =	ssyncset.s32 @!p0 $0xFFFFF086;
	s6 =	sadd.s32 @!p0 s3, s7;
	s7 =	simm.s32 @!p0 $0x108  }
0x21: {  	s3 =	sadd.s32 s3, s9;
	s6 =	sadd.s32 @!p0 $0x88, s6;
	s7 =	simm.s32 @p2 $0x1082  }
0x22: {  	[simem:s7], [sflag:s8] =	dma.local @!p0 [hbm:s6], $0xF7A  }
0x23: {  	s9 =	sor.u32 $0xD0000000, s2;
	s6 =	simm.s32 $0x108;
	_ =	swait.ge @!p0 [sflag:s8], $0x0  }
0x24: {  	s3 =	sadd.s32 $0x88, s3;
	s6 =	simm.s32 @!p1 $0x1082;
	[sflag:s4] =	ssyncset.s32 $0xFFFFF086  }
0x25: {  	[simem:s6], [sflag:s4] =	dma.local [hbm:s3], $0xF7A  }
0x26: {  	[smem:$0x3F79] =	sst s1;
	(tag) =	ssettag s2;
	_ =	strace s9  }
0x27: {  	s1 =	sld [smem:$0x3F89]  }
0x28: {  	s2 =	sld [smem:$0x3F8A]  }
0x29: {  	s4 =	sld [smem:$0x3F8C]  }
0x2a: {  	p0 =	seq.s32 s5, $0x0;
	s5 =	sld [smem:$0x3F8D]  }
0x2b: {  	s6 =	sld [smem:$0x3F8E]  }
0x2c: {  	s7 =	sld [smem:$0x3F8F]  }
0x2d: {  	s3 =	simm.s32 $0x108;
	s8 =	sld [smem:$0x3F90]  }
0x2e: {  	s3 =	simm.s32 @!p0 $0x1082;
	s9 =	sld [smem:$0x3F91]  }
0x2f: {  	lr =	sadd.s32 s0, s3;
	s0 =	sld [smem:$0x3F88]  }
0x30: {  	s3 =	sld [smem:$0x3F8B]  }
0x31: {  	[smem:$0x3F94] =	sst s10  }
0x32: {  	s10 =	sld [smem:$0x3F92];
	_ =	sdelay $0x3  }
0x33: {  	p0 =	seq.s32 s10, $0x1;
	s10 =	sld [smem:$0x3F94];
	_ =	sdelay $0x3  }
0x34: {  	[smem:$0x3F94] =	sst s10  }
0x35: {  	s10 =	sld [smem:$0x3F93];
	_ =	sdelay $0x3  }
0x36: {  	p1 =	seq.s32 s10, $0x1;
	s10 =	sld [smem:$0x3F94];
	_ =	sdelay $0x3  }
0x37: {  	[smem:$0x3F94] =	sst s10  }
0x38: {  	s10 =	sld [smem:$0x3F95]  }
0x39: {  	_ = 	snop;
	(pc) =	sbr.ind lr, $3  }
0x3a: {  	_ = 	snop  }
0x3b: {  	_ = 	snop  }
0x3c: {  	p2 =	seq.s32 s10, $0x1;
	s10 =	sld [smem:$0x3F94]  }
0x3d: {  	_ =	shalt  }
0x3e: {  	_ =	shalt  }
0x3f: {  	_ =	shalt  }
0x40: {  	_ =	shalt  }
0x41: {  	_ =	shalt  }
0x42: {  	_ =	shalt  }
0x43: {  	_ =	shalt  }
0x44: {  	_ =	shalt  }
0x45: {  	_ =	shalt  }
0x46: {  	_ =	shalt  }
0x47: {  	_ =	shalt  }
0x48: {  	_ =	shalt  }
0x49: {  	_ =	shalt  }
0x4a: {  	_ =	shalt  }
0x4b: {  	_ =	shalt  }
0x4c: {  	_ =	shalt  }
0x4d: {  	_ =	shalt  }
0x4e: {  	_ =	shalt  }
0x4f: {  	_ =	shalt  }
0x50: {  	_ =	shalt  }
0x51: {  	_ =	shalt  }
0x52: {  	_ =	shalt  }
0x53: {  	_ =	shalt  }
0x54: {  	_ =	shalt  }
0x55: {  	_ =	shalt  }
0x56: {  	_ =	shalt  }
0x57: {  	_ =	shalt  }
0x58: {  	_ =	shalt  }
0x59: {  	_ =	shalt  }
0x5a: {  	_ =	shalt  }
0x5b: {  	_ =	shalt  }
0x5c: {  	_ =	shalt  }
0x5d: {  	_ =	shalt  }
0x5e: {  	_ =	shalt  }
0x5f: {  	_ =	shalt  }
0x60: {  	_ =	shalt  }
0x61: {  	_ =	shalt  }
0x62: {  	_ =	shalt  }
0x63: {  	_ =	shalt  }
0x64: {  	_ =	shalt  }
0x65: {  	_ =	shalt  }
0x66: {  	_ =	shalt  }
0x67: {  	_ =	shalt  }
0x68: {  	_ =	shalt  }
0x69: {  	_ =	shalt  }
0x6a: {  	_ =	shalt  }
0x6b: {  	_ =	shalt  }
0x6c: {  	_ =	shalt  }
0x6d: {  	_ =	shalt  }
0x6e: {  	_ =	shalt  }
0x6f: {  	_ =	shalt  }
0x70: {  	_ =	shalt  }
0x71: {  	_ =	shalt  }
0x72: {  	_ =	shalt  }
0x73: {  	_ =	shalt  }
0x74: {  	_ =	shalt  }
0x75: {  	_ =	shalt  }
0x76: {  	_ =	shalt  }
0x77: {  	_ =	shalt  }
0x78: {  	_ =	shalt  }
0x79: {  	_ =	shalt  }
0x7a: {  	_ =	shalt  }
0x7b: {  	_ =	shalt  }
0x7c: {  	_ =	shalt  }
0x7d: {  	_ =	shalt  }
0x7e: {  	_ =	shalt  }
0x7f: {  	_ =	shalt  }
0x80: {  	_ =	shalt  }
0x81: {  	_ =	shalt  }
0x82: {  	_ =	shalt  }
0x83: {  	_ =	shalt  }
0x84: {  	_ =	shalt  }
0x85: {  	_ =	shalt  }
0x86: {  	_ =	shalt  }
0x87: {  	_ =	shalt  }
.Lfunc_end0:
.L_simem_size_0:
called_computation.1_lowered:
.L_overlay_start_0:
0x88: {  	s2 =	sld [smem:$0x3FD9]  }
0x89: {  	s3 =	sld [smem:$0x3FFE];
	_ =	sdelay $0x1  }
0x8a: {  	s1 =	srdreg.scid  }
0x8b: {  	s0 =	sand.u32 $0x1, s1  }
0x8c: {  	s15 =	sshll.u32 s0, $0xA;
	s2 =	sadd.s32 s3, s2  }
0x8d: {  	s2 =	sadd.s32 s2, s15  }
0x8e: {  	[smem:$0x3FA0] =	sst s2  }
0x8f: {  	_ = 	snop  }
0x90: {  	(tm) =	ssettm $0x1  }
0x91: {  	s16 =	sld [smem:$0x3FFB];
	_ =	sdelay $0x3  }
0x92: {  	_ =	strace s16  }
0x93: {  	s2 =	sld [smem:$0x3FFC];
	_ =	sdelay $0x3  }
0x94: {  	_ =	strace s2  }
0x95: {  	s2 =	sld [smem:$0x3FFD];
	_ =	sdelay $0x3  }
0x96: {  	_ =	strace s2  }
0x97: {  	_ =	strace $0x8FFFFFFF  }
0x98: {  	s17 =	sld [smem:$0x3FDB];
	_ =	sdelay $0x1  }
0x99: {  	s18 =	simm.s32 $_scs_section_size  }
0x9a: {  	s4 =	simm.s32 $_size__tile_overlayer_lowered;
	s5 =	simm.s32 $_tile_overlayer_lowered  }
0x9b: {  	s6 =	simm.s32 $0x1BFF;
	s19 =	sshll.u32 s5, $0x1;
	s3 =	sadd.s32 s18, s17  }
0x9c: {  	s20 =	simm.s32 $0x0;
	s4 =	sshll.u32 s4, $0x1;
	s5 =	sadd.s32 s19, s3  }
0x9d: {  	[timem:s20], [sflag:s6] =	dma.local [hbm:s5], s4  }
0x9e: {  	_ =	swait.ge [sflag:s6], s4  }
0x9f: {  	s4 =	ssub.s32 $0x0, s4;
	[sflag:s6] =	ssyncset.done $0x0  }
0xa0: {  	[sflag:s6] =	ssyncadd.s32 s4;
	_ =	sdelay $0x1  }
0xa1: {  	s21 =	simm.s32 $0x1B8B  }
0xa2: {  	_ =	swait.ge [sflag:s21], $0x1  }
0xa3: {  	[sflag:s21] =	ssyncset.done $0x0  }
0xa4: {  	s22 =	sld [smem:$0x3FFE];
	[sflag:s21] =	ssyncadd.s32 $0xFFFFFFFF  }
0xa5: {  	s24 =	simm.s32 $0x1B8E;
	s23 =	sld [smem:$0x0]  }
0xa6: {  	s25 =	simm.s32 $execute0_lowered;
	[smem:$0x3FD2] =	sst s24  }
0xa7: {  	s6 =	sshll.u32 s25, $0x1;
	_ =	strace $0x8000004C;
	[dreg:$0x1] =	wrdreg $0xFFFFFFFF  }
0xa8: {  	s7 =	simm.s32 $_size_execute0_lowered;
	s6 =	sadd.s32 s3, s6;
	[dreg:$0x0] =	wrdreg $0x0  }
0xa9: {  	s7 =	sshll.u32 s7, $0x1;
	[dreg:$0x2] =	wrdreg s6  }
0xaa: {  	[dreg:$0x3] =	wrdreg s7  }
0xab: {  	[dreg:$0x4] =	wrdreg $0xC0  }
0xac: {  	s26 =	simm.s32 $execute1_lowered;
	_ =	task [dreg:s20], $0x5FFFF  }
0xad: {  	s6 =	sshll.u32 s26, $0x1;
	[dreg:$0x1] =	wrdreg $0xFFFFFFFF  }
0xae: {  	s3 =	sadd.s32 s3, s6;
	[dreg:$0x0] =	wrdreg $0x60  }
0xaf: {  	[dreg:$0x2] =	wrdreg s3  }
0xb0: {  	[dreg:$0x3] =	wrdreg s22  }
0xb1: {  	[dreg:$0x4] =	wrdreg $0x9  }
0xb2: {  	_ =	task.clear_ibuf [dreg:s20], $0x5FFFF;
	_ =	strace $0x9000004C  }
0xb3: {  	s28 =	simm.s32 $0x9;
	_ =	strace $0x8000004E  }
0xb4: {  	_ =	swait.ge [sflag:s28], $0x1  }
0xb5: {  	[sflag:s28] =	ssyncadd.s32 $0xFFFFFFFF  }
0xb6: {  	_ =	strace $0x9000004E  }
0xb7: {  	s3 =	sld [smem:$0x0]  }
0xb8: {  	s6 =	sand.u32 $0xFFFFFFFE, s1  }
0xb9: {  	p0 =	sne.s32 s1, s6  }
0xba: {  	s6 =	sshll.u32 @p0 s6, $0xE  }
0xbb: {  	s6 =	sadd.s32 @p0 $0x11BF3, s6;
	s7 =	sshll.u32 @p0 s3, $0x11  }
0xbc: {  	s6 =	sor.u32 @p0 s7, s6  }
0xbd: {  	[sflag:s6] =	ssyncadd.remote.s32 @p0 $0x1;
	_ =	sdelay $0x1  }
0xbe: {  	s6 =	simm.s32 @p0 $0x1BF3  }
0xbf: {  	_ =	swait.eq @p0 [sflag:s6], $0x1  }
0xc0: {  	[sflag:s6] =	ssyncadd.s32 @p0 $0xFFFFFFFF  }
0xc1: {  	s7 =	sshll.u32 @!p0 s1, $0xE  }
0xc2: {  	s7 =	sor.u32 @!p0 $0x4000, s7;
	s6 =	simm.s32 @!p0 $0x1BF3  }
0xc3: {  	s3 =	sshll.u32 @!p0 s3, $0x11;
	s7 =	sadd.s32 @!p0 $0x11BF3, s7;
	_ =	swait.eq @!p0 [sflag:s6], $0x1  }
0xc4: {  	s3 =	sor.u32 @!p0 s3, s7;
	[sflag:s6] =	ssyncadd.s32 @!p0 $0xFFFFFFFF  }
0xc5: {  	[sflag:s3] =	ssyncadd.remote.s32 @!p0 $0x1  }
0xc6: {  	_ =	strace $0x8000004F;
	[dreg:$0x1] =	wrdreg $0xFFFFFFFF  }
0xc7: {  	[dreg:$0x0] =	wrdreg $0x2030  }
0xc8: {  	[dreg:$0x2] =	wrdreg s22  }
0xc9: {  	[dreg:$0x3] =	wrdreg s1  }
0xca: {  	[dreg:$0x4] =	wrdreg s23  }
0xcb: {  	[dreg:$0x5] =	wrdreg $0xA  }
0xcc: {  	_ =	task.clear_ibuf [dreg:s20], $0x6FFFF;
	_ =	strace $0x9000004F  }
0xcd: {  	s29 =	simm.s32 $0xA;
	_ =	strace $0x80000051  }
0xce: {  	_ =	swait.ge [sflag:s29], $0x1  }
0xcf: {  	[sflag:s29] =	ssyncadd.s32 $0xFFFFFFFF  }
0xd0: {  	_ =	strace $0x90000051  }
0xd1: {  	_ =	sfence  }
0xd2: {  	s30 =	sld [smem:$0x0];
	_ =	sdelay $0x2  }
0xd3: {  	s31 =	sshll.u32 s1, $0xD;
	s1 =	sshrl.u32 s1, $0x2  }
0xd4: {  	s4 =	sand.u32 $0x4000, s31;
	s1 =	sadd.s32 s1, s30  }
0xd5: {  	s0 =	sor.u32 s4, s0;
	s1 =	sshll.u32 s1, $0x11  }
0xd6: {  	s0 =	sor.u32 s1, s0  }
0xd7: {  	s0 =	sadd.s32 $0x8F2B, s0  }
0xd8: {  	[sflag:s0] =	ssyncadd.remote.s32 $0x1  }
0xd9: {  	_ =	sfence.sel $0xFFFF  }
0xda: {  	[dreg:$0x0] =	wrdreg $0xFFFFFFFF;
	(pc) =	sbr.abs _section_cstart, $3  }
0xdb: {  	[dreg:$0x1] =	wrdreg $0xFFFFFFFF  }
0xdc: {  	_ =	task.clear_ibuf [dreg:s20], $0x2FFFF;
	_ =	strace $0x9FFFFFFF  }
0xdd: {  	(tm) =	ssettm $0x7FFFFFFF  }
tec
execute0_lowered:
.L_overlay_start_1:
0x0: {  	(tag) =	ssettag $0x1  }
0x1: {  	s2 =	rddreg [dreg:$0x0]  }
0x2: {  	s4 =	rddreg [dreg:$0x1]  }
0x3: {  	s0 =	rddreg [dreg:$0x2];
	s3 =	stileid.u32;
	[bflag:$0x3] =	sbarrier.arrive $0xFFFF  }
0x4: {  	s1 =	simm.s32 $_size_execute1_lowered;
	s29 =	srdreg.scid;
	p0 =	sne.s32 s3, $0x0  }
0x5: {  	s1 =	sshll.u32 s1, $0x1;
	s5 =	simm.s32 @!p0 $0x1C3F;
	s6 =	simm.s32 @!p0 $0x4060  }
0x6: {  	[timem:s6], [sflag:s5] =	dma.local @!p0 [hbm:s2], s1  }
0x7: {  	s8 =	simm.s32 $0x2;
	s2 =	sshll.u32 s29, $0x3  }
0x8: {  	s9 =	simm.s32 $0x0;
	s3 =	sshll.u32 s3, $0x4;
	s2 =	sand.u32 $0x8, s2  }
0x9: {  	s11 =	simm.s32 $0x0;
	s10 =	simm.s32 $0x0;
	s2 =	sor.u32 s3, s2  }
0xa: {  	_ =	strace $0x8000004D;
	s3 =	sshll.u32 s2, $0x4;
	s30 =	ssub.s32 $0x100, s2  }
.Ltmp0:
0xb: {  	s31 =	sadd.s32 s3, s4;
	s7 =	sand.u32 $0xF8, s30;
	(pc) =	sbr.rel .LBB2_1-.Ltmp0, $4  }
0xc: {  	s3 =	simm.s32 $0x1;
	p1 =	sne.s32 s7, $0x0;
	s7 =	simm.s32 $0x1  }
0xd: {  	s5 =	sshrl.u32 s30, $0x8;
	s4 =	sadd.s32 $0x15200, s4;
	s7 =	simm.s32 @!p1 $0x0  }
0xe: {  	[sflag:s3] =	ssyncpa.u1 $0x0;
	s6 =	sadd.s32 $0xFA00, s31;
	s5 =	sadd.s32 s7, s5  }
0xf: {  	[sflag:s8] =	ssyncpa.u1 $0x0;
	s8 =	simm.s32 $0x0;
	s7 =	sadd.s32 $0x1, s5  }
.LBB2_4:
0x10: {  	_ =	sdelay $0x3  }
0x11: {  	[tilespmem:v0+s13+$0xFFFFFFA0 ss:$0x1] =	vst.idx.msk $0xffff, v6  }
0x12: {  	v56 =	vld.idx.msk [tilespmem:v1+s14+$0x30 ss:$0x1], $0xffff;
	[tilespmem:v0+s13+$0xFFFFFFB0 ss:$0x1] =	vst.idx.msk $0xffff, v4  }
0x13: {  	v57 =	vld.idx.msk [tilespmem:v1+s14+$0xFFFFFFC0 ss:$0x1], $0xffff;
	[tilespmem:v0+s13+$0xFFFFFFC0 ss:$0x1] =	vst.idx.msk $0xffff, v2  }
0x14: {  	v58 =	vld.idx.msk [tilespmem:v1+s14+$0xFFFFFFD0 ss:$0x1], $0xffff;
	[tilespmem:v0+s13+$0xFFFFFFD0 ss:$0x1] =	vst.idx.msk $0xffff, v3  }
0x15: {  	v59 =	vld.idx.msk [tilespmem:v1+s14+$0xFFFFFFE0 ss:$0x1], $0xffff;
	[tilespmem:v0+s13+$0xFFFFFFE0 ss:$0x1] =	vst.idx.msk $0xffff, v5  }
0x16: {  	v60 =	vld.idx.msk [tilespmem:v1+s14+$0xFFFFFFF0 ss:$0x1], $0xffff;
	[tilespmem:v0+s13+$0xFFFFFFF0 ss:$0x1] =	vst.idx.msk $0xffff, v7  }
0x17: {  	v61 =	vld.idx.msk [tilespmem:v1+s14+$0x0 ss:$0x1], $0xffff;
	[tilespmem:v0+s14+$0x0 ss:$0x1] =	vst.idx.msk $0xffff, v56  }
0x18: {  	v62 =	vld.idx.msk [tilespmem:v1+s14+$0x10 ss:$0x1], $0xffff;
	[tilespmem:v0+s14+$0xFFFFFF90 ss:$0x1] =	vst.idx.msk $0xffff, v57  }
0x19: {  	v63 =	vld.idx.msk [tilespmem:v1+s14+$0x20 ss:$0x1], $0xffff;
	[tilespmem:v0+s14+$0xFFFFFFA0 ss:$0x1] =	vst.idx.msk $0xffff, v58  }
0x1a: {  	[tilespmem:v0+s14+$0xFFFFFFB0 ss:$0x1] =	vst.idx.msk $0xffff, v59  }
0x1b: {  	[tilespmem:v0+s14+$0xFFFFFFC0 ss:$0x1] =	vst.idx.msk $0xffff, v60  }
0x1c: {  	s11 =	sshll.u32 s11, $0x4;
	[tilespmem:v0+s14+$0xFFFFFFD0 ss:$0x1] =	vst.idx.msk $0xffff, v61  }
0x1d: {  	s11 =	sand.u32 $0xFF0, s11;
	[tilespmem:v0+s14+$0xFFFFFFE0 ss:$0x1] =	vst.idx.msk $0xffff, v62  }
0x1e: {  	s11 =	sadd.s32 s4, s11;
	[tilespmem:v0+s14+$0xFFFFFFF0 ss:$0x1] =	vst.idx.msk $0xffff, v63  }
0x1f: {  	[hbm4b:s11+s8] =	stream.linear.scatter [tilespmem:s12], [sflag:$0x2], $0x400, $0x38;
	[tilespmem:$0x1000] =	vst v63  }
.LBB2_5:
0x20: {  	p2 =	sne.s32 s10, s7  }
.Ltmp1:
0x21: {  	p1 =	slt.u32 s10, $0x2;
	(pc) =	sbr.rel @!p2 .LBB2_6-.Ltmp1, $4  }
0x22: {  	s11 =	simm.s32 @!p1 $0x2  }
0x23: {  	_ =	swait.ge @!p1 [sflag:s11], $0x400  }
0x24: {  	s12 =	sadd.s32 $0x1, s10;
	s9 =	sadd.s32 $0x400, s9;
	[sflag:s11] =	ssyncset.done @!p1 $0x0  }
0x25: {  	s10 =	smov.u32 s12;
	[sflag:s11] =	ssyncadd.s32 @!p1 $0xFFFFFC00;
	s11 =	smov.u32 s2  }
.LBB2_1:
0x26: {  	p1 =	sge.u32 s10, s5  }
0x27: {  	s12 =	sxor.u32 @!p1 $0xFFFFFFFF, s10  }
0x28: {  	s12 =	sshll.u32 @!p1 s12, $0xA  }
0x29: {  	s31 =	sadd.s32 $0xFFFFFFFF, s10;
	s13 =	simm.s32 @!p1 $0x0;
	s12 =	sand.u32 @!p1 $0x400, s12  }
0x2a: {  	[tilespmem:s12], [sflag:$0x1] =	stream.linear.gather @!p1 [hbm4b:s6+s13], $0x400, $0x38;
	[tilespmem:$0x1000] =	vst v63  }
0x2b: {  	p1 =	sge.u32 s31, s5  }
.Ltmp2:
0x2c: {  	_ = 	snop;
	(pc) =	sbr.rel @p1 .LBB2_5-.Ltmp2, $1  }
0x2d: {  	_ =	sdelay $0x3  }
0x2e: {  	s12 =	sand.u32 $0x400, s9  }
0x2f: {  	s13 =	sor.u32 $0x40, s12  }
0x30: {  	v1 =	vmov s13;
	_ =	sdelay $0x1  }
0x31: {  	_ =	swait.ge [sflag:s3], $0x400  }
0x32: {  	[sflag:s3] =	ssyncset.done $0x0  }
0x33: {  	[sflag:s3] =	ssyncadd.s32 $0xFFFFFC00;
	s13 =	simm.s32 $0x0  }
0x34: {  	s12 =	sor.u32 $0x870, s12;
	v7 =	vld.idx.msk [tilespmem:v1+s13+$0x30 ss:$0x1], $0xffff  }
0x35: {  	v0 =	vmov s12;
	v8 =	vld.idx.msk [tilespmem:v1+s13+$0xFFFFFFC0 ss:$0x1], $0xffff  }
0x36: {  	v6 =	vld.idx.msk [tilespmem:v1+s13+$0xFFFFFFD0 ss:$0x1], $0xffff  }
0x37: {  	v4 =	vld.idx.msk [tilespmem:v1+s13+$0xFFFFFFE0 ss:$0x1], $0xffff  }
0x38: {  	v2 =	vld.idx.msk [tilespmem:v1+s13+$0xFFFFFFF0 ss:$0x1], $0xffff  }
0x39: {  	s31 =	sshll.u32 s10, $0xA;
	v3 =	vld.idx.msk [tilespmem:v1+s13+$0x0 ss:$0x1], $0xffff  }
0x3a: {  	s12 =	sand.u32 $0x400, s31;
	v5 =	vld.idx.msk [tilespmem:v1+s13+$0x10 ss:$0x1], $0xffff;
	[tilespmem:v0+s13+$0x0 ss:$0x1] =	vst.idx.msk $0xffff, v7  }
0x3b: {  	s14 =	simm.s32 $0x80;
	s15 =	simm.s32 $0x400;
	s12 =	sor.u32 $0x800, s12;
	[tilespmem:v0+s13+$0xFFFFFF90 ss:$0x1] =	vst.idx.msk $0xffff, v8;
	v7 =	vld.idx.msk [tilespmem:v1+s13+$0x20 ss:$0x1], $0xffff  }
.LBB2_3:
0x3c: {  	p1 =	sne.s32 s15, $0xE00;
	v8 =	vld.idx.msk [tilespmem:v1+s14+$0x30 ss:$0x1], $0xffff;
	[tilespmem:v0+s13+$0xFFFFFFA0 ss:$0x1] =	vst.idx.msk $0xffff, v6  }
0x3d: {  	v9 =	vld.idx.msk [tilespmem:v1+s14+$0xFFFFFFC0 ss:$0x1], $0xffff;
	[tilespmem:v0+s13+$0xFFFFFFB0 ss:$0x1] =	vst.idx.msk $0xffff, v4  }
0x3e: {  	v6 =	vld.idx.msk [tilespmem:v1+s14+$0xFFFFFFD0 ss:$0x1], $0xffff;
	[tilespmem:v0+s13+$0xFFFFFFC0 ss:$0x1] =	vst.idx.msk $0xffff, v2  }
.Ltmp3:
0x3f: {  	v4 =	vld.idx.msk [tilespmem:v1+s14+$0xFFFFFFE0 ss:$0x1], $0xffff;
	[tilespmem:v0+s13+$0xFFFFFFD0 ss:$0x1] =	vst.idx.msk $0xffff, v3;
	(pc) =	sbr.rel @p1 .LBB2_3-.Ltmp3, $4  }
0x40: {  	v2 =	vld.idx.msk [tilespmem:v1+s14+$0xFFFFFFF0 ss:$0x1], $0xffff;
	[tilespmem:v0+s13+$0xFFFFFFE0 ss:$0x1] =	vst.idx.msk $0xffff, v5  }
0x41: {  	v3 =	vld.idx.msk [tilespmem:v1+s14+$0x0 ss:$0x1], $0xffff;
	[tilespmem:v0+s13+$0xFFFFFFF0 ss:$0x1] =	vst.idx.msk $0xffff, v7;
	s13 =	smov.u32 s14  }
0x42: {  	v5 =	vld.idx.msk [tilespmem:v1+s13+$0x10 ss:$0x1], $0xffff;
	[tilespmem:v0+s13+$0x0 ss:$0x1] =	vst.idx.msk $0xffff, v8  }
0x43: {  	s14 =	sshra.s32 s15, $0x2;
	s15 =	sadd.s32 $0x200, s15;
	[tilespmem:v0+s13+$0xFFFFFF90 ss:$0x1] =	vst.idx.msk $0xffff, v9;
	v7 =	vld.idx.msk [tilespmem:v1+s13+$0x20 ss:$0x1], $0xffff  }
.Ltmp4:
0x44: {  	_ = 	snop;
	(pc) =	sbr.rel .LBB2_4-.Ltmp4, $1  }
0x45: {  	_ =	sdelay $0x3  }
.LBB2_6:
0x46: {  	_ =	sfence.sel $0x180000  }
0x47: {  	s2 =	simm.s32 $0x1;
	[bflag:$0x0] =	sbarrier.arrive $0xFFFF  }
0x48: {  	s31 =	simm.s32 $0x2;
	[sflag:s2] =	ssyncpa.u1 $0x1  }
0x49: {  	[sflag:s31] =	ssyncpa.u1 $0x1  }
0x4a: {  	_ =	strace $0x9000004D  }
0x4b: {  	s0 =	sadd.s32 @!p0 $0x100000, s0;
	[bflag:$0x2] =	sbarrier.arrive $0xFFFF  }
0x4c: {  	[sflag:s0] =	ssyncadd.tile.s32 @!p0 $0x1;
	s0 =	simm.s32 @!p0 $0x3F  }
0x4d: {  	_ =	swait.ge @!p0 [sflag:s0], s1  }
0x4e: {  	s1 =	ssub.s32 @!p0 $0x0, s1;
	[sflag:s0] =	ssyncset.done @!p0 $0x0  }
0x4f: {  	[sflag:s0] =	ssyncadd.s32 @!p0 s1  }
0x50: {  	[bflag:$0x3] =	sbarrier.arrive $0xFFFF  }
0x51: {  	_ =	shalt  }
.Lfunc_end2:
execute1_lowered:
.L_overlay_start_2:
0x52: {  	(tag) =	ssettag $0x2  }
0x53: {  	s0 =	rddreg [dreg:$0x0]  }
0x54: {  	s2 =	rddreg [dreg:$0x1];
	_ =	strace $0x80000050;
	s1 =	simm.s32 $0x1  }
0x55: {  	s9 =	simm.s32 $0x108;
	v0 =	vimm.s32 $0x0;
	[sflag:s1] =	ssyncpa.u1 $0x0  }
0x56: {  	[tilespmem:s9+$0x70] =	vst v0  }
0x57: {  	[tilespmem:s9+$0x60] =	vst v0  }
0x58: {  	[tilespmem:s9+$0x50] =	vst v0  }
0x59: {  	[tilespmem:s9+$0x40] =	vst v0  }
0x5a: {  	s1 =	sadd.s32 $0x15200, s0;
	s15 =	sadd.s32 $0x10FA00, s0;
	[tilespmem:s9+$0x30] =	vst v0  }
0x5b: {  	s6 =	sadd.s32 $0x214A00, s0;
	s2 =	sand.u32 $0x1, s2;
	s14 =	sadd.s32 $0x111A00, s0;
	[tilespmem:s9+$0x20] =	vst v0  }
0x5c: {  	s0 =	simm.s32 $0x40;
	[dreg:$0x4] =	wrdreg s2;
	s16 =	sshll.u32 s2, $0xC;
	[tilespmem:s9+$0x10] =	vst v0  }
.LBB3_1:
0x5d: {  	s0 =	sadd.s32 $0x40, s0;
	[tilespmem:s9+$0x0] =	vst v0;
	s9 =	sadd.s32 $0x80, s9  }
0x5e: {  	p0 =	slt.u32 s0, $0x3C40;
	[tilespmem:s9+$0x70] =	vst v0  }
0x5f: {  	[tilespmem:s9+$0x60] =	vst v0  }
.Ltmp5:
0x60: {  	[tilespmem:s9+$0x50] =	vst v0;
	(pc) =	sbr.rel @p0 .LBB3_1-.Ltmp5, $4  }
0x61: {  	[tilespmem:s9+$0x40] =	vst v0  }
0x62: {  	[tilespmem:s9+$0x30] =	vst v0  }
0x63: {  	[tilespmem:s9+$0x20] =	vst v0  }
0x64: {  	[tilespmem:s9+$0x10] =	vst v0  }
0x65: {  	s5 =	stileid.u32  }
0x66: {  	s0 =	smin.u32 s5, $0x9;
	s2 =	sshll.u32 s5, $0x3  }
0x67: {  	s0 =	sadd.s32 s0, s2  }
0x68: {  	p0 =	slt.u32 s5, $0x9;
	s7 =	smul.u32 $0xF0, s0;
	s0 =	simm.s32 $0x870  }
0x69: {  	s0 =	simm.s32 @!p0 $0x780  }
0x6a: {  	s0 =	sadd.s32 s0, s7  }
0x6b: {  	s8 =	smin.u32 s0, $0x8000  }
0x6c: {  	s0 =	ssub.s32 s8, s7  }
0x6d: {  	p0 =	sgt.s32 s0, $0x0  }
0x6e: {  	s0 =	simm.s32 @!p0 $0x0  }
0x6f: {  	s3 =	simm.s32 $0x2;
	s10 =	simm.s32 $0x9;
	s30 =	smul.u32 $0x8889, s0  }
0x70: {  	s4 =	simm.s32 $0xA;
	s11 =	simm.s32 $0xB;
	s12 =	simm.s32 $0x1  }
0x71: {  	s14 =	sadd.s32 s16, s14;
	s15 =	sadd.s32 s16, s15;
	s2 =	sshrl.u32 s30, $0x17  }
0x72: {  	s22 =	simm.s32 $0x0;
	s18 =	simm.s32 $0xC;
	s31 =	smul.u32 $0xF0, s2  }
.Ltmp6:
0x73: {  	[tilespmem:s9+$0x0] =	vst v0;
	v0 =	vimm.s32 $0xFFFFFFFF;
	s20 =	simm.s32 $0x0;
	[sflag:s3] =	ssyncpa.u1 $0x0;
	(pc) =	sbr.rel .LBB3_3-.Ltmp6, $4  }
0x74: {  	[tilespmem:$0xF208] =	vst v0;
	[sflag:s10] =	ssyncpa.u1 $0x0;
	p0 =	sne.s32 s0, s31;
	s0 =	simm.s32 $0x1  }
0x75: {  	s21 =	simm.s32 $0x0;
	[sflag:s4] =	ssyncpa.u1 $0x0;
	s0 =	simm.s32 @!p0 $0x0  }
0x76: {  	s16 =	sshll.u32 s5, $0x8;
	[sflag:s11] =	ssyncpa.u1 $0x0;
	s13 =	sadd.s32 s2, s0  }
0x77: {  	v0 =	vlaneseq.u32;
	s19 =	smov.u32 s7;
	p0 =	por $0x0, $0x0;
	s17 =	sadd.s32 $0x1, s13  }
.LBB3_18:
0x78: {  	s0 =	sshrl.u32 s31, $0x2  }
.LBB3_20:
0x79: {  	_ =	swait.ge [sflag:s18], s0  }
0x7a: {  	s31 =	ssub.s32 $0x0, s0;
	v1 =	vmov s24;
	vm0 =	veq.s32 v0, $0x0;
	[sflag:s18] =	ssyncset.done $0x0  }
0x7b: {  	vm15 =	veq.s32 v0, $0x2;
	v1 =	vsel vm0, s30, v1;
	[sflag:s18] =	ssyncadd.s32 s31  }
0x7c: {  	v1 =	vsel vm15, s22, v1;
	[sflag:s18] =	ssyncpa.u1 $0x1  }
0x7d: {  	[tilespmem:$0xF208] =	vst v1  }
.LBB3_21:
0x7e: {  	s0 =	sadd.s32 $0xF0, s19  }
0x7f: {  	s2 =	smov.u32 s7;
	p1 =	slt.s32 s0, s8  }
0x80: {  	s2 =	smov.u32 @p1 s0;
	p1 =	sne.s32 s21, s17  }
.Ltmp7:
0x81: {  	_ = 	snop;
	(pc) =	sbr.rel @!p1 .LBB3_22-.Ltmp7, $3  }
0x82: {  	_ =	sdelay $0x1  }
0x83: {  	s22 =	smov.u32 s20;
	s31 =	sadd.s32 $0x1, s21;
	s20 =	smov.u32 s19  }
0x84: {  	p0 =	por !p0, !p0;
	s21 =	smov.u32 s31;
	s19 =	smov.u32 s2  }
.LBB3_3:
0x85: {  	p1 =	sge.u32 s21, s13  }
0x86: {  	s0 =	smulhi.u32 @!p1 $0xAAAAAAAB, s21  }
0x87: {  	s2 =	smov.u32 s19;
	p2 =	sgt.s32 @!p1 s19, $0x7F10  }
0x88: {  	s3 =	sshra.s32 @!p1 s19, $0x1F;
	p2 =	por !p2, p1;
	s0 =	sshrl.u32 @!p1 s0, $0x1  }
0x89: {  	s3 =	sand.u32 @!p1 s3, s19;
	s2 =	simm.s32 @p2 $0x7F10;
	s0 =	smul.u32 @!p1 $0x3, s0  }
0x8a: {  	s2 =	ssub.s32 @!p1 s2, s3  }
0x8b: {  	s2 =	sadd.s32 @!p1 $0xFFFF80F0, s2;
	s0 =	ssub.s32 @!p1 s21, s0  }
0x8c: {  	s3 =	sshll.u32 @!p1 s2, $0x2;
	p2 =	sgt.s32 @!p1 s2, $0xEF;
	s0 =	smul.u32 @!p1 $0x3C0, s0  }
0x8d: {  	s4 =	sand.u32 @!p1 $0x7, s19;
	s2 =	ssub.s32 @!p1 $0x3C0, s3;
	p2 =	por !p2, p1  }
0x8e: {  	s3 =	sshrl.u32 @!p1 s19, $0x3;
	s2 =	sshrl.u32 @!p1 s2, $0x2;
	s0 =	sshrl.u32 @!p1 s0, $0x2  }
0x8f: {  	s3 =	sadd.s32 @!p1 s3, s14;
	s2 =	simm.s32 @!p2 $0x0;
	s0 =	sadd.s32 @!p1 $0x10248, s0  }
0x90: {  	[tilespmem:s0], [sflag:$0xA] =	stream.linear.gather @!p1 [hbm4b:s3+s4], s2, $0x38;
	[tilespmem:$0x1F6F8] =	vst v63  }
0x91: {  	s0 =	sadd.s32 $0xFFFFFFFF, s21  }
0x92: {  	p1 =	sge.u32 s0, s13  }
0x93: {  	p2 =	sgt.s32 @!p1 s20, $0x7F10  }
0x94: {  	s2 =	smov.u32 s20;
	s3 =	sshra.s32 @!p1 s20, $0x1F;
	p2 =	por !p2, p1  }
0x95: {  	s3 =	sand.u32 @!p1 s3, s20;
	s2 =	simm.s32 @p2 $0x7F10  }
0x96: {  	s2 =	ssub.s32 @!p1 s2, s3  }
0x97: {  	s2 =	sadd.s32 @!p1 $0xFFFF80F0, s2  }
0x98: {  	s4 =	sand.u32 @!p1 $0x1, s0;
	s3 =	sshll.u32 @!p1 s2, $0x2  }
0x99: {  	p2 =	sgt.s32 @!p1 s2, $0xEF;
	s2 =	ssub.s32 @!p1 $0x3C0, s3;
	s3 =	smulhi.u32 @!p1 $0xAAAAAAAB, s0  }
0x9a: {  	s23 =	smul.u32 @!p1 $0x3C0, s4;
	p2 =	por !p2, p1;
	s2 =	sshrl.u32 @!p1 s2, $0x2  }
0x9b: {  	s5 =	simm.s32 @!p1 $0xA;
	s2 =	simm.s32 @!p2 $0x0;
	s3 =	sshrl.u32 @!p1 s3, $0x1  }
0x9c: {  	s23 =	sshrl.u32 @!p1 s23, $0x2;
	_ =	swait.ge @!p1 [sflag:s5], s2;
	s3 =	smul.u32 @!p1 $0x3, s3  }
0x9d: {  	s23 =	sadd.s32 @!p1 $0x10518, s23;
	s24 =	ssub.s32 @!p1 $0x0, s2;
	[sflag:s5] =	ssyncset.done @!p1 $0x0  }
0x9e: {  	[sflag:s5] =	ssyncadd.s32 @!p1 s24;
	s5 =	sshrl.u32 @!p1 s20, $0x3;
	s0 =	ssub.s32 @!p1 s0, s3  }
0x9f: {  	s24 =	sand.u32 @!p1 $0x7, s20;
	s5 =	sadd.s32 @!p1 s5, s15;
	s0 =	smul.u32 @!p1 $0x3C0, s0  }
0xa0: {  	[tilespmem:s23], [sflag:$0xB] =	stream.linear.gather @!p1 [hbm4b:s5+s24], s2, $0x38;
	[tilespmem:$0x1F6F8] =	vst v63  }
0xa1: {  	s3 =	ssub.s32 @!p1 $0x8000, s20;
	s2 =	smul.u32 @!p1 $0x1E000, s4  }
0xa2: {  	p2 =	slt.s32 @!p1 s3, $0xF0  }
0xa3: {  	p2 =	por !p2, p1;
	s0 =	sshrl.u32 @!p1 s0, $0x2;
	s2 =	sshrl.u32 @!p1 s2, $0x2  }
0xa4: {  	s3 =	simm.s32 @p2 $0xF0;
	s0 =	sadd.s32 @!p1 $0x10248, s0;
	s2 =	sor.u32 @!p1 $0x106F8, s2  }
0xa5: {  	[tilespmem:s2], [sflag:$0x9] =	stream.indirect.gather @!p1 [hbm4b:s6+s3], $0x80, s0, s3, $0xb8;
	[tilespmem:$0x1F6F8] =	vst v63  }
0xa6: {  	p1 =	slt.u32 s21, $0x2  }
.Ltmp8:
0xa7: {  	_ = 	snop;
	(pc) =	sbr.rel @p1 .LBB3_21-.Ltmp8, $1  }
0xa8: {  	_ =	sdelay $0x3  }
0xa9: {  	p1 =	sgt.s32 s22, $0x7F10  }
0xaa: {  	s0 =	smov.u32 s22;
	s2 =	sshra.s32 s22, $0x1F;
	s3 =	ssub.s32 $0x8000, s22  }
0xab: {  	s0 =	simm.s32 @!p1 $0x7F10;
	s2 =	sand.u32 s2, s22;
	p1 =	slt.s32 s3, $0xF0  }
0xac: {  	s0 =	ssub.s32 s0, s2;
	s3 =	simm.s32 @!p1 $0xF0  }
0xad: {  	s0 =	sadd.s32 $0xFFFF80F0, s0;
	s25 =	sshll.u32 s3, $0x7  }
0xae: {  	s26 =	sshll.u32 s0, $0x2;
	s2 =	sand.u32 $0x3FFFFF80, s25  }
0xaf: {  	p1 =	sgt.s32 s0, $0xEF;
	s29 =	ssub.s32 $0x3C0, s26;
	_ =	swait.ge [sflag:s10], s2  }
0xb0: {  	s2 =	ssub.s32 $0x0, s2;
	[sflag:s10] =	ssyncset.done $0x0;
	s0 =	sshrl.u32 s29, $0x2  }
0xb1: {  	[sflag:s10] =	ssyncadd.s32 s2;
	s0 =	simm.s32 @p1 $0x0  }
0xb2: {  	_ =	swait.ge [sflag:s11], s0  }
0xb3: {  	s0 =	ssub.s32 $0x0, s0;
	[sflag:s11] =	ssyncset.done $0x0  }
0xb4: {  	[sflag:s11] =	ssyncadd.s32 s0  }
0xb5: {  	v1 =	vld [tilespmem:$0xF208];
	_ =	sdelay $0x4  }
0xb6: {  	(v2sf) =	vpush v1, $0x0  }
0xb7: {  	(v2sf) =	vpush v1, $0x1  }
0xb8: {  	(v2sf) =	vpush v1, $0x2;
	_ =	sdelay $0x3  }
0xb9: {  	s0 =	sadd.s32 $0xF0, s22  }
0xba: {  	s2 =	ssub.s32 $0x10000, s22;
	p1 =	slt.s32 s8, s0  }
0xbb: {  	s0 =	smov.u32 @p1 s8;
	p1 =	sgt.s32 s2, $0x0  }
0xbc: {  	s26 =	ssub.s32 s0, s22;
	s2 =	simm.s32 @!p1 $0x0  }
0xbd: {  	p1 =	slt.s32 s2, s26  }
0xbe: {  	s26 =	smov.u32 @p1 s2  }
0xbf: {  	s25 =	simm.s32 $0x1;
	p1 =	slt.s32 s26, $0x1  }
.Ltmp9:
0xc0: {  	s25 =	simm.s32 @!p0 $0x0;
	(pc) =	sbr.rel @p1 .LBB3_8-.Ltmp9, $4  }
0xc1: {  	s31 =	smul.u32 $0x3C0, s25  }
0xc2: {  	s28 =	spop (v2sf)  }
0xc3: {  	s0 =	sshrl.u32 s31, $0x2;
	s30 =	spop (v2sf)  }
0xc4: {  	s23 =	sadd.s32 $0x10518, s0;
	s22 =	spop (v2sf)  }
0xc5: {  	s0 =	smin.u32 s26, $0x10  }
0xc6: {  	v1 =	vmov s0  }
0xc7: {  	p2 =	sgt.s32 s26, $0x10;
	vm1 =	vgt.u32 v1, v0  }
.Ltmp10:
0xc8: {  	_ = 	snop;
	(pc) =	sbr.rel @!p2 .LBB3_7-.Ltmp10, $2  }
0xc9: {  	_ =	sdelay $0x2  }
0xca: {  	s4 =	simm.s32 $0x10;
	s24 =	sadd.s32 $0xFFFFFFF0, s26;
	s0 =	smov.u32 s23;
	vm0 =	vmmov vm1  }
.LBB3_6:
0xcb: {  	s2 =	smin.u32 s24, $0x10;
	s4 =	sadd.s32 $0x10, s4;
	v1 =	vld.msk [tilespmem:s0+$0x0 ss:$0x1], vm1  }
0xcc: {  	v2 =	vmov s2;
	p2 =	slt.s32 s4, s26  }
0xcd: {  	vm1 =	vgt.u32 v2, v0  }
.Ltmp11:
0xce: {  	(pc) =	sbr.rel @p2 .LBB3_6-.Ltmp11, $3  }
0xcf: {  	_ =	sdelay $0x1  }
0xd0: {  	v1 =	vshll.u32 v1, $0x4  }
0xd1: {  	s24 =	sadd.s32 $0xFFFFFFF0, s24;
	[tilespmem:s0+$0x0] =	vst.msk vm0, v1;
	s0 =	sadd.s32 $0x10, s0;
	vm0 =	vmmov vm1  }
.LBB3_7:
0xd2: {  	_ =	sdelay $0x4  }
0xd3: {  	v1 =	vld.msk [tilespmem:s0+$0x0 ss:$0x1], vm1;
	_ =	sdelay $0x4  }
0xd4: {  	v1 =	vshll.u32 v1, $0x4  }
0xd5: {  	[tilespmem:s0+$0x0] =	vst.msk vm0, v1  }
.LBB3_8:
0xd6: {  	s0 =	sand.u32 $0x1, s21  }
0xd7: {  	s0 =	smul.u32 $0xF0, s0  }
0xd8: {  	p2 =	sne.s32 s30, $0xFFFFFFFF  }
0xd9: {  	v1 =	vld.msk @!p2 [tilespmem:s0+$0x10518], $0x1;
	_ =	sdelay $0x4  }
0xda: {  	(v2sf) =	vpush @!p2 v1, $0x0;
	_ =	sdelay $0xc  }
.Ltmp12:
0xdb: {  	_ = 	snop;
	(pc) =	sbr.rel @p1 .LBB3_19-.Ltmp12, $4  }
0xdc: {  	_ = 	snop  }
0xdd: {  	s29 =	spop @!p2 (v2sf)  }
0xde: {  	s22 =	simm.s32 @!p2 $0x0;
	s24 =	smov.u32 s29  }
0xdf: {  	[sflag:s18] =	ssyncpa.u1 $0x0;
	s29 =	smov.u32 @p2 s28;
	s24 =	smov.u32 @p2 s30  }
0xe0: {  	v1 =	vld.msk [tilespmem:s23+$0x0], $0x1;
	_ =	sdelay $0x4  }
0xe1: {  	(v2sf) =	vpush v1, $0x0;
	_ =	sdelay $0xe  }
0xe2: {  	s2 =	smul.u32 $0x1E000, s25;
	s0 =	spop (v2sf)  }
0xe3: {  	s26 =	ssub.s32 $0x0, s26;
	p1 =	seq.s32 s29, s0  }
0xe4: {  	s30 =	sadd.s32 $0x1, s26;
	s2 =	sshrl.u32 s2, $0x2;
	p2 =	sgt.s32 @!p1 s29, $0x0  }
0xe5: {  	s25 =	sor.u32 $0x10738, s2;
	s2 =	smov.u32 s29;
	p2 =	por !p2, p1  }
0xe6: {  	s2 =	simm.s32 @p2 $0x0;
	p2 =	seq.s32 s30, $0x0  }
.Ltmp13:
0xe7: {  	_ = 	snop;
	(pc) =	sbr.rel @p2 .LBB3_11-.Ltmp13, $4  }
0xe8: {  	_ = 	snop  }
0xe9: {  	s28 =	simm.s32 $0x0;
	s31 =	sadd.s32 $0x1, s23;
	s2 =	smin.u32 @!p1 s2, $0xFF0  }
0xea: {  	s4 =	simm.s32 @!p1 $0x1;
	s5 =	simm.s32 @!p1 $0x7988;
	s3 =	sand.u32 @!p1 $0xFF8, s2  }
0xeb: {  	s4 =	smov.u32 @p1 s28;
	s2 =	sand.u32 @!p1 $0x7, s2;
	s3 =	sadd.s32 @!p1 s1, s3  }
.LBB3_10:
0xec: {  	s9 =	smov.u32 s4  }
0xed: {  	[tilespmem:s5], [sflag:$0x2] =	stream.linear.gather @!p1 [hbm4b:s3+s2], $0x80, $0x38;
	[tilespmem:$0x1F6F8] =	vst v63  }
0xee: {  	s30 =	sadd.s32 $0x1, s30;
	s2 =	smov.u32 s0;
	v1 =	vld.msk [tilespmem:s31+$0x0], $0x1  }
0xef: {  	p2 =	seq.s32 s30, $0x0;
	_ =	sdelay $0x3  }
0xf0: {  	(v2sf) =	vpush v1, $0x0;
	_ =	sdelay $0xe  }
0xf1: {  	s0 =	spop (v2sf)  }
0xf2: {  	p1 =	seq.s32 s2, s0  }
0xf3: {  	p3 =	sgt.s32 @!p1 s2, $0x0;
	s3 =	sshll.u32 @!p1 s4, $0x9;
	s4 =	sadd.s32 @!p1 $0x1, s4  }
.Ltmp14:
0xf4: {  	p3 =	por !p3, p1;
	s3 =	sshra.s32 @!p1 s3, $0x2;
	(pc) =	sbr.rel @!p2 .LBB3_10-.Ltmp14, $4  }
0xf5: {  	s4 =	smov.u32 @p1 s9;
	s2 =	simm.s32 @p3 $0x0;
	s5 =	sadd.s32 @!p1 $0x7988, s3  }
0xf6: {  	s2 =	smin.u32 @!p1 s2, $0xFF0  }
0xf7: {  	s3 =	sand.u32 @!p1 $0xFF8, s2;
	s2 =	sand.u32 @!p1 $0x7, s2  }
0xf8: {  	s31 =	sadd.s32 $0x1, s31;
	s3 =	sadd.s32 @!p1 s1, s3  }
.LBB3_11:
0xf9: {  	[tilespmem:s5], [sflag:$0x2] =	stream.linear.gather @!p1 [hbm4b:s3+s2], $0x80, $0x38;
	[tilespmem:$0x1F6F8] =	vst v63  }
.Ltmp15:
0xfa: {  	s0 =	sshll.u32 s4, $0x7;
	(pc) =	sbr.rel .LBB3_12-.Ltmp15, $4  }
0xfb: {  	s30 =	simm.s32 $0x2;
	s0 =	sand.u32 $0x3FFFFF80, s0  }
0xfc: {  	_ =	swait.ge [sflag:s30], s0  }
0xfd: {  	s0 =	ssub.s32 $0x0, s0;
	[sflag:s30] =	ssyncset.done $0x0  }
0xfe: {  	s31 =	simm.s32 $0x0;
	[sflag:s30] =	ssyncadd.s32 s0  }
.LBB3_13:
0xff: {  	v1 =	vld [tilespmem:s25+$0xFFFFFFC0];
	_ =	sdelay $0x3  }
0x100: {  	s0 =	sshra.s32 s0, $0x2  }
0x101: {  	[tilespmem:s0+$0x108] =	vst.add.f32.msk $0xffff, v1  }
0x102: {  	v1 =	vld [tilespmem:s25+$0xFFFFFFD0];
	_ =	sdelay $0x4  }
0x103: {  	[tilespmem:s0+$0x118] =	vst.add.f32.msk $0xffff, v1  }
0x104: {  	v1 =	vld [tilespmem:s25+$0xFFFFFFE0];
	_ =	sdelay $0x4  }
0x105: {  	[tilespmem:s0+$0x128] =	vst.add.f32.msk $0xffff, v1  }
0x106: {  	v1 =	vld [tilespmem:s25+$0xFFFFFFF0];
	_ =	sdelay $0x4  }
0x107: {  	[tilespmem:s0+$0x138] =	vst.add.f32.msk $0xffff, v1  }
0x108: {  	v1 =	vld [tilespmem:s25+$0x0];
	_ =	sdelay $0x4  }
0x109: {  	[tilespmem:s0+$0x148] =	vst.add.f32.msk $0xffff, v1  }
0x10a: {  	v1 =	vld [tilespmem:s25+$0x10];
	_ =	sdelay $0x4  }
0x10b: {  	[tilespmem:s0+$0x158] =	vst.add.f32.msk $0xffff, v1  }
0x10c: {  	v1 =	vld [tilespmem:s25+$0x20];
	_ =	sdelay $0x4  }
0x10d: {  	[tilespmem:s0+$0x168] =	vst.add.f32.msk $0xffff, v1  }
0x10e: {  	v1 =	vld [tilespmem:s25+$0x30];
	_ =	sdelay $0x4  }
0x10f: {  	[tilespmem:s0+$0x178] =	vst.add.f32.msk $0xffff, v1  }
.LBB3_17:
0x110: {  	s26 =	sadd.s32 $0x1, s26  }
0x111: {  	p1 =	seq.s32 s26, $0x0  }
.Ltmp16:
0x112: {  	_ = 	snop;
	(pc) =	sbr.rel @p1 .LBB3_18-.Ltmp16, $2  }
0x113: {  	_ =	sdelay $0x2  }
0x114: {  	s23 =	sadd.s32 $0x1, s23;
	s25 =	sadd.s32 $0x80, s25;
	s29 =	smov.u32 s30  }
.LBB3_12:
0x115: {  	v1 =	vld.msk [tilespmem:s23+$0x0], $0x1;
	_ =	sdelay $0x4  }
0x116: {  	(v2sf) =	vpush v1, $0x0;
	_ =	sdelay $0xe  }
0x117: {  	s30 =	spop (v2sf)  }
0x118: {  	p1 =	sne.s32 s29, s30  }
.Ltmp17:
0x119: {  	_ = 	snop;
	(pc) =	sbr.rel @!p1 .LBB3_13-.Ltmp17, $2  }
0x11a: {  	_ =	sdelay $0x2  }
0x11b: {  	s0 =	sshll.u32 s22, $0x9  }
0x11c: {  	p1 =	seq.s32 s29, s24  }
.Ltmp18:
0x11d: {  	_ = 	snop;
	(pc) =	sbr.rel @!p1 .LBB3_15-.Ltmp18, $1  }
0x11e: {  	_ =	sdelay $0x3  }
0x11f: {  	s0 =	sshra.s32 s0, $0x2  }
.Ltmp19:
0x120: {  	s0 =	sadd.s32 $0x108, s0;
	(pc) =	sbr.rel .LBB3_16-.Ltmp19, $4  }
0x121: {  	[spmem:s16] =	stream.linear.scatter [tilespmem:s0], [sflag:$0x1], $0x80, $0x38;
	[tilespmem:$0x1F6F8] =	vst v63  }
0x122: {  	_ =	swait.ge [sflag:s12], $0x80  }
0x123: {  	[sflag:s12] =	ssyncset.done $0x0  }
0x124: {  	[sflag:s12] =	ssyncadd.s32 $0xFFFFFF80  }
.LBB3_15:
0x125: {  	s2 =	sshll.u32 s28, $0x9  }
0x126: {  	s2 =	sshra.s32 s2, $0x2  }
0x127: {  	v1 =	vld [tilespmem:s2+$0x7988];
	_ =	sdelay $0x3  }
0x128: {  	s0 =	sshra.s32 s0, $0x2  }
0x129: {  	[tilespmem:s0+$0x108] =	vst.add.f32.msk $0xffff, v1  }
0x12a: {  	v1 =	vld [tilespmem:s2+$0x7998];
	_ =	sdelay $0x4  }
0x12b: {  	[tilespmem:s0+$0x118] =	vst.add.f32.msk $0xffff, v1  }
0x12c: {  	v1 =	vld [tilespmem:s2+$0x79A8];
	_ =	sdelay $0x4  }
0x12d: {  	[tilespmem:s0+$0x128] =	vst.add.f32.msk $0xffff, v1  }
0x12e: {  	v1 =	vld [tilespmem:s2+$0x79B8];
	_ =	sdelay $0x4  }
0x12f: {  	[tilespmem:s0+$0x138] =	vst.add.f32.msk $0xffff, v1  }
0x130: {  	v1 =	vld [tilespmem:s2+$0x79C8];
	_ =	sdelay $0x4  }
0x131: {  	[tilespmem:s0+$0x148] =	vst.add.f32.msk $0xffff, v1  }
0x132: {  	v1 =	vld [tilespmem:s2+$0x79D8];
	_ =	sdelay $0x4  }
0x133: {  	[tilespmem:s0+$0x158] =	vst.add.f32.msk $0xffff, v1  }
0x134: {  	v1 =	vld [tilespmem:s2+$0x79E8];
	_ =	sdelay $0x4  }
0x135: {  	[tilespmem:s0+$0x168] =	vst.add.f32.msk $0xffff, v1  }
0x136: {  	v1 =	vld [tilespmem:s2+$0x79F8];
	_ =	sdelay $0x2  }
0x137: {  	p1 =	sgt.u32 s29, $0xFF0  }
0x138: {  	s2 =	sand.u32 @!p1 $0xFF8, s29  }
0x139: {  	s3 =	sadd.s32 $0x108, s0;
	[tilespmem:s0+$0x178] =	vst.add.f32.msk $0xffff, v1;
	s0 =	sadd.s32 @!p1 s1, s2;
	s2 =	sand.u32 @!p1 $0x7, s29  }
0x13a: {  	[hbm4b:s0+s2] =	stream.linear.scatter @!p1 [tilespmem:s3], [sflag:$0xC], $0x80, $0x38;
	[tilespmem:$0x1F6F8] =	vst v63  }
0x13b: {  	s0 =	simm.s32 $0x0  }
0x13c: {  	s0 =	simm.s32 @!p1 $0x200  }
0x13d: {  	s31 =	sadd.s32 s0, s31  }
.LBB3_16:
0x13e: {  	s0 =	sadd.s32 $0x1, s22  }
0x13f: {  	s2 =	smulhi.u32 $0x88888889, s0;
	_ =	sdelay $0x1  }
0x140: {  	v1 =	vld [tilespmem:s25+$0xFFFFFFC0];
	s2 =	sshrl.u32 s2, $0x7  }
0x141: {  	s2 =	smul.u32 $0xF0, s2;
	_ =	sdelay $0x1  }
0x142: {  	s22 =	ssub.s32 s0, s2  }
0x143: {  	s0 =	sshll.u32 s22, $0x7  }
0x144: {  	[tilespmem:s0+$0x108] =	vst v1  }
0x145: {  	v1 =	vld [tilespmem:s25+$0xFFFFFFD0];
	_ =	sdelay $0x4  }
0x146: {  	[tilespmem:s0+$0x118] =	vst v1  }
0x147: {  	v1 =	vld [tilespmem:s25+$0xFFFFFFE0];
	_ =	sdelay $0x4  }
0x148: {  	[tilespmem:s0+$0x128] =	vst v1  }
0x149: {  	v1 =	vld [tilespmem:s25+$0xFFFFFFF0];
	_ =	sdelay $0x4  }
0x14a: {  	[tilespmem:s0+$0x138] =	vst v1  }
0x14b: {  	v1 =	vld [tilespmem:s25+$0x0];
	_ =	sdelay $0x4  }
0x14c: {  	[tilespmem:s0+$0x148] =	vst v1  }
0x14d: {  	v1 =	vld [tilespmem:s25+$0x10];
	_ =	sdelay $0x4  }
0x14e: {  	[tilespmem:s0+$0x158] =	vst v1  }
0x14f: {  	v1 =	vld [tilespmem:s25+$0x20];
	_ =	sdelay $0x4  }
0x150: {  	[tilespmem:s0+$0x168] =	vst v1  }
0x151: {  	v1 =	vld [tilespmem:s25+$0x30]  }
.Ltmp20:
0x152: {  	_ = 	snop;
	(pc) =	sbr.rel .LBB3_17-.Ltmp20, $2  }
0x153: {  	_ =	sdelay $0x2  }
0x154: {  	s28 =	sadd.s32 $0x1, s28;
	[tilespmem:s0+$0x178] =	vst v1  }
.LBB3_19:
.Ltmp21:
0x155: {  	(pc) =	sbr.rel .LBB3_20-.Ltmp21, $4  }
0x156: {  	_ = 	snop  }
0x157: {  	s0 =	simm.s32 $0x2  }
0x158: {  	_ =	swait.ge [sflag:s0], $0x0  }
0x159: {  	s30 =	smov.u32 s29;
	[sflag:s0] =	ssyncset.done $0x0;
	s0 =	simm.s32 $0x0  }
.LBB3_22:
0x15a: {  	_ =	sfence.sel $0x180000  }
0x15b: {  	s0 =	simm.s32 $0x9;
	[bflag:$0x0] =	sbarrier.arrive $0xFFFF  }
0x15c: {  	s24 =	simm.s32 $0xA;
	[sflag:s0] =	ssyncpa.u1 $0x1  }
0x15d: {  	s25 =	simm.s32 $0xB;
	[sflag:s24] =	ssyncpa.u1 $0x1  }
0x15e: {  	s26 =	simm.s32 $0x2;
	[sflag:s25] =	ssyncpa.u1 $0x1  }
0x15f: {  	[sflag:s26] =	ssyncpa.u1 $0x1  }
0x160: {  	v0 =	vld [tilespmem:$0xF208];
	_ =	sdelay $0x4  }
0x161: {  	(v2sf) =	vpush v0, $0x0  }
0x162: {  	(v2sf) =	vpush v0, $0x1;
	_ =	sdelay $0x1  }
0x163: {  	(v2sf) =	vpush v0, $0x2;
	_ =	sdelay $0xb  }
0x164: {  	s0 =	spop (v2sf)  }
0x165: {  	s2 =	spop (v2sf)  }
0x166: {  	s3 =	smov.u32 s0;
	p0 =	sne.s32 s0, s2  }
0x167: {  	s4 =	spop (v2sf);
	s3 =	simm.s32 @!p0 $0xFFFFFFFF  }
0x168: {  	v2 =	vimm.s32 $0x1;
	v3 =	vlaneseq.u32;
	p0 =	seq.s32 s4, $0xFFFFFFFF;
	v1 =	vmov s3  }
0x169: {  	s16 =	stileid.u32;
	v0 =	vperm.xlane v0, v2;
	p1 =	sne.s32 @!p0 s0, s2;
	v1 =	vperm.xlane v1, v3  }
0x16a: {  	vm0 =	vcmask $0x3F04;
	s6 =	simm.s32 $0xF208;
	s0 =	simm.s32 @!p0 $0x1;
	p1 =	por !p1, p0  }
0x16b: {  	s3 =	sshll.u32 s16, $0x1;
	s2 =	sshll.u32 @!p0 s4, $0x9;
	s0 =	simm.s32 @p1 $0x0;
	v0 =	vsel vm0, v1, v0  }
0x16c: {  	s5 =	sor.u32 $0x1000, s3;
	s2 =	sshra.s32 @!p0 s2, $0x2;
	s0 =	sor.u32 @!p0 s0, s3;
	[tilespmem:$0xF208] =	vst v0  }
0x16d: {  	[spmem:s5] =	stream.linear.scatter [tilespmem:s6], [sflag:$0x1], $0x2, $0x38;
	[tilespmem:$0x1F6F8] =	vst v63  }
0x16e: {  	s2 =	sadd.s32 @!p0 $0x108, s2;
	s0 =	sshll.u32 @!p0 s0, $0x7  }
0x16f: {  	[spmem:s0] =	stream.linear.scatter @!p0 [tilespmem:s2], [sflag:$0x1], $0x80, $0x38;
	[tilespmem:$0x1F6F8] =	vst v63  }
0x170: {  	s0 =	simm.s32 @!p0 $0x82  }
0x171: {  	s28 =	simm.s32 $0x1;
	s0 =	simm.s32 @p0 $0x2  }
0x172: {  	_ =	swait.ge [sflag:s28], s0  }
0x173: {  	s0 =	ssub.s32 $0x0, s0;
	[sflag:s28] =	ssyncset.done $0x0  }
0x174: {  	p0 =	sne.s32 s16, $0x0;
	[sflag:s28] =	ssyncadd.s32 s0  }
.Ltmp22:
0x175: {  	_ =	sfence.stream.spmem;
	(pc) =	sbr.rel @p0 .LBB3_39-.Ltmp22, $4  }
0x176: {  	s29 =	simm.s32 $0x3;
	[bflag:$0x0] =	sbarrier.arrive $0xFFFF  }
0x177: {  	s30 =	simm.s32 $0x4;
	[sflag:s29] =	ssyncpa.u1 $0x1  }
0x178: {  	s31 =	simm.s32 $0x3C;
	[sflag:s30] =	ssyncpa.u1 $0x1  }
0x179: {  	s15 =	rddreg [dreg:$0x4];
	[sflag:s31] =	ssyncpa.u1 $0x1  }
0x17a: {  	_ =	sfence.stream.spmem;
	s0 =	simm.s32 $0x5  }
0x17b: {  	s2 =	simm.s32 $0x1000;
	s3 =	simm.s32 $0xF218;
	[sflag:s0] =	ssyncpa.u1 $0x0  }
0x17c: {  	[tilespmem:s3], [sflag:$0x5] =	stream.linear.gather [spmem:s2], $0x20, $0x38;
	[tilespmem:$0x1F6F8] =	vst v63  }
0x17d: {  	s26 =	simm.s32 $0x0;
	s28 =	simm.s32 $0xF238  }
0x17e: {  	[tilespmem:s28], [sflag:$0x5] =	stream.linear.gather [spmem:s26], $0x1000, $0x38;
	[tilespmem:$0x1F6F8] =	vst v63  }
0x17f: {  	_ =	swait.ge [sflag:s0], $0x1020  }
0x180: {  	[sflag:s0] =	ssyncset.done $0x0  }
0x181: {  	s29 =	simm.s32 $0x0;
	[sflag:s0] =	ssyncadd.s32 $0xFFFFEFE0  }
0x182: {  	v0 =	vld.msk [tilespmem:s29+$0xF218], $0x1;
	_ =	sdelay $0x1  }
0x183: {  	s30 =	simm.s32 $0x1  }
0x184: {  	v1 =	vld.msk [tilespmem:s30+$0xF218], $0x1;
	_ =	sdelay $0x1  }
0x185: {  	(v2sf) =	vpush v0, $0x0;
	_ =	sdelay $0x2  }
0x186: {  	(v2sf) =	vpush v1, $0x0;
	_ =	sdelay $0x2  }
0x187: {  	s31 =	simm.s32 $0x2  }
0x188: {  	v0 =	vld.msk [tilespmem:s31+$0xF218], $0x1;
	_ =	sdelay $0x2  }
0x189: {  	s4 =	simm.s32 $0xFFFFFFFF;
	s5 =	simm.s32 $0xFFFFFFFF;
	s0 =	simm.s32 $0xC  }
.LBB3_24:
0x18a: {  	s2 =	smov.u32 s5;
	s3 =	smov.u32 s4  }
0x18b: {  	s4 =	sshra.s32 s0, $0x2;
	p1 =	sne.s32 s0, $0x7C;
	s0 =	sadd.s32 $0x4, s0;
	(v2sf) =	vpush v0, $0x0  }
0x18c: {  	v0 =	vld.msk [tilespmem:s4+$0xF218], $0x1  }
.Ltmp23:
0x18d: {  	(pc) =	sbr.rel @p1 .LBB3_24-.Ltmp23, $4  }
0x18e: {  	s5 =	spop (v2sf)  }
0x18f: {  	p2 =	sne.s32 s3, $0xFFFFFFFF;
	s4 =	smov.u32 s5  }
0x190: {  	p3 =	seq.s32 s5, $0xFFFFFFFF;
	s4 =	smov.u32 @p2 s3  }
0x191: {  	s5 =	smov.u32 @p3 s2;
	s4 =	smov.u32 @p3 s3  }
0x192: {  	(v2sf) =	vpush v0, $0x0;
	_ =	sdelay $0x8  }
0x193: {  	s0 =	spop (v2sf)  }
0x194: {  	p1 =	sne.s32 s4, $0xFFFFFFFF;
	s2 =	smov.u32 s0  }
0x195: {  	s9 =	simm.s32 $0x6;
	p2 =	seq.s32 s0, $0xFFFFFFFF;
	s2 =	smov.u32 @p1 s4  }
0x196: {  	s6 =	simm.s32 $0x0;
	s2 =	smov.u32 @p2 s4;
	s3 =	spop (v2sf)  }
0x197: {  	s0 =	smov.u32 @p2 s5;
	p1 =	sne.s32 s2, $0xFFFFFFFF;
	s4 =	smov.u32 s3  }
.Ltmp24:
0x198: {  	p2 =	seq.s32 s3, $0xFFFFFFFF;
	s4 =	smov.u32 @p1 s2;
	(pc) =	sbr.rel .LBB3_26-.Ltmp24, $4  }
0x199: {  	s10 =	simm.s32 $0xF188;
	s4 =	smov.u32 @p2 s2;
	s7 =	spop (v2sf)  }
0x19a: {  	s11 =	simm.s32 $0x0;
	p1 =	sne.s32 s4, $0xFFFFFFFF;
	s8 =	smov.u32 s7  }
0x19b: {  	s3 =	smov.u32 @p2 s0;
	p2 =	seq.s32 s7, $0xFFFFFFFF;
	s8 =	smov.u32 @p1 s4  }
0x19c: {  	[sflag:s9] =	ssyncpa.u1 $0x0;
	s7 =	smov.u32 @p2 s3;
	s8 =	smov.u32 @p2 s4  }
.LBB3_32:
0x19d: {  	p1 =	sgt.u32 s12, $0xFF0  }
0x19e: {  	p2 =	seq.s32 @!p1 s12, s8  }
0x19f: {  	p1 =	por p1, p2  }
0x1a0: {  	p2 =	sne.s32 @!p1 s12, s7  }
0x1a1: {  	p1 =	por p1, !p2  }
0x1a2: {  	s0 =	sshll.u32 @p1 s11, $0x9  }
0x1a3: {  	s0 =	sand.u32 @!p1 $0xFF8, s12  }
0x1a4: {  	s2 =	sand.u32 @!p1 $0x7, s12;
	s0 =	sadd.s32 @!p1 s1, s0  }
0x1a5: {  	[tilespmem:s10], [sflag:$0x6] =	stream.linear.gather @!p1 [hbm4b:s0+s2], $0x80, $0x38;
	[tilespmem:$0x1F6F8] =	vst v63  }
0x1a6: {  	_ =	swait.ge @!p1 [sflag:s9], $0x80  }
0x1a7: {  	[sflag:s9] =	ssyncset.done @!p1 $0x0  }
0x1a8: {  	[sflag:s9] =	ssyncadd.s32 @!p1 $0xFFFFFF80  }
0x1a9: {  	v1 =	vld @!p1 [tilespmem:$0xF188];
	_ =	sdelay $0x2  }
0x1aa: {  	s0 =	sshll.u32 @!p1 s11, $0x9  }
0x1ab: {  	s2 =	sshrl.u32 @!p1 s0, $0x2  }
0x1ac: {  	[tilespmem:s2+$0xF238] =	vst.add.f32.msk @!p1 $0xffff, v1  }
0x1ad: {  	v1 =	vld @!p1 [tilespmem:$0xF198];
	_ =	sdelay $0x4  }
0x1ae: {  	[tilespmem:s2+$0xF248] =	vst.add.f32.msk @!p1 $0xffff, v1  }
0x1af: {  	v1 =	vld @!p1 [tilespmem:$0xF1A8];
	_ =	sdelay $0x4  }
0x1b0: {  	[tilespmem:s2+$0xF258] =	vst.add.f32.msk @!p1 $0xffff, v1  }
0x1b1: {  	v1 =	vld @!p1 [tilespmem:$0xF1B8];
	_ =	sdelay $0x4  }
0x1b2: {  	[tilespmem:s2+$0xF268] =	vst.add.f32.msk @!p1 $0xffff, v1  }
0x1b3: {  	v1 =	vld @!p1 [tilespmem:$0xF1C8];
	_ =	sdelay $0x4  }
0x1b4: {  	[tilespmem:s2+$0xF278] =	vst.add.f32.msk @!p1 $0xffff, v1  }
0x1b5: {  	v1 =	vld @!p1 [tilespmem:$0xF1D8];
	_ =	sdelay $0x4  }
0x1b6: {  	[tilespmem:s2+$0xF288] =	vst.add.f32.msk @!p1 $0xffff, v1  }
0x1b7: {  	v1 =	vld @!p1 [tilespmem:$0xF1E8];
	_ =	sdelay $0x4  }
0x1b8: {  	[tilespmem:s2+$0xF298] =	vst.add.f32.msk @!p1 $0xffff, v1  }
0x1b9: {  	v1 =	vld @!p1 [tilespmem:$0xF1F8];
	_ =	sdelay $0x4  }
0x1ba: {  	[tilespmem:s2+$0xF2A8] =	vst.add.f32.msk @!p1 $0xffff, v1  }
0x1bb: {  	s0 =	sshrl.u32 s0, $0x2;
	[tilespmem:s6+$0xF218] =	vst.msk $0x1, v0  }
0x1bc: {  	v0 =	vld [tilespmem:s0+$0xF238];
	_ =	sdelay $0x2  }
0x1bd: {  	s31 =	sshll.u32 s6, $0x9  }
0x1be: {  	s2 =	sshra.s32 s31, $0x2  }
0x1bf: {  	[tilespmem:s2+$0xF238] =	vst v0  }
0x1c0: {  	v0 =	vld [tilespmem:s0+$0xF248];
	_ =	sdelay $0x4  }
0x1c1: {  	[tilespmem:s2+$0xF248] =	vst v0  }
0x1c2: {  	v0 =	vld [tilespmem:s0+$0xF258];
	_ =	sdelay $0x4  }
0x1c3: {  	[tilespmem:s2+$0xF258] =	vst v0  }
0x1c4: {  	v0 =	vld [tilespmem:s0+$0xF268];
	_ =	sdelay $0x4  }
0x1c5: {  	[tilespmem:s2+$0xF268] =	vst v0  }
0x1c6: {  	v0 =	vld [tilespmem:s0+$0xF278];
	_ =	sdelay $0x4  }
0x1c7: {  	[tilespmem:s2+$0xF278] =	vst v0  }
0x1c8: {  	v0 =	vld [tilespmem:s0+$0xF288];
	_ =	sdelay $0x4  }
0x1c9: {  	[tilespmem:s2+$0xF288] =	vst v0  }
0x1ca: {  	v0 =	vld [tilespmem:s0+$0xF298];
	_ =	sdelay $0x4  }
0x1cb: {  	[tilespmem:s2+$0xF298] =	vst v0  }
0x1cc: {  	v0 =	vld [tilespmem:s0+$0xF2A8];
	_ =	sdelay $0x4  }
0x1cd: {  	s6 =	sadd.s32 $0x1, s6;
	[tilespmem:s2+$0xF2A8] =	vst v0  }
.LBB3_33:
0x1ce: {  	s11 =	sadd.s32 $0x1, s11  }
0x1cf: {  	p1 =	sne.s32 s11, $0x20  }
.Ltmp25:
0x1d0: {  	_ = 	snop;
	(pc) =	sbr.rel @!p1 .LBB3_34-.Ltmp25, $1  }
0x1d1: {  	_ =	sdelay $0x3  }
.LBB3_26:
0x1d2: {  	v0 =	vld.msk [tilespmem:s11+$0xF218], $0x1;
	_ =	sdelay $0x4  }
0x1d3: {  	(v2sf) =	vpush v0, $0x0;
	_ =	sdelay $0xe  }
0x1d4: {  	s12 =	spop (v2sf)  }
0x1d5: {  	p1 =	seq.s32 s12, $0xFFFFFFFF  }
.Ltmp26:
0x1d6: {  	_ = 	snop;
	(pc) =	sbr.rel @p1 .LBB3_33-.Ltmp26, $1  }
0x1d7: {  	_ =	sdelay $0x3  }
0x1d8: {  	p1 =	slt.s32 s6, $0x1  }
.Ltmp27:
0x1d9: {  	_ = 	snop;
	(pc) =	sbr.rel @p1 .LBB3_32-.Ltmp27, $1  }
0x1da: {  	_ =	sdelay $0x3  }
0x1db: {  	s13 =	simm.s32 $0xF218;
	p1 =	por $0x0, $0x0  }
0x1dc: {  	v1 =	vld.msk @!p1 [tilespmem:s13+$0x0], $0x1;
	_ =	sdelay $0x4  }
0x1dd: {  	(v2sf) =	vpush @!p1 v1, $0x0;
	_ =	sdelay $0xd  }
0x1de: {  	p3 =	sne.s32 s6, $0x1  }
.Ltmp28:
0x1df: {  	s0 =	spop @!p1 (v2sf);
	(pc) =	sbr.rel @!p3 .LBB3_30-.Ltmp28, $4  }
0x1e0: {  	p2 =	seq.s32 @!p1 s12, s0  }
0x1e1: {  	s14 =	simm.s32 $0x0;
	p2 =	por !p2, p1  }
0x1e2: {  	s2 =	simm.s32 $0xFFFFFFFF;
	s14 =	simm.s32 @p2 $0xFFFFFFFF  }
0x1e3: {  	s0 =	simm.s32 $0x1;
	s14 =	smov.u32 @p1 s2  }
.LBB3_29:
0x1e4: {  	s2 =	smov.u32 s14;
	p1 =	sne.s32 s14, $0xFFFFFFFF  }
0x1e5: {  	s13 =	sadd.s32 $0x1, s13;
	s14 =	smov.u32 s0;
	s0 =	sadd.s32 $0x1, s0  }
0x1e6: {  	p2 =	sne.s32 s6, s0;
	v1 =	vld.msk @!p1 [tilespmem:s13+$0x0], $0x1;
	_ =	sdelay $0x4  }
0x1e7: {  	(v2sf) =	vpush @!p1 v1, $0x0;
	_ =	sdelay $0xe  }
.Ltmp29:
0x1e8: {  	s3 =	spop @!p1 (v2sf);
	(pc) =	sbr.rel @p2 .LBB3_29-.Ltmp29, $4  }
0x1e9: {  	p3 =	seq.s32 @!p1 s12, s3  }
0x1ea: {  	p3 =	por !p3, p1  }
0x1eb: {  	s14 =	simm.s32 @p3 $0xFFFFFFFF  }
0x1ec: {  	s14 =	smov.u32 @p1 s2  }
.LBB3_30:
0x1ed: {  	p1 =	seq.s32 s14, $0xFFFFFFFF  }
.Ltmp30:
0x1ee: {  	_ = 	snop;
	(pc) =	sbr.rel @p1 .LBB3_32-.Ltmp30, $1  }
0x1ef: {  	_ =	sdelay $0x3  }
0x1f0: {  	s0 =	sshll.u32 s11, $0x7  }
0x1f1: {  	s0 =	sand.u32 $0x3FFFFF80, s0  }
0x1f2: {  	v0 =	vld [tilespmem:s0+$0xF238];
	_ =	sdelay $0x2  }
0x1f3: {  	s2 =	sshll.u32 s14, $0x9  }
0x1f4: {  	s2 =	sshra.s32 s2, $0x2  }
0x1f5: {  	[tilespmem:s2+$0xF238] =	vst.add.f32.msk $0xffff, v0  }
0x1f6: {  	v0 =	vld [tilespmem:s0+$0xF248];
	_ =	sdelay $0x4  }
0x1f7: {  	[tilespmem:s2+$0xF248] =	vst.add.f32.msk $0xffff, v0  }
0x1f8: {  	v0 =	vld [tilespmem:s0+$0xF258];
	_ =	sdelay $0x4  }
0x1f9: {  	[tilespmem:s2+$0xF258] =	vst.add.f32.msk $0xffff, v0  }
0x1fa: {  	v0 =	vld [tilespmem:s0+$0xF268];
	_ =	sdelay $0x4  }
0x1fb: {  	[tilespmem:s2+$0xF268] =	vst.add.f32.msk $0xffff, v0  }
0x1fc: {  	v0 =	vld [tilespmem:s0+$0xF278];
	_ =	sdelay $0x4  }
0x1fd: {  	[tilespmem:s2+$0xF278] =	vst.add.f32.msk $0xffff, v0  }
0x1fe: {  	v0 =	vld [tilespmem:s0+$0xF288];
	_ =	sdelay $0x4  }
0x1ff: {  	[tilespmem:s2+$0xF288] =	vst.add.f32.msk $0xffff, v0  }
0x200: {  	v0 =	vld [tilespmem:s0+$0xF298];
	_ =	sdelay $0x4  }
0x201: {  	[tilespmem:s2+$0xF298] =	vst.add.f32.msk $0xffff, v0  }
0x202: {  	v0 =	vld [tilespmem:s0+$0xF2A8]  }
.Ltmp31:
0x203: {  	_ = 	snop;
	(pc) =	sbr.rel .LBB3_33-.Ltmp31, $2  }
0x204: {  	_ =	sdelay $0x2  }
0x205: {  	[tilespmem:s2+$0xF2A8] =	vst.add.f32.msk $0xffff, v0  }
.LBB3_34:
0x206: {  	s0 =	simm.s32 $0x6;
	p1 =	seq.s32 s6, $0x0  }
0x207: {  	[sflag:s0] =	ssyncpa.u1 $0x1;
	v0 =	vimm.s32 @p1 $0xFFFFFFFF  }
0x208: {  	s9 =	sadd.s32 $0xFFFFFFFF, s6;
	[tilespmem:$0x10238] =	vst @p1 v0  }
0x209: {  	v0 =	vld.msk @!p1 [tilespmem:s9+$0xF218], $0x1;
	_ =	sdelay $0x1  }
0x20a: {  	v1 =	vld.msk @!p1 [tilespmem:$0xF218], $0x1;
	_ =	sdelay $0x2  }
0x20b: {  	p2 =	seq.s32 @!p1 s9, $0x0;
	v0 =	vbroadcast @!p1 v0, $0x0  }
0x20c: {  	vm0 =	vmmov @!p1 $0x1;
	p2 =	por !p2, p1  }
0x20d: {  	v1 =	vnsel @!p1 vm0, $0xFFFFFFFF, v1;
	vm0 =	vcmask @!p1 $0x308;
	v0 =	vpsel !p2, $0xFFFFFFFF, v0  }
0x20e: {  	p2 =	sne.s32 @!p1 s8, s7;
	v0 =	vsel @!p1 vm0, v1, v0  }
0x20f: {  	s0 =	simm.s32 @!p1 $0xF238;
	s2 =	simm.s32 @!p1 $0x0;
	p3 =	por !p2, p1;
	[tilespmem:$0x10238] =	vst @!p1 v0  }
0x210: {  	[spmem:s2] =	stream.linear.scatter @!p1 [tilespmem:s0], [sflag:$0x1], $0x80, $0x38;
	[tilespmem:$0x1F6F8] =	vst v63  }
0x211: {  	s0 =	sshll.u32 @!p3 s9, $0x9  }
0x212: {  	s0 =	sshra.s32 @!p3 s0, $0x2  }
0x213: {  	s2 =	simm.s32 @!p3 $0x80;
	s0 =	sadd.s32 @!p3 $0xF238, s0  }
0x214: {  	[spmem:s2] =	stream.linear.scatter @!p3 [tilespmem:s0], [sflag:$0x1], $0x80, $0x38;
	[tilespmem:$0x1F6F8] =	vst v63  }
0x215: {  	s0 =	simm.s32 @!p3 $0x1  }
0x216: {  	_ =	swait.ge @!p3 [sflag:s0], $0x100  }
0x217: {  	p1 =	por p2, p1;
	[sflag:s0] =	ssyncset.done @!p3 $0x0  }
0x218: {  	[sflag:s0] =	ssyncadd.s32 @!p3 $0xFFFFFF00;
	s0 =	simm.s32 @!p1 $0x1  }
0x219: {  	_ =	swait.ge @!p1 [sflag:s0], $0x80  }
0x21a: {  	s29 =	simm.s32 $0x10238;
	[sflag:s0] =	ssyncset.done @!p1 $0x0  }
0x21b: {  	s30 =	simm.s32 $0x1000;
	s31 =	simm.s32 $0x1;
	[sflag:s0] =	ssyncadd.s32 @!p1 $0xFFFFFF80  }
0x21c: {  	[spmem:s30] =	stream.linear.scatter [tilespmem:s29], [sflag:$0x1], $0x10, $0x38;
	[tilespmem:$0x1F6F8] =	vst v63  }
0x21d: {  	_ =	swait.ge [sflag:s31], $0x10  }
0x21e: {  	[sflag:s31] =	ssyncset.done $0x0  }
0x21f: {  	p1 =	seq.s32 s15, $0x0;
	s8 =	rddreg [dreg:$0x1];
	[sflag:s31] =	ssyncadd.s32 $0xFFFFFFF0  }
0x220: {  	s2 =	sshll.u32 @p1 s8, $0xE;
	s7 =	rddreg [dreg:$0x2]  }
0x221: {  	s0 =	sadd.s32 @p1 $0x15C3C, s2;
	s2 =	sshll.u32 @p1 s7, $0x11  }
0x222: {  	_ =	sfence.stream.spmem;
	s0 =	sor.u32 @p1 s2, s0  }
0x223: {  	[sflag:s0] =	ssyncadd.remote.s32 @p1 $0x1;
	s0 =	simm.s32 @p1 $0x4  }
0x224: {  	s3 =	simm.s32 @!p1 $0x3C;
	s2 =	sand.u32 $0xFFFFFFFE, s8;
	_ =	swait.ge @p1 [sflag:s0], $0x22  }
0x225: {  	s4 =	simm.s32 @!p1 $0x0;
	s2 =	sadd.s32 @!p1 $0x4, s2;
	[sflag:s0] =	ssyncset.done @p1 $0x0  }
0x226: {  	s5 =	simm.s32 @!p1 $0x100;
	[sflag:s0] =	ssyncadd.s32 @p1 $0xFFFFFFDE;
	s0 =	sshll.u32 @!p1 s2, $0x1A  }
0x227: {  	s2 =	sshll.u32 @!p1 s2, $0xD;
	s0 =	sor.u32 @!p1 s0, s7;
	_ =	swait.eq @!p1 [sflag:s3], $0x1  }
0x228: {  	s2 =	sor.u32 @!p1 $0x1C04, s2;
	s3 =	simm.s32 @!p1 $0x1C03;
	s0 =	sor.u32 @!p1 $0x80004000, s0  }
0x229: {  	[spmem:s5], [sflag:s2] =	dma.general @!p1 [spmem:s4], [sflag:s3], length:$0x20, [dreg:$0x0], stride_count:$0x0, ici_dest:s0, dma_misc:DstOpCode:WRITE  }
0x22a: {  	p2 =	slt.s32 s9, $0x2;
	s4 =	simm.s32 @!p1 $0x200;
	s5 =	simm.s32 @!p1 $0x202  }
0x22b: {  	[spmem:s5], [sflag:s2] =	dma.general @!p1 [spmem:s4], [sflag:s3], length:$0x2, [dreg:$0x0], stride_count:$0x0, ici_dest:s0, dma_misc:DstOpCode:WRITE  }
.Ltmp32:
0x22c: {  	s0 =	simm.s32 @!p1 $0x3;
	(pc) =	sbr.rel @p2 .LBB3_38-.Ltmp32, $4  }
0x22d: {  	s2 =	sshll.u32 @!p1 s8, $0xE;
	_ =	swait.ge @!p1 [sflag:s0], $0x22  }
0x22e: {  	s3 =	sshll.u32 @!p1 s7, $0x11;
	s2 =	sadd.s32 @!p1 $0x11C3C, s2;
	[sflag:s0] =	ssyncset.done @!p1 $0x0  }
0x22f: {  	[sflag:s0] =	ssyncadd.s32 @!p1 $0xFFFFFFDE;
	s0 =	sor.u32 @!p1 s3, s2  }
0x230: {  	[sflag:s0] =	ssyncadd.remote.s32 @!p1 $0xFFFFFFFF;
	s0 =	simm.s32 $0x0  }
0x231: {  	s0 =	simm.s32 $0xF219  }
0x232: {  	v0 =	vld.msk [tilespmem:s0+$0x0], $0x1;
	_ =	sdelay $0x4  }
0x233: {  	(v2sf) =	vpush v0, $0x0;
	_ =	sdelay $0xb  }
0x234: {  	s31 =	sadd.s32 $0xFFFFFFFE, s6  }
0x235: {  	s0 =	sadd.s32 $0xFFFFFFFF, s31  }
0x236: {  	p2 =	sne.s32 s0, $0x0  }
.Ltmp33:
0x237: {  	s2 =	spop (v2sf);
	(pc) =	sbr.rel @!p2 .LBB3_37-.Ltmp33, $4  }
0x238: {  	s4 =	simm.s32 $0xF2B8;
	s7 =	simm.s32 $0x0;
	p1 =	sgt.u32 s2, $0xFF0  }
0x239: {  	s5 =	simm.s32 $0x0;
	s6 =	simm.s32 $0xF21A;
	s3 =	sand.u32 @!p1 $0xFF8, s2  }
0x23a: {  	s2 =	sand.u32 @!p1 $0x7, s2;
	s7 =	simm.s32 @!p1 $0x200;
	s3 =	sadd.s32 @!p1 s1, s3  }
0x23b: {  	[hbm4b:s3+s2] =	stream.linear.scatter @!p1 [tilespmem:s4], [sflag:$0x5], $0x80, $0x38;
	[tilespmem:$0x1F6F8] =	vst v63  }
.LBB3_36:
0x23c: {  	v0 =	vld.msk [tilespmem:s6+$0x0], $0x1;
	s0 =	sadd.s32 $0xFFFFFFFF, s0;
	s5 =	sadd.s32 s5, s7  }
0x23d: {  	p1 =	sne.s32 s0, $0x0;
	_ =	sdelay $0x3  }
0x23e: {  	(v2sf) =	vpush v0, $0x0;
	_ =	sdelay $0xe  }
.Ltmp34:
0x23f: {  	s2 =	spop (v2sf);
	(pc) =	sbr.rel @p1 .LBB3_36-.Ltmp34, $4  }
0x240: {  	s7 =	simm.s32 $0x0;
	p2 =	sgt.u32 s2, $0xFF0  }
0x241: {  	s4 =	sadd.s32 $0x80, s4;
	s7 =	simm.s32 @!p2 $0x200;
	s3 =	sand.u32 @!p2 $0xFF8, s2  }
0x242: {  	s6 =	sadd.s32 $0x1, s6;
	s2 =	sand.u32 @!p2 $0x7, s2;
	s3 =	sadd.s32 @!p2 s1, s3  }
0x243: {  	[hbm4b:s3+s2] =	stream.linear.scatter @!p2 [tilespmem:s4], [sflag:$0x5], $0x80, $0x38;
	[tilespmem:$0x1F6F8] =	vst v63  }
.LBB3_37:
0x244: {  	s0 =	sadd.s32 s5, s7  }
0x245: {  	s0 =	sshrl.u32 s0, $0x2  }
.LBB3_38:
0x246: {  	s2 =	simm.s32 $0x5  }
0x247: {  	_ =	swait.ge [sflag:s2], s0  }
0x248: {  	s31 =	ssub.s32 $0x0, s0;
	[sflag:s2] =	ssyncset.done $0x0  }
0x249: {  	[sflag:s2] =	ssyncadd.s32 s31  }
0x24a: {  	[sflag:s2] =	ssyncpa.u1 $0x1  }
.LBB3_39:
0x24b: {  	s0 =	sor.u32 s15, s16  }
0x24c: {  	p1 =	sne.s32 s0, $0x0  }
.Ltmp35:
0x24d: {  	_ = 	snop;
	(pc) =	sbr.rel @p1 .LBB3_54-.Ltmp35, $3  }
0x24e: {  	_ =	sdelay $0x1  }
0x24f: {  	[bflag:$0x0] =	sbarrier.arrive $0xFFFF  }
0x250: {  	_ =	sfence  }
0x251: {  	s0 =	simm.s32 $0x7  }
0x252: {  	s2 =	simm.s32 $0x1000;
	s3 =	simm.s32 $0xF218;
	[sflag:s0] =	ssyncpa.u1 $0x0  }
0x253: {  	[tilespmem:s3], [sflag:$0x7] =	stream.linear.gather [spmem:s2], $0x20, $0x38;
	[tilespmem:$0x1F6F8] =	vst v63  }
0x254: {  	s30 =	simm.s32 $0xF238;
	s2 =	simm.s32 $0x0  }
0x255: {  	[tilespmem:s30], [sflag:$0x7] =	stream.linear.gather [spmem:s2], $0x1000, $0x38;
	[tilespmem:$0x1F6F8] =	vst v63  }
.Ltmp36:
0x256: {  	_ = 	snop;
	(pc) =	sbr.rel .LBB3_41-.Ltmp36, $4  }
0x257: {  	_ =	swait.ge [sflag:s0], $0x1020  }
0x258: {  	[sflag:s0] =	ssyncset.done $0x0  }
0x259: {  	s31 =	simm.s32 $0x8;
	[sflag:s0] =	ssyncadd.s32 $0xFFFFEFE0  }
0x25a: {  	s3 =	simm.s32 $0x0;
	[sflag:s31] =	ssyncpa.u1 $0x0  }
.LBB3_47:
0x25b: {  	p1 =	slt.u32 s4, $0xFF1  }
0x25c: {  	s0 =	sand.u32 @p1 $0xFF8, s4  }
0x25d: {  	s4 =	sand.u32 @p1 $0x7, s4;
	s5 =	simm.s32 @p1 $0xF188;
	s0 =	sadd.s32 @p1 s1, s0  }
0x25e: {  	[tilespmem:s5], [sflag:$0x8] =	stream.linear.gather @p1 [hbm4b:s0+s4], $0x80, $0x38;
	[tilespmem:$0x1F6F8] =	vst v63  }
0x25f: {  	s0 =	simm.s32 @p1 $0x8  }
0x260: {  	_ =	swait.ge @p1 [sflag:s0], $0x80  }
0x261: {  	[sflag:s0] =	ssyncset.done @p1 $0x0  }
0x262: {  	[sflag:s0] =	ssyncadd.s32 @p1 $0xFFFFFF80  }
0x263: {  	v1 =	vld @p1 [tilespmem:$0xF188];
	_ =	sdelay $0x2  }
0x264: {  	s0 =	sshll.u32 @p1 s3, $0x9  }
0x265: {  	s4 =	sshrl.u32 @p1 s0, $0x2  }
0x266: {  	[tilespmem:s4+$0xF238] =	vst.add.f32.msk @p1 $0xffff, v1  }
0x267: {  	v1 =	vld @p1 [tilespmem:$0xF198];
	_ =	sdelay $0x4  }
0x268: {  	[tilespmem:s4+$0xF248] =	vst.add.f32.msk @p1 $0xffff, v1  }
0x269: {  	v1 =	vld @p1 [tilespmem:$0xF1A8];
	_ =	sdelay $0x4  }
0x26a: {  	[tilespmem:s4+$0xF258] =	vst.add.f32.msk @p1 $0xffff, v1  }
0x26b: {  	v1 =	vld @p1 [tilespmem:$0xF1B8];
	_ =	sdelay $0x4  }
0x26c: {  	[tilespmem:s4+$0xF268] =	vst.add.f32.msk @p1 $0xffff, v1  }
0x26d: {  	v1 =	vld @p1 [tilespmem:$0xF1C8];
	_ =	sdelay $0x4  }
0x26e: {  	[tilespmem:s4+$0xF278] =	vst.add.f32.msk @p1 $0xffff, v1  }
0x26f: {  	v1 =	vld @p1 [tilespmem:$0xF1D8];
	_ =	sdelay $0x4  }
0x270: {  	[tilespmem:s4+$0xF288] =	vst.add.f32.msk @p1 $0xffff, v1  }
0x271: {  	v1 =	vld @p1 [tilespmem:$0xF1E8];
	_ =	sdelay $0x4  }
0x272: {  	[tilespmem:s4+$0xF298] =	vst.add.f32.msk @p1 $0xffff, v1  }
0x273: {  	v1 =	vld @p1 [tilespmem:$0xF1F8];
	_ =	sdelay $0x3  }
0x274: {  	s5 =	sshll.u32 @!p1 s3, $0x9  }
0x275: {  	s5 =	smov.u32 @p1 s0;
	[tilespmem:s4+$0xF2A8] =	vst.add.f32.msk @p1 $0xffff, v1  }
0x276: {  	s0 =	sshrl.u32 s5, $0x2;
	[tilespmem:s2+$0xF218] =	vst.msk $0x1, v0  }
0x277: {  	v0 =	vld [tilespmem:s0+$0xF238];
	_ =	sdelay $0x2  }
0x278: {  	s31 =	sshll.u32 s2, $0x9  }
0x279: {  	s4 =	sshra.s32 s31, $0x2  }
0x27a: {  	[tilespmem:s4+$0xF238] =	vst v0  }
0x27b: {  	v0 =	vld [tilespmem:s0+$0xF248];
	_ =	sdelay $0x4  }
0x27c: {  	[tilespmem:s4+$0xF248] =	vst v0  }
0x27d: {  	v0 =	vld [tilespmem:s0+$0xF258];
	_ =	sdelay $0x4  }
0x27e: {  	[tilespmem:s4+$0xF258] =	vst v0  }
0x27f: {  	v0 =	vld [tilespmem:s0+$0xF268];
	_ =	sdelay $0x4  }
0x280: {  	[tilespmem:s4+$0xF268] =	vst v0  }
0x281: {  	v0 =	vld [tilespmem:s0+$0xF278];
	_ =	sdelay $0x4  }
0x282: {  	[tilespmem:s4+$0xF278] =	vst v0  }
0x283: {  	v0 =	vld [tilespmem:s0+$0xF288];
	_ =	sdelay $0x4  }
0x284: {  	[tilespmem:s4+$0xF288] =	vst v0  }
0x285: {  	v0 =	vld [tilespmem:s0+$0xF298];
	_ =	sdelay $0x4  }
0x286: {  	[tilespmem:s4+$0xF298] =	vst v0  }
0x287: {  	v0 =	vld [tilespmem:s0+$0xF2A8];
	_ =	sdelay $0x4  }
0x288: {  	s2 =	sadd.s32 $0x1, s2;
	[tilespmem:s4+$0xF2A8] =	vst v0  }
.LBB3_48:
0x289: {  	s3 =	sadd.s32 $0x1, s3  }
0x28a: {  	p1 =	sne.s32 s3, $0x20  }
.Ltmp37:
0x28b: {  	_ = 	snop;
	(pc) =	sbr.rel @!p1 .LBB3_49-.Ltmp37, $1  }
0x28c: {  	_ =	sdelay $0x3  }
.LBB3_41:
0x28d: {  	v0 =	vld.msk [tilespmem:s3+$0xF218], $0x1;
	_ =	sdelay $0x4  }
0x28e: {  	(v2sf) =	vpush v0, $0x0;
	_ =	sdelay $0xe  }
0x28f: {  	s4 =	spop (v2sf)  }
0x290: {  	p1 =	seq.s32 s4, $0xFFFFFFFF  }
.Ltmp38:
0x291: {  	_ = 	snop;
	(pc) =	sbr.rel @p1 .LBB3_48-.Ltmp38, $1  }
0x292: {  	_ =	sdelay $0x3  }
0x293: {  	p1 =	slt.s32 s2, $0x1  }
.Ltmp39:
0x294: {  	_ = 	snop;
	(pc) =	sbr.rel @p1 .LBB3_47-.Ltmp39, $1  }
0x295: {  	_ =	sdelay $0x3  }
0x296: {  	s5 =	simm.s32 $0xF218;
	p1 =	por $0x0, $0x0  }
0x297: {  	v1 =	vld.msk @!p1 [tilespmem:s5+$0x0], $0x1;
	_ =	sdelay $0x4  }
0x298: {  	(v2sf) =	vpush @!p1 v1, $0x0;
	_ =	sdelay $0xd  }
0x299: {  	p3 =	sne.s32 s2, $0x1  }
.Ltmp40:
0x29a: {  	s0 =	spop @!p1 (v2sf);
	(pc) =	sbr.rel @!p3 .LBB3_45-.Ltmp40, $4  }
0x29b: {  	p2 =	seq.s32 @!p1 s4, s0  }
0x29c: {  	s6 =	simm.s32 $0x0;
	p2 =	por !p2, p1  }
0x29d: {  	s7 =	simm.s32 $0xFFFFFFFF;
	s6 =	simm.s32 @p2 $0xFFFFFFFF  }
0x29e: {  	s0 =	simm.s32 $0x1;
	s6 =	smov.u32 @p1 s7  }
.LBB3_44:
0x29f: {  	s7 =	smov.u32 s6;
	p1 =	sne.s32 s6, $0xFFFFFFFF  }
0x2a0: {  	s5 =	sadd.s32 $0x1, s5;
	s6 =	smov.u32 s0;
	s0 =	sadd.s32 $0x1, s0  }
0x2a1: {  	p2 =	sne.s32 s2, s0;
	v1 =	vld.msk @!p1 [tilespmem:s5+$0x0], $0x1;
	_ =	sdelay $0x4  }
0x2a2: {  	(v2sf) =	vpush @!p1 v1, $0x0;
	_ =	sdelay $0xe  }
.Ltmp41:
0x2a3: {  	s8 =	spop @!p1 (v2sf);
	(pc) =	sbr.rel @p2 .LBB3_44-.Ltmp41, $4  }
0x2a4: {  	p3 =	seq.s32 @!p1 s4, s8  }
0x2a5: {  	p3 =	por !p3, p1  }
0x2a6: {  	s6 =	simm.s32 @p3 $0xFFFFFFFF  }
0x2a7: {  	s6 =	smov.u32 @p1 s7  }
.LBB3_45:
0x2a8: {  	p1 =	seq.s32 s6, $0xFFFFFFFF  }
.Ltmp42:
0x2a9: {  	_ = 	snop;
	(pc) =	sbr.rel @p1 .LBB3_47-.Ltmp42, $1  }
0x2aa: {  	_ =	sdelay $0x3  }
0x2ab: {  	s0 =	sshll.u32 s3, $0x7  }
0x2ac: {  	s0 =	sand.u32 $0x3FFFFF80, s0  }
0x2ad: {  	v0 =	vld [tilespmem:s0+$0xF238];
	_ =	sdelay $0x2  }
0x2ae: {  	s4 =	sshll.u32 s6, $0x9  }
0x2af: {  	s4 =	sshra.s32 s4, $0x2  }
0x2b0: {  	[tilespmem:s4+$0xF238] =	vst.add.f32.msk $0xffff, v0  }
0x2b1: {  	v0 =	vld [tilespmem:s0+$0xF248];
	_ =	sdelay $0x4  }
0x2b2: {  	[tilespmem:s4+$0xF248] =	vst.add.f32.msk $0xffff, v0  }
0x2b3: {  	v0 =	vld [tilespmem:s0+$0xF258];
	_ =	sdelay $0x4  }
0x2b4: {  	[tilespmem:s4+$0xF258] =	vst.add.f32.msk $0xffff, v0  }
0x2b5: {  	v0 =	vld [tilespmem:s0+$0xF268];
	_ =	sdelay $0x4  }
0x2b6: {  	[tilespmem:s4+$0xF268] =	vst.add.f32.msk $0xffff, v0  }
0x2b7: {  	v0 =	vld [tilespmem:s0+$0xF278];
	_ =	sdelay $0x4  }
0x2b8: {  	[tilespmem:s4+$0xF278] =	vst.add.f32.msk $0xffff, v0  }
0x2b9: {  	v0 =	vld [tilespmem:s0+$0xF288];
	_ =	sdelay $0x4  }
0x2ba: {  	[tilespmem:s4+$0xF288] =	vst.add.f32.msk $0xffff, v0  }
0x2bb: {  	v0 =	vld [tilespmem:s0+$0xF298];
	_ =	sdelay $0x4  }
0x2bc: {  	[tilespmem:s4+$0xF298] =	vst.add.f32.msk $0xffff, v0  }
0x2bd: {  	v0 =	vld [tilespmem:s0+$0xF2A8]  }
.Ltmp43:
0x2be: {  	_ = 	snop;
	(pc) =	sbr.rel .LBB3_48-.Ltmp43, $2  }
0x2bf: {  	_ =	sdelay $0x2  }
0x2c0: {  	[tilespmem:s4+$0xF2A8] =	vst.add.f32.msk $0xffff, v0  }
.LBB3_49:
0x2c1: {  	p1 =	slt.s32 s2, $0x1  }
.Ltmp44:
0x2c2: {  	_ = 	snop;
	(pc) =	sbr.rel @p1 .LBB3_53-.Ltmp44, $3  }
0x2c3: {  	_ =	sdelay $0x1  }
0x2c4: {  	s0 =	simm.s32 $0x8  }
0x2c5: {  	s3 =	simm.s32 $0x0;
	[sflag:s0] =	ssyncpa.u1 $0x1  }
0x2c6: {  	s0 =	simm.s32 $0xF218  }
0x2c7: {  	v0 =	vld.msk [tilespmem:s0+$0x0], $0x1;
	_ =	sdelay $0x4  }
0x2c8: {  	(v2sf) =	vpush v0, $0x0;
	_ =	sdelay $0xe  }
0x2c9: {  	s0 =	sadd.s32 $0xFFFFFFFF, s2;
	s5 =	spop (v2sf)  }
0x2ca: {  	p2 =	sne.s32 s0, $0x0;
	p1 =	sgt.u32 s5, $0xFF0  }
.Ltmp45:
0x2cb: {  	s6 =	sand.u32 @!p1 $0xFF8, s5;
	(pc) =	sbr.rel @!p2 .LBB3_52-.Ltmp45, $4  }
0x2cc: {  	s4 =	simm.s32 $0xF238;
	s5 =	sand.u32 @!p1 $0x7, s5;
	s2 =	sadd.s32 @!p1 s1, s6  }
0x2cd: {  	[hbm4b:s2+s5] =	stream.linear.scatter @!p1 [tilespmem:s4], [sflag:$0x7], $0x80, $0x38;
	[tilespmem:$0x1F6F8] =	vst v63  }
0x2ce: {  	s5 =	simm.s32 $0x0  }
0x2cf: {  	s2 =	simm.s32 $0xF219;
	s5 =	simm.s32 @!p1 $0x200  }
.LBB3_51:
0x2d0: {  	v0 =	vld.msk [tilespmem:s2+$0x0], $0x1;
	s0 =	sadd.s32 $0xFFFFFFFF, s0;
	s3 =	sadd.s32 s3, s5  }
0x2d1: {  	p1 =	sne.s32 s0, $0x0;
	_ =	sdelay $0x3  }
0x2d2: {  	(v2sf) =	vpush v0, $0x0;
	_ =	sdelay $0xe  }
.Ltmp46:
0x2d3: {  	s6 =	spop (v2sf);
	(pc) =	sbr.rel @p1 .LBB3_51-.Ltmp46, $4  }
0x2d4: {  	s5 =	simm.s32 $0x0;
	p2 =	sgt.u32 s6, $0xFF0  }
0x2d5: {  	s4 =	sadd.s32 $0x80, s4;
	s5 =	simm.s32 @!p2 $0x200;
	s7 =	sand.u32 @!p2 $0xFF8, s6  }
0x2d6: {  	s2 =	sadd.s32 $0x1, s2;
	s6 =	sand.u32 @!p2 $0x7, s6;
	s7 =	sadd.s32 @!p2 s1, s7  }
0x2d7: {  	[hbm4b:s7+s6] =	stream.linear.scatter @!p2 [tilespmem:s4], [sflag:$0x7], $0x80, $0x38;
	[tilespmem:$0x1F6F8] =	vst v63  }
.LBB3_52:
0x2d8: {  	s0 =	sadd.s32 s3, s5  }
0x2d9: {  	s3 =	sshrl.u32 s0, $0x2  }
.LBB3_53:
0x2da: {  	s0 =	simm.s32 $0x7  }
0x2db: {  	_ =	swait.ge [sflag:s0], s3  }
0x2dc: {  	s1 =	ssub.s32 $0x0, s3;
	[sflag:s0] =	ssyncset.done $0x0  }
0x2dd: {  	[sflag:s0] =	ssyncadd.s32 s1  }
0x2de: {  	[sflag:s0] =	ssyncpa.u1 $0x1  }
.LBB3_54:
0x2df: {  	_ =	sfence;
	s0 =	simm.s32 $0x1  }
0x2e0: {  	[sflag:s0] =	ssyncpa.u1 $0x1  }
0x2e1: {  	_ =	strace $0x90000050  }
0x2e2: {  	[bflag:$0x2] =	sbarrier.arrive $0xFFFF  }
0x2e3: {  	s0 =	rddreg [dreg:$0x3]  }
0x2e4: {  	s0 =	sadd.s32 @!p0 $0x100000, s0  }
0x2e5: {  	[sflag:s0] =	ssyncadd.tile.s32 @!p0 $0x1;
	_ =	shalt  }
.Lfunc_end3:
_tile_overlayer_lowered:
.L_overlay_start_3:
0x2e6: {  	(tag) =	ssettag $0x3  }
0x2e7: {  	s0 =	rddreg [dreg:$0x0];
	s2 =	stileid.u32  }
0x2e8: {  	s1 =	rddreg [dreg:$0x1];
	p0 =	sne.s32 s2, $0x0  }
0x2e9: {  	s3 =	rddreg [dreg:$0x2];
	[bflag:$0x3] =	sbarrier.arrive $0xFFFF;
	s2 =	simm.s32 @!p0 $0x1C01  }
0x2ea: {  	[timem:s3], [sflag:s2] =	dma.local @!p0 [hbm:s0], s1  }
0x2eb: {  	s0 =	simm.s32 @!p0 $0x1  }
0x2ec: {  	_ =	swait.ge @!p0 [sflag:s0], s1  }
0x2ed: {  	s1 =	ssub.s32 @!p0 $0x0, s1;
	[sflag:s0] =	ssyncset.done @!p0 $0x0  }
0x2ee: {  	[sflag:s0] =	ssyncadd.s32 @!p0 s1  }
0x2ef: {  	[bflag:$0x3] =	sbarrier.arrive $0xFFFF  }
0x2f0: {  	_ =	shalt  }

// kernel: scatter_offload_async_start.2
scs
__scs_entry_jumppad:
0x0: {  	(pc) =	sbr.rel $0x88, $3  }
0x1: {  	(tag) =	ssettag $0x0;
	lr =	simm.s32 $0x1  }
0x2: {  	[smem:$0x3F79] =	sst lr;
	_ =	strace $0xD0000000  }
0x3: {  	_ = 	snop  }
0x4: {  	_ = 	snop  }
0x5: {  	_ = 	snop  }
0x6: {  	_ = 	snop  }
0x7: {  	_ = 	snop  }
__scs_overlays_trampoline_lowered:
0x8: {  	[smem:$0x3F88] =	sst s0  }
0x9: {  	[smem:$0x3F89] =	sst s1  }
0xa: {  	[smem:$0x3F8A] =	sst s2  }
0xb: {  	[smem:$0x3F8B] =	sst s3  }
0xc: {  	[smem:$0x3F8C] =	sst s4  }
0xd: {  	[smem:$0x3F8D] =	sst s5  }
0xe: {  	[smem:$0x3F8E] =	sst s6  }
0xf: {  	[smem:$0x3F8F] =	sst s7  }
0x10: {  	[smem:$0x3F90] =	sst s8  }
0x11: {  	[smem:$0x3F91] =	sst s9;
	s0 =	simm.s32 @!p0 $0x0  }
0x12: {  	s1 =	sld [smem:$0x3F77];
	s0 =	simm.s32 @p0 $0x1  }
0x13: {  	[smem:$0x3F92] =	sst s0;
	s0 =	simm.s32 @!p1 $0x0  }
0x14: {  	s2 =	sld [smem:$0x3F76];
	s0 =	simm.s32 @p1 $0x1  }
0x15: {  	[smem:$0x3F93] =	sst s0;
	s0 =	simm.s32 @!p2 $0x0  }
0x16: {  	s3 =	sld [smem:$0x3FDB];
	s0 =	simm.s32 @p2 $0x1  }
0x17: {  	s4 =	simm.s32 $0x1BF5;
	[smem:$0x3F95] =	sst s0  }
0x18: {  	s0 =	sld [smem:$0x3F78];
	_ =	swait.ge [sflag:s4], $0x0  }
0x19: {  	s7 =	sld [smem:$0x3F79]  }
0x1a: {  	s8 =	sadd.s32 $0xFFFFE003, lr  }
0x1b: {  	s9 =	sadd.s32 $0xFFFFFEF7, lr;
	s5 =	simm.s32 $0xFFFFFFFF;
	p2 =	slt.u32 s8, $0xFFFFF086  }
0x1c: {  	p1 =	slt.u32 s9, $0xF7A;
	s5 =	simm.s32 @!p2 $0x0  }
0x1d: {  	s5 =	simm.s32 @p1 $0x1;
	p0 =	seq.s32 s7, s2  }
0x1e: {  	s7 =	smul.u32 @!p0 $0xF7A, s2;
	p2 =	seq.s32 @!p0 s5, $0x0  }
0x1f: {  	s9 =	smul.u32 $0xF7A, s1;
	s8 =	simm.s32 @!p0 $0x1BF5;
	p2 =	por !p2, p0  }
0x20: {  	[sflag:s8] =	ssyncset.s32 @!p0 $0xFFFFF086;
	s6 =	sadd.s32 @!p0 s3, s7;
	s7 =	simm.s32 @!p0 $0x108  }
0x21: {  	s3 =	sadd.s32 s3, s9;
	s6 =	sadd.s32 @!p0 $0x88, s6;
	s7 =	simm.s32 @p2 $0x1082  }
0x22: {  	[simem:s7], [sflag:s8] =	dma.local @!p0 [hbm:s6], $0xF7A  }
0x23: {  	s9 =	sor.u32 $0xD0000000, s2;
	s6 =	simm.s32 $0x108;
	_ =	swait.ge @!p0 [sflag:s8], $0x0  }
0x24: {  	s3 =	sadd.s32 $0x88, s3;
	s6 =	simm.s32 @!p1 $0x1082;
	[sflag:s4] =	ssyncset.s32 $0xFFFFF086  }
0x25: {  	[simem:s6], [sflag:s4] =	dma.local [hbm:s3], $0xF7A  }
0x26: {  	[smem:$0x3F79] =	sst s1;
	(tag) =	ssettag s2;
	_ =	strace s9  }
0x27: {  	s1 =	sld [smem:$0x3F89]  }
0x28: {  	s2 =	sld [smem:$0x3F8A]  }
0x29: {  	s4 =	sld [smem:$0x3F8C]  }
0x2a: {  	p0 =	seq.s32 s5, $0x0;
	s5 =	sld [smem:$0x3F8D]  }
0x2b: {  	s6 =	sld [smem:$0x3F8E]  }
0x2c: {  	s7 =	sld [smem:$0x3F8F]  }
0x2d: {  	s3 =	simm.s32 $0x108;
	s8 =	sld [smem:$0x3F90]  }
0x2e: {  	s3 =	simm.s32 @!p0 $0x1082;
	s9 =	sld [smem:$0x3F91]  }
0x2f: {  	lr =	sadd.s32 s0, s3;
	s0 =	sld [smem:$0x3F88]  }
0x30: {  	s3 =	sld [smem:$0x3F8B]  }
0x31: {  	[smem:$0x3F94] =	sst s10  }
0x32: {  	s10 =	sld [smem:$0x3F92];
	_ =	sdelay $0x3  }
0x33: {  	p0 =	seq.s32 s10, $0x1;
	s10 =	sld [smem:$0x3F94];
	_ =	sdelay $0x3  }
0x34: {  	[smem:$0x3F94] =	sst s10  }
0x35: {  	s10 =	sld [smem:$0x3F93];
	_ =	sdelay $0x3  }
0x36: {  	p1 =	seq.s32 s10, $0x1;
	s10 =	sld [smem:$0x3F94];
	_ =	sdelay $0x3  }
0x37: {  	[smem:$0x3F94] =	sst s10  }
0x38: {  	s10 =	sld [smem:$0x3F95]  }
0x39: {  	_ = 	snop;
	(pc) =	sbr.ind lr, $3  }
0x3a: {  	_ = 	snop  }
0x3b: {  	_ = 	snop  }
0x3c: {  	p2 =	seq.s32 s10, $0x1;
	s10 =	sld [smem:$0x3F94]  }
0x3d: {  	_ =	shalt  }
0x3e: {  	_ =	shalt  }
0x3f: {  	_ =	shalt  }
0x40: {  	_ =	shalt  }
0x41: {  	_ =	shalt  }
0x42: {  	_ =	shalt  }
0x43: {  	_ =	shalt  }
0x44: {  	_ =	shalt  }
0x45: {  	_ =	shalt  }
0x46: {  	_ =	shalt  }
0x47: {  	_ =	shalt  }
0x48: {  	_ =	shalt  }
0x49: {  	_ =	shalt  }
0x4a: {  	_ =	shalt  }
0x4b: {  	_ =	shalt  }
0x4c: {  	_ =	shalt  }
0x4d: {  	_ =	shalt  }
0x4e: {  	_ =	shalt  }
0x4f: {  	_ =	shalt  }
0x50: {  	_ =	shalt  }
0x51: {  	_ =	shalt  }
0x52: {  	_ =	shalt  }
0x53: {  	_ =	shalt  }
0x54: {  	_ =	shalt  }
0x55: {  	_ =	shalt  }
0x56: {  	_ =	shalt  }
0x57: {  	_ =	shalt  }
0x58: {  	_ =	shalt  }
0x59: {  	_ =	shalt  }
0x5a: {  	_ =	shalt  }
0x5b: {  	_ =	shalt  }
0x5c: {  	_ =	shalt  }
0x5d: {  	_ =	shalt  }
0x5e: {  	_ =	shalt  }
0x5f: {  	_ =	shalt  }
0x60: {  	_ =	shalt  }
0x61: {  	_ =	shalt  }
0x62: {  	_ =	shalt  }
0x63: {  	_ =	shalt  }
0x64: {  	_ =	shalt  }
0x65: {  	_ =	shalt  }
0x66: {  	_ =	shalt  }
0x67: {  	_ =	shalt  }
0x68: {  	_ =	shalt  }
0x69: {  	_ =	shalt  }
0x6a: {  	_ =	shalt  }
0x6b: {  	_ =	shalt  }
0x6c: {  	_ =	shalt  }
0x6d: {  	_ =	shalt  }
0x6e: {  	_ =	shalt  }
0x6f: {  	_ =	shalt  }
0x70: {  	_ =	shalt  }
0x71: {  	_ =	shalt  }
0x72: {  	_ =	shalt  }
0x73: {  	_ =	shalt  }
0x74: {  	_ =	shalt  }
0x75: {  	_ =	shalt  }
0x76: {  	_ =	shalt  }
0x77: {  	_ =	shalt  }
0x78: {  	_ =	shalt  }
0x79: {  	_ =	shalt  }
0x7a: {  	_ =	shalt  }
0x7b: {  	_ =	shalt  }
0x7c: {  	_ =	shalt  }
0x7d: {  	_ =	shalt  }
0x7e: {  	_ =	shalt  }
0x7f: {  	_ =	shalt  }
0x80: {  	_ =	shalt  }
0x81: {  	_ =	shalt  }
0x82: {  	_ =	shalt  }
0x83: {  	_ =	shalt  }
0x84: {  	_ =	shalt  }
0x85: {  	_ =	shalt  }
0x86: {  	_ =	shalt  }
0x87: {  	_ =	shalt  }
.Lfunc_end0:
.L_simem_size_0:
called_computation.2_lowered:
.L_overlay_start_0:
0x88: {  	s2 =	sld [smem:$0x3FD9]  }
0x89: {  	s3 =	sld [smem:$0x3FFE];
	_ =	sdelay $0x1  }
0x8a: {  	s1 =	srdreg.scid  }
0x8b: {  	s0 =	sand.u32 $0x1, s1  }
0x8c: {  	s15 =	sshll.u32 s0, $0xA;
	s2 =	sadd.s32 s3, s2  }
0x8d: {  	s2 =	sadd.s32 s2, s15  }
0x8e: {  	[smem:$0x3FA0] =	sst s2  }
0x8f: {  	_ = 	snop  }
0x90: {  	(tm) =	ssettm $0x1  }
0x91: {  	s16 =	sld [smem:$0x3FFB];
	_ =	sdelay $0x3  }
0x92: {  	_ =	strace s16  }
0x93: {  	s2 =	sld [smem:$0x3FFC];
	_ =	sdelay $0x3  }
0x94: {  	_ =	strace s2  }
0x95: {  	s2 =	sld [smem:$0x3FFD];
	_ =	sdelay $0x3  }
0x96: {  	_ =	strace s2  }
0x97: {  	_ =	strace $0x8FFFFFFF  }
0x98: {  	s17 =	sld [smem:$0x3FDB];
	_ =	sdelay $0x1  }
0x99: {  	s18 =	simm.s32 $_scs_section_size  }
0x9a: {  	s4 =	simm.s32 $_size__tile_overlayer_lowered;
	s5 =	simm.s32 $_tile_overlayer_lowered  }
0x9b: {  	s21 =	simm.s32 $0x1BFF;
	s20 =	sshll.u32 s5, $0x1;
	s2 =	sadd.s32 s18, s17  }
0x9c: {  	s6 =	simm.s32 $0x0;
	s19 =	sshll.u32 s4, $0x1;
	s4 =	sadd.s32 s20, s2  }
0x9d: {  	[timem:s6], [sflag:s21] =	dma.local [hbm:s4], s19  }
0x9e: {  	_ =	swait.ge [sflag:s21], s19  }
0x9f: {  	s3 =	ssub.s32 $0x0, s19;
	[sflag:s21] =	ssyncset.done $0x0  }
0xa0: {  	[sflag:s21] =	ssyncadd.s32 s3;
	_ =	sdelay $0x1  }
0xa1: {  	s22 =	simm.s32 $0x1B8B  }
0xa2: {  	_ =	swait.ge [sflag:s22], $0x1  }
0xa3: {  	[sflag:s22] =	ssyncset.done $0x0  }
0xa4: {  	s23 =	sld [smem:$0x3FFE];
	[sflag:s22] =	ssyncadd.s32 $0xFFFFFFFF  }
0xa5: {  	s25 =	simm.s32 $0x1B8E;
	s24 =	sld [smem:$0x0]  }
0xa6: {  	s26 =	simm.s32 $execute0_lowered;
	[smem:$0x3FD2] =	sst s25  }
0xa7: {  	s5 =	sshll.u32 s26, $0x1;
	_ =	strace $0x80000052;
	[dreg:$0x1] =	wrdreg $0xFFFFFFFF  }
0xa8: {  	s28 =	simm.s32 $_size_execute0_lowered;
	s2 =	sadd.s32 s2, s5;
	[dreg:$0x0] =	wrdreg $0x0  }
0xa9: {  	s5 =	sshll.u32 s28, $0x1;
	[dreg:$0x2] =	wrdreg s2  }
0xaa: {  	[dreg:$0x3] =	wrdreg s5  }
0xab: {  	[dreg:$0x4] =	wrdreg $0xC0  }
0xac: {  	_ =	task [dreg:s6], $0x5FFFF  }
0xad: {  	[dreg:$0x1] =	wrdreg $0xFFFFFFFF  }
0xae: {  	[dreg:$0x0] =	wrdreg $0x60  }
0xaf: {  	[dreg:$0x2] =	wrdreg s23  }
0xb0: {  	[dreg:$0x3] =	wrdreg s1  }
0xb1: {  	[dreg:$0x4] =	wrdreg s24  }
0xb2: {  	[dreg:$0x5] =	wrdreg $0x9  }
0xb3: {  	_ =	task.clear_ibuf [dreg:s6], $0x6FFFF;
	_ =	strace $0x90000052  }
0xb4: {  	s29 =	simm.s32 $0x9;
	_ =	strace $0x80000054  }
0xb5: {  	_ =	swait.ge [sflag:s29], $0x1  }
0xb6: {  	[sflag:s29] =	ssyncadd.s32 $0xFFFFFFFF  }
0xb7: {  	_ =	strace $0x90000054  }
0xb8: {  	_ =	sfence  }
0xb9: {  	s30 =	sld [smem:$0x0];
	_ =	sdelay $0x2  }
0xba: {  	s31 =	sshll.u32 s1, $0xD;
	s1 =	sshrl.u32 s1, $0x2  }
0xbb: {  	s3 =	sand.u32 $0x4000, s31;
	s1 =	sadd.s32 s1, s30  }
0xbc: {  	s0 =	sor.u32 s3, s0;
	s1 =	sshll.u32 s1, $0x11  }
0xbd: {  	s0 =	sor.u32 s1, s0  }
0xbe: {  	s0 =	sadd.s32 $0x8F2B, s0  }
0xbf: {  	[sflag:s0] =	ssyncadd.remote.s32 $0x1  }
0xc0: {  	_ =	sfence.sel $0xFFFF  }
0xc1: {  	[dreg:$0x0] =	wrdreg $0xFFFFFFFF;
	(pc) =	sbr.abs _section_cstart, $3  }
0xc2: {  	[dreg:$0x1] =	wrdreg $0xFFFFFFFF  }
0xc3: {  	_ =	task.clear_ibuf [dreg:s6], $0x2FFFF;
	_ =	strace $0x9FFFFFFF  }
0xc4: {  	(tm) =	ssettm $0x7FFFFFFF  }
0xc5: {  	_ =	shalt  }
tec
execute0_lowered:
.L_overlay_start_1:
0x0: {  	(tag) =	ssettag $0x1  }
0x1: {  	s0 =	rddreg [dreg:$0x0]  }
0x2: {  	s2 =	rddreg [dreg:$0x1];
	_ =	strace $0x80000053;
	s1 =	simm.s32 $0x1  }
0x3: {  	s9 =	simm.s32 $0x108;
	v0 =	vimm.s32 $0x0;
	[sflag:s1] =	ssyncpa.u1 $0x0  }
0x4: {  	[tilespmem:s9+$0x70] =	vst v0  }
0x5: {  	[tilespmem:s9+$0x60] =	vst v0  }
0x6: {  	[tilespmem:s9+$0x50] =	vst v0  }
0x7: {  	[tilespmem:s9+$0x40] =	vst v0  }
0x8: {  	s1 =	sadd.s32 $0xFA00, s0;
	s15 =	sadd.s32 $0x10FA00, s0;
	[tilespmem:s9+$0x30] =	vst v0  }
0x9: {  	s6 =	sadd.s32 $0x113A00, s0;
	s2 =	sand.u32 $0x1, s2;
	s14 =	sadd.s32 $0x111A00, s0;
	[tilespmem:s9+$0x20] =	vst v0  }
0xa: {  	s0 =	simm.s32 $0x40;
	[dreg:$0x4] =	wrdreg s2;
	s16 =	sshll.u32 s2, $0xC;
	[tilespmem:s9+$0x10] =	vst v0  }
.LBB2_1:
0xb: {  	s0 =	sadd.s32 $0x40, s0;
	[tilespmem:s9+$0x0] =	vst v0;
	s9 =	sadd.s32 $0x80, s9  }
0xc: {  	p0 =	slt.u32 s0, $0x3C40;
	[tilespmem:s9+$0x70] =	vst v0  }
0xd: {  	[tilespmem:s9+$0x60] =	vst v0  }
.Ltmp0:
0xe: {  	[tilespmem:s9+$0x50] =	vst v0;
	(pc) =	sbr.rel @p0 .LBB2_1-.Ltmp0, $4  }
0xf: {  	[tilespmem:s9+$0x40] =	vst v0  }
0x10: {  	[tilespmem:s9+$0x30] =	vst v0  }
0x11: {  	[tilespmem:s9+$0x20] =	vst v0  }
0x12: {  	[tilespmem:s9+$0x10] =	vst v0  }
0x13: {  	s5 =	stileid.u32  }
0x14: {  	s0 =	smin.u32 s5, $0x9;
	s2 =	sshll.u32 s5, $0x3  }
0x15: {  	s0 =	sadd.s32 s0, s2  }
0x16: {  	p0 =	slt.u32 s5, $0x9;
	s7 =	smul.u32 $0xF0, s0;
	s0 =	simm.s32 $0x870  }
0x17: {  	s0 =	simm.s32 @!p0 $0x780  }
0x18: {  	s0 =	sadd.s32 s0, s7  }
0x19: {  	s8 =	smin.u32 s0, $0x8000  }
0x1a: {  	s0 =	ssub.s32 s8, s7  }
0x1b: {  	p0 =	sgt.s32 s0, $0x0  }
0x1c: {  	s0 =	simm.s32 @!p0 $0x0  }
0x1d: {  	s3 =	simm.s32 $0x2;
	s10 =	simm.s32 $0x9;
	s30 =	smul.u32 $0x8889, s0  }
0x1e: {  	s4 =	simm.s32 $0xA;
	s11 =	simm.s32 $0xB;
	s12 =	simm.s32 $0x1  }
0x1f: {  	s14 =	sadd.s32 s16, s14;
	s15 =	sadd.s32 s16, s15;
	s2 =	sshrl.u32 s30, $0x17  }
0x20: {  	s22 =	simm.s32 $0x0;
	s18 =	simm.s32 $0xC;
	s31 =	smul.u32 $0xF0, s2  }
.Ltmp1:
0x21: {  	[tilespmem:s9+$0x0] =	vst v0;
	v0 =	vimm.s32 $0xFFFFFFFF;
	s20 =	simm.s32 $0x0;
	[sflag:s3] =	ssyncpa.u1 $0x0;
	(pc) =	sbr.rel .LBB2_3-.Ltmp1, $4  }
0x22: {  	[tilespmem:$0xF208] =	vst v0;
	[sflag:s10] =	ssyncpa.u1 $0x0;
	p0 =	sne.s32 s0, s31;
	s0 =	simm.s32 $0x1  }
0x23: {  	s21 =	simm.s32 $0x0;
	[sflag:s4] =	ssyncpa.u1 $0x0;
	s0 =	simm.s32 @!p0 $0x0  }
0x24: {  	s16 =	sshll.u32 s5, $0x8;
	[sflag:s11] =	ssyncpa.u1 $0x0;
	s13 =	sadd.s32 s2, s0  }
0x25: {  	v0 =	vlaneseq.u32;
	s19 =	smov.u32 s7;
	p0 =	por $0x0, $0x0;
	s17 =	sadd.s32 $0x1, s13  }
.LBB2_18:
0x26: {  	s0 =	sshrl.u32 s31, $0x2  }
.LBB2_20:
0x27: {  	_ =	swait.ge [sflag:s18], s0  }
0x28: {  	s31 =	ssub.s32 $0x0, s0;
	v1 =	vmov s24;
	vm0 =	veq.s32 v0, $0x0;
	[sflag:s18] =	ssyncset.done $0x0  }
0x29: {  	vm15 =	veq.s32 v0, $0x2;
	v1 =	vsel vm0, s30, v1;
	[sflag:s18] =	ssyncadd.s32 s31  }
0x2a: {  	v1 =	vsel vm15, s22, v1;
	[sflag:s18] =	ssyncpa.u1 $0x1  }
0x2b: {  	[tilespmem:$0xF208] =	vst v1  }
.LBB2_21:
0x2c: {  	s0 =	sadd.s32 $0xF0, s19  }
0x2d: {  	s2 =	smov.u32 s7;
	p1 =	slt.s32 s0, s8  }
0x2e: {  	s2 =	smov.u32 @p1 s0;
	p1 =	sne.s32 s21, s17  }
.Ltmp2:
0x2f: {  	_ = 	snop;
	(pc) =	sbr.rel @!p1 .LBB2_22-.Ltmp2, $3  }
0x30: {  	_ =	sdelay $0x1  }
0x31: {  	s22 =	smov.u32 s20;
	s31 =	sadd.s32 $0x1, s21;
	s20 =	smov.u32 s19  }
0x32: {  	p0 =	por !p0, !p0;
	s21 =	smov.u32 s31;
	s19 =	smov.u32 s2  }
.LBB2_3:
0x33: {  	p1 =	sge.u32 s21, s13  }
0x34: {  	s0 =	smulhi.u32 @!p1 $0xAAAAAAAB, s21  }
0x35: {  	s2 =	smov.u32 s19;
	p2 =	sgt.s32 @!p1 s19, $0x7F10  }
0x36: {  	s3 =	sshra.s32 @!p1 s19, $0x1F;
	p2 =	por !p2, p1;
	s0 =	sshrl.u32 @!p1 s0, $0x1  }
0x37: {  	s3 =	sand.u32 @!p1 s3, s19;
	s2 =	simm.s32 @p2 $0x7F10;
	s0 =	smul.u32 @!p1 $0x3, s0  }
0x38: {  	s2 =	ssub.s32 @!p1 s2, s3  }
0x39: {  	s2 =	sadd.s32 @!p1 $0xFFFF80F0, s2;
	s0 =	ssub.s32 @!p1 s21, s0  }
0x3a: {  	s3 =	sshll.u32 @!p1 s2, $0x2;
	p2 =	sgt.s32 @!p1 s2, $0xEF;
	s0 =	smul.u32 @!p1 $0x3C0, s0  }
0x3b: {  	s4 =	sand.u32 @!p1 $0x7, s19;
	s2 =	ssub.s32 @!p1 $0x3C0, s3;
	p2 =	por !p2, p1  }
0x3c: {  	s3 =	sshrl.u32 @!p1 s19, $0x3;
	s2 =	sshrl.u32 @!p1 s2, $0x2;
	s0 =	sshrl.u32 @!p1 s0, $0x2  }
0x3d: {  	s3 =	sadd.s32 @!p1 s3, s14;
	s2 =	simm.s32 @!p2 $0x0;
	s0 =	sadd.s32 @!p1 $0x10248, s0  }
0x3e: {  	[tilespmem:s0], [sflag:$0xA] =	stream.linear.gather @!p1 [hbm4b:s3+s4], s2, $0x38;
	[tilespmem:$0x1F6F8] =	vst v63  }
0x3f: {  	s0 =	sadd.s32 $0xFFFFFFFF, s21  }
0x40: {  	p1 =	sge.u32 s0, s13  }
0x41: {  	p2 =	sgt.s32 @!p1 s20, $0x7F10  }
0x42: {  	s2 =	smov.u32 s20;
	s3 =	sshra.s32 @!p1 s20, $0x1F;
	p2 =	por !p2, p1  }
0x43: {  	s3 =	sand.u32 @!p1 s3, s20;
	s2 =	simm.s32 @p2 $0x7F10  }
0x44: {  	s2 =	ssub.s32 @!p1 s2, s3  }
0x45: {  	s2 =	sadd.s32 @!p1 $0xFFFF80F0, s2  }
0x46: {  	s4 =	sand.u32 @!p1 $0x1, s0;
	s3 =	sshll.u32 @!p1 s2, $0x2  }
0x47: {  	p2 =	sgt.s32 @!p1 s2, $0xEF;
	s2 =	ssub.s32 @!p1 $0x3C0, s3;
	s3 =	smulhi.u32 @!p1 $0xAAAAAAAB, s0  }
0x48: {  	s23 =	smul.u32 @!p1 $0x3C0, s4;
	p2 =	por !p2, p1;
	s2 =	sshrl.u32 @!p1 s2, $0x2  }
0x49: {  	s5 =	simm.s32 @!p1 $0xA;
	s2 =	simm.s32 @!p2 $0x0;
	s3 =	sshrl.u32 @!p1 s3, $0x1  }
0x4a: {  	s23 =	sshrl.u32 @!p1 s23, $0x2;
	_ =	swait.ge @!p1 [sflag:s5], s2;
	s3 =	smul.u32 @!p1 $0x3, s3  }
0x4b: {  	s23 =	sadd.s32 @!p1 $0x10518, s23;
	s24 =	ssub.s32 @!p1 $0x0, s2;
	[sflag:s5] =	ssyncset.done @!p1 $0x0  }
0x4c: {  	[sflag:s5] =	ssyncadd.s32 @!p1 s24;
	s5 =	sshrl.u32 @!p1 s20, $0x3;
	s0 =	ssub.s32 @!p1 s0, s3  }
0x4d: {  	s24 =	sand.u32 @!p1 $0x7, s20;
	s5 =	sadd.s32 @!p1 s5, s15;
	s0 =	smul.u32 @!p1 $0x3C0, s0  }
0x4e: {  	[tilespmem:s23], [sflag:$0xB] =	stream.linear.gather @!p1 [hbm4b:s5+s24], s2, $0x38;
	[tilespmem:$0x1F6F8] =	vst v63  }
0x4f: {  	s3 =	ssub.s32 @!p1 $0x8000, s20;
	s2 =	smul.u32 @!p1 $0x1E000, s4  }
0x50: {  	p2 =	slt.s32 @!p1 s3, $0xF0  }
0x51: {  	p2 =	por !p2, p1;
	s0 =	sshrl.u32 @!p1 s0, $0x2;
	s2 =	sshrl.u32 @!p1 s2, $0x2  }
0x52: {  	s3 =	simm.s32 @p2 $0xF0;
	s0 =	sadd.s32 @!p1 $0x10248, s0;
	s2 =	sor.u32 @!p1 $0x106F8, s2  }
0x53: {  	[tilespmem:s2], [sflag:$0x9] =	stream.indirect.gather @!p1 [hbm4b:s6+s3], $0x80, s0, s3, $0xb8;
	[tilespmem:$0x1F6F8] =	vst v63  }
0x54: {  	p1 =	slt.u32 s21, $0x2  }
.Ltmp3:
0x55: {  	_ = 	snop;
	(pc) =	sbr.rel @p1 .LBB2_21-.Ltmp3, $1  }
0x56: {  	_ =	sdelay $0x3  }
0x57: {  	p1 =	sgt.s32 s22, $0x7F10  }
0x58: {  	s0 =	smov.u32 s22;
	s2 =	sshra.s32 s22, $0x1F;
	s3 =	ssub.s32 $0x8000, s22  }
0x59: {  	s0 =	simm.s32 @!p1 $0x7F10;
	s2 =	sand.u32 s2, s22;
	p1 =	slt.s32 s3, $0xF0  }
0x5a: {  	s0 =	ssub.s32 s0, s2;
	s3 =	simm.s32 @!p1 $0xF0  }
0x5b: {  	s0 =	sadd.s32 $0xFFFF80F0, s0;
	s25 =	sshll.u32 s3, $0x7  }
0x5c: {  	s26 =	sshll.u32 s0, $0x2;
	s2 =	sand.u32 $0x3FFFFF80, s25  }
0x5d: {  	p1 =	sgt.s32 s0, $0xEF;
	s29 =	ssub.s32 $0x3C0, s26;
	_ =	swait.ge [sflag:s10], s2  }
0x5e: {  	s2 =	ssub.s32 $0x0, s2;
	[sflag:s10] =	ssyncset.done $0x0;
	s0 =	sshrl.u32 s29, $0x2  }
0x5f: {  	[sflag:s10] =	ssyncadd.s32 s2;
	s0 =	simm.s32 @p1 $0x0  }
0x60: {  	_ =	swait.ge [sflag:s11], s0  }
0x61: {  	s0 =	ssub.s32 $0x0, s0;
	[sflag:s11] =	ssyncset.done $0x0  }
0x62: {  	[sflag:s11] =	ssyncadd.s32 s0  }
0x63: {  	v1 =	vld [tilespmem:$0xF208];
	_ =	sdelay $0x4  }
0x64: {  	(v2sf) =	vpush v1, $0x0  }
0x65: {  	(v2sf) =	vpush v1, $0x1  }
0x66: {  	(v2sf) =	vpush v1, $0x2;
	_ =	sdelay $0x3  }
0x67: {  	s0 =	sadd.s32 $0xF0, s22  }
0x68: {  	s2 =	ssub.s32 $0x10000, s22;
	p1 =	slt.s32 s8, s0  }
0x69: {  	s0 =	smov.u32 @p1 s8;
	p1 =	sgt.s32 s2, $0x0  }
0x6a: {  	s26 =	ssub.s32 s0, s22;
	s2 =	simm.s32 @!p1 $0x0  }
0x6b: {  	p1 =	slt.s32 s2, s26  }
0x6c: {  	s26 =	smov.u32 @p1 s2  }
0x6d: {  	s25 =	simm.s32 $0x1;
	p1 =	slt.s32 s26, $0x1  }
.Ltmp4:
0x6e: {  	s25 =	simm.s32 @!p0 $0x0;
	(pc) =	sbr.rel @p1 .LBB2_8-.Ltmp4, $4  }
0x6f: {  	s31 =	smul.u32 $0x3C0, s25  }
0x70: {  	s28 =	spop (v2sf)  }
0x71: {  	s0 =	sshrl.u32 s31, $0x2;
	s30 =	spop (v2sf)  }
0x72: {  	s23 =	sadd.s32 $0x10518, s0;
	s22 =	spop (v2sf)  }
0x73: {  	s0 =	smin.u32 s26, $0x10  }
0x74: {  	v1 =	vmov s0  }
0x75: {  	p2 =	sgt.s32 s26, $0x10;
	vm1 =	vgt.u32 v1, v0  }
.Ltmp5:
0x76: {  	_ = 	snop;
	(pc) =	sbr.rel @!p2 .LBB2_7-.Ltmp5, $2  }
0x77: {  	_ =	sdelay $0x2  }
0x78: {  	s4 =	simm.s32 $0x10;
	s24 =	sadd.s32 $0xFFFFFFF0, s26;
	s0 =	smov.u32 s23;
	vm0 =	vmmov vm1  }
.LBB2_6:
0x79: {  	s2 =	smin.u32 s24, $0x10;
	s4 =	sadd.s32 $0x10, s4;
	v1 =	vld.msk [tilespmem:s0+$0x0 ss:$0x1], vm1  }
0x7a: {  	v2 =	vmov s2;
	p2 =	slt.s32 s4, s26  }
0x7b: {  	vm1 =	vgt.u32 v2, v0  }
.Ltmp6:
0x7c: {  	(pc) =	sbr.rel @p2 .LBB2_6-.Ltmp6, $3  }
0x7d: {  	_ =	sdelay $0x1  }
0x7e: {  	v1 =	vshll.u32 v1, $0x4  }
0x7f: {  	s24 =	sadd.s32 $0xFFFFFFF0, s24;
	[tilespmem:s0+$0x0] =	vst.msk vm0, v1;
	s0 =	sadd.s32 $0x10, s0;
	vm0 =	vmmov vm1  }
.LBB2_7:
0x80: {  	_ =	sdelay $0x4  }
0x81: {  	v1 =	vld.msk [tilespmem:s0+$0x0 ss:$0x1], vm1;
	_ =	sdelay $0x4  }
0x82: {  	v1 =	vshll.u32 v1, $0x4  }
0x83: {  	[tilespmem:s0+$0x0] =	vst.msk vm0, v1  }
.LBB2_8:
0x84: {  	s0 =	sand.u32 $0x1, s21  }
0x85: {  	s0 =	smul.u32 $0xF0, s0  }
0x86: {  	p2 =	sne.s32 s30, $0xFFFFFFFF  }
0x87: {  	v1 =	vld.msk @!p2 [tilespmem:s0+$0x10518], $0x1;
	_ =	sdelay $0x4  }
0x88: {  	(v2sf) =	vpush @!p2 v1, $0x0;
	_ =	sdelay $0xc  }
.Ltmp7:
0x89: {  	_ = 	snop;
	(pc) =	sbr.rel @p1 .LBB2_19-.Ltmp7, $4  }
0x8a: {  	_ = 	snop  }
0x8b: {  	s29 =	spop @!p2 (v2sf)  }
0x8c: {  	s22 =	simm.s32 @!p2 $0x0;
	s24 =	smov.u32 s29  }
0x8d: {  	[sflag:s18] =	ssyncpa.u1 $0x0;
	s29 =	smov.u32 @p2 s28;
	s24 =	smov.u32 @p2 s30  }
0x8e: {  	v1 =	vld.msk [tilespmem:s23+$0x0], $0x1;
	_ =	sdelay $0x4  }
0x8f: {  	(v2sf) =	vpush v1, $0x0;
	_ =	sdelay $0xe  }
0x90: {  	s2 =	smul.u32 $0x1E000, s25;
	s0 =	spop (v2sf)  }
0x91: {  	s26 =	ssub.s32 $0x0, s26;
	p1 =	seq.s32 s29, s0  }
0x92: {  	s30 =	sadd.s32 $0x1, s26;
	s2 =	sshrl.u32 s2, $0x2;
	p2 =	sgt.s32 @!p1 s29, $0x0  }
0x93: {  	s25 =	sor.u32 $0x10738, s2;
	s2 =	smov.u32 s29;
	p2 =	por !p2, p1  }
0x94: {  	s2 =	simm.s32 @p2 $0x0;
	p2 =	seq.s32 s30, $0x0  }
.Ltmp8:
0x95: {  	_ = 	snop;
	(pc) =	sbr.rel @p2 .LBB2_11-.Ltmp8, $4  }
0x96: {  	_ = 	snop  }
0x97: {  	s28 =	simm.s32 $0x0;
	s31 =	sadd.s32 $0x1, s23;
	s2 =	smin.u32 @!p1 s2, $0xFF0  }
0x98: {  	s4 =	simm.s32 @!p1 $0x1;
	s5 =	simm.s32 @!p1 $0x7988;
	s3 =	sand.u32 @!p1 $0xFF8, s2  }
0x99: {  	s4 =	smov.u32 @p1 s28;
	s2 =	sand.u32 @!p1 $0x7, s2;
	s3 =	sadd.s32 @!p1 s1, s3  }
.LBB2_10:
0x9a: {  	s9 =	smov.u32 s4  }
0x9b: {  	[tilespmem:s5], [sflag:$0x2] =	stream.linear.gather @!p1 [hbm4b:s3+s2], $0x80, $0x38;
	[tilespmem:$0x1F6F8] =	vst v63  }
0x9c: {  	s30 =	sadd.s32 $0x1, s30;
	s2 =	smov.u32 s0;
	v1 =	vld.msk [tilespmem:s31+$0x0], $0x1  }
0x9d: {  	p2 =	seq.s32 s30, $0x0;
	_ =	sdelay $0x3  }
0x9e: {  	(v2sf) =	vpush v1, $0x0;
	_ =	sdelay $0xe  }
0x9f: {  	s0 =	spop (v2sf)  }
0xa0: {  	p1 =	seq.s32 s2, s0  }
0xa1: {  	p3 =	sgt.s32 @!p1 s2, $0x0;
	s3 =	sshll.u32 @!p1 s4, $0x9;
	s4 =	sadd.s32 @!p1 $0x1, s4  }
.Ltmp9:
0xa2: {  	p3 =	por !p3, p1;
	s3 =	sshra.s32 @!p1 s3, $0x2;
	(pc) =	sbr.rel @!p2 .LBB2_10-.Ltmp9, $4  }
0xa3: {  	s4 =	smov.u32 @p1 s9;
	s2 =	simm.s32 @p3 $0x0;
	s5 =	sadd.s32 @!p1 $0x7988, s3  }
0xa4: {  	s2 =	smin.u32 @!p1 s2, $0xFF0  }
0xa5: {  	s3 =	sand.u32 @!p1 $0xFF8, s2;
	s2 =	sand.u32 @!p1 $0x7, s2  }
0xa6: {  	s31 =	sadd.s32 $0x1, s31;
	s3 =	sadd.s32 @!p1 s1, s3  }
.LBB2_11:
0xa7: {  	[tilespmem:s5], [sflag:$0x2] =	stream.linear.gather @!p1 [hbm4b:s3+s2], $0x80, $0x38;
	[tilespmem:$0x1F6F8] =	vst v63  }
.Ltmp10:
0xa8: {  	s0 =	sshll.u32 s4, $0x7;
	(pc) =	sbr.rel .LBB2_12-.Ltmp10, $4  }
0xa9: {  	s30 =	simm.s32 $0x2;
	s0 =	sand.u32 $0x3FFFFF80, s0  }
0xaa: {  	_ =	swait.ge [sflag:s30], s0  }
0xab: {  	s0 =	ssub.s32 $0x0, s0;
	[sflag:s30] =	ssyncset.done $0x0  }
0xac: {  	s31 =	simm.s32 $0x0;
	[sflag:s30] =	ssyncadd.s32 s0  }
.LBB2_13:
0xad: {  	v1 =	vld [tilespmem:s25+$0xFFFFFFC0];
	_ =	sdelay $0x3  }
0xae: {  	s0 =	sshra.s32 s0, $0x2  }
0xaf: {  	[tilespmem:s0+$0x108] =	vst.add.f32.msk $0xffff, v1  }
0xb0: {  	v1 =	vld [tilespmem:s25+$0xFFFFFFD0];
	_ =	sdelay $0x4  }
0xb1: {  	[tilespmem:s0+$0x118] =	vst.add.f32.msk $0xffff, v1  }
0xb2: {  	v1 =	vld [tilespmem:s25+$0xFFFFFFE0];
	_ =	sdelay $0x4  }
0xb3: {  	[tilespmem:s0+$0x128] =	vst.add.f32.msk $0xffff, v1  }
0xb4: {  	v1 =	vld [tilespmem:s25+$0xFFFFFFF0];
	_ =	sdelay $0x4  }
0xb5: {  	[tilespmem:s0+$0x138] =	vst.add.f32.msk $0xffff, v1  }
0xb6: {  	v1 =	vld [tilespmem:s25+$0x0];
	_ =	sdelay $0x4  }
0xb7: {  	[tilespmem:s0+$0x148] =	vst.add.f32.msk $0xffff, v1  }
0xb8: {  	v1 =	vld [tilespmem:s25+$0x10];
	_ =	sdelay $0x4  }
0xb9: {  	[tilespmem:s0+$0x158] =	vst.add.f32.msk $0xffff, v1  }
0xba: {  	v1 =	vld [tilespmem:s25+$0x20];
	_ =	sdelay $0x4  }
0xbb: {  	[tilespmem:s0+$0x168] =	vst.add.f32.msk $0xffff, v1  }
0xbc: {  	v1 =	vld [tilespmem:s25+$0x30];
	_ =	sdelay $0x4  }
0xbd: {  	[tilespmem:s0+$0x178] =	vst.add.f32.msk $0xffff, v1  }
.LBB2_17:
0xbe: {  	s26 =	sadd.s32 $0x1, s26  }
0xbf: {  	p1 =	seq.s32 s26, $0x0  }
.Ltmp11:
0xc0: {  	_ = 	snop;
	(pc) =	sbr.rel @p1 .LBB2_18-.Ltmp11, $2  }
0xc1: {  	_ =	sdelay $0x2  }
0xc2: {  	s23 =	sadd.s32 $0x1, s23;
	s25 =	sadd.s32 $0x80, s25;
	s29 =	smov.u32 s30  }
.LBB2_12:
0xc3: {  	v1 =	vld.msk [tilespmem:s23+$0x0], $0x1;
	_ =	sdelay $0x4  }
0xc4: {  	(v2sf) =	vpush v1, $0x0;
	_ =	sdelay $0xe  }
0xc5: {  	s30 =	spop (v2sf)  }
0xc6: {  	p1 =	sne.s32 s29, s30  }
.Ltmp12:
0xc7: {  	_ = 	snop;
	(pc) =	sbr.rel @!p1 .LBB2_13-.Ltmp12, $2  }
0xc8: {  	_ =	sdelay $0x2  }
0xc9: {  	s0 =	sshll.u32 s22, $0x9  }
0xca: {  	p1 =	seq.s32 s29, s24  }
.Ltmp13:
0xcb: {  	_ = 	snop;
	(pc) =	sbr.rel @!p1 .LBB2_15-.Ltmp13, $1  }
0xcc: {  	_ =	sdelay $0x3  }
0xcd: {  	s0 =	sshra.s32 s0, $0x2  }
.Ltmp14:
0xce: {  	s0 =	sadd.s32 $0x108, s0;
	(pc) =	sbr.rel .LBB2_16-.Ltmp14, $4  }
0xcf: {  	[spmem:s16] =	stream.linear.scatter [tilespmem:s0], [sflag:$0x1], $0x80, $0x38;
	[tilespmem:$0x1F6F8] =	vst v63  }
0xd0: {  	_ =	swait.ge [sflag:s12], $0x80  }
0xd1: {  	[sflag:s12] =	ssyncset.done $0x0  }
0xd2: {  	[sflag:s12] =	ssyncadd.s32 $0xFFFFFF80  }
.LBB2_15:
0xd3: {  	s2 =	sshll.u32 s28, $0x9  }
0xd4: {  	s2 =	sshra.s32 s2, $0x2  }
0xd5: {  	v1 =	vld [tilespmem:s2+$0x7988];
	_ =	sdelay $0x3  }
0xd6: {  	s0 =	sshra.s32 s0, $0x2  }
0xd7: {  	[tilespmem:s0+$0x108] =	vst.add.f32.msk $0xffff, v1  }
0xd8: {  	v1 =	vld [tilespmem:s2+$0x7998];
	_ =	sdelay $0x4  }
0xd9: {  	[tilespmem:s0+$0x118] =	vst.add.f32.msk $0xffff, v1  }
0xda: {  	v1 =	vld [tilespmem:s2+$0x79A8];
	_ =	sdelay $0x4  }
0xdb: {  	[tilespmem:s0+$0x128] =	vst.add.f32.msk $0xffff, v1  }
0xdc: {  	v1 =	vld [tilespmem:s2+$0x79B8];
	_ =	sdelay $0x4  }
0xdd: {  	[tilespmem:s0+$0x138] =	vst.add.f32.msk $0xffff, v1  }
0xde: {  	v1 =	vld [tilespmem:s2+$0x79C8];
	_ =	sdelay $0x4  }
0xdf: {  	[tilespmem:s0+$0x148] =	vst.add.f32.msk $0xffff, v1  }
0xe0: {  	v1 =	vld [tilespmem:s2+$0x79D8];
	_ =	sdelay $0x4  }
0xe1: {  	[tilespmem:s0+$0x158] =	vst.add.f32.msk $0xffff, v1  }
0xe2: {  	v1 =	vld [tilespmem:s2+$0x79E8];
	_ =	sdelay $0x4  }
0xe3: {  	[tilespmem:s0+$0x168] =	vst.add.f32.msk $0xffff, v1  }
0xe4: {  	v1 =	vld [tilespmem:s2+$0x79F8];
	_ =	sdelay $0x2  }
0xe5: {  	p1 =	sgt.u32 s29, $0xFF0  }
0xe6: {  	s2 =	sand.u32 @!p1 $0xFF8, s29  }
0xe7: {  	s3 =	sadd.s32 $0x108, s0;
	[tilespmem:s0+$0x178] =	vst.add.f32.msk $0xffff, v1;
	s0 =	sadd.s32 @!p1 s1, s2;
	s2 =	sand.u32 @!p1 $0x7, s29  }
0xe8: {  	[hbm4b:s0+s2] =	stream.linear.scatter @!p1 [tilespmem:s3], [sflag:$0xC], $0x80, $0x38;
	[tilespmem:$0x1F6F8] =	vst v63  }
0xe9: {  	s0 =	simm.s32 $0x0  }
0xea: {  	s0 =	simm.s32 @!p1 $0x200  }
0xeb: {  	s31 =	sadd.s32 s0, s31  }
.LBB2_16:
0xec: {  	s0 =	sadd.s32 $0x1, s22  }
0xed: {  	s2 =	smulhi.u32 $0x88888889, s0;
	_ =	sdelay $0x1  }
0xee: {  	v1 =	vld [tilespmem:s25+$0xFFFFFFC0];
	s2 =	sshrl.u32 s2, $0x7  }
0xef: {  	s2 =	smul.u32 $0xF0, s2;
	_ =	sdelay $0x1  }
0xf0: {  	s22 =	ssub.s32 s0, s2  }
0xf1: {  	s0 =	sshll.u32 s22, $0x7  }
0xf2: {  	[tilespmem:s0+$0x108] =	vst v1  }
0xf3: {  	v1 =	vld [tilespmem:s25+$0xFFFFFFD0];
	_ =	sdelay $0x4  }
0xf4: {  	[tilespmem:s0+$0x118] =	vst v1  }
0xf5: {  	v1 =	vld [tilespmem:s25+$0xFFFFFFE0];
	_ =	sdelay $0x4  }
0xf6: {  	[tilespmem:s0+$0x128] =	vst v1  }
0xf7: {  	v1 =	vld [tilespmem:s25+$0xFFFFFFF0];
	_ =	sdelay $0x4  }
0xf8: {  	[tilespmem:s0+$0x138] =	vst v1  }
0xf9: {  	v1 =	vld [tilespmem:s25+$0x0];
	_ =	sdelay $0x4  }
0xfa: {  	[tilespmem:s0+$0x148] =	vst v1  }
0xfb: {  	v1 =	vld [tilespmem:s25+$0x10];
	_ =	sdelay $0x4  }
0xfc: {  	[tilespmem:s0+$0x158] =	vst v1  }
0xfd: {  	v1 =	vld [tilespmem:s25+$0x20];
	_ =	sdelay $0x4  }
0xfe: {  	[tilespmem:s0+$0x168] =	vst v1  }
0xff: {  	v1 =	vld [tilespmem:s25+$0x30]  }
.Ltmp15:
0x100: {  	_ = 	snop;
	(pc) =	sbr.rel .LBB2_17-.Ltmp15, $2  }
0x101: {  	_ =	sdelay $0x2  }
0x102: {  	s28 =	sadd.s32 $0x1, s28;
	[tilespmem:s0+$0x178] =	vst v1  }
.LBB2_19:
.Ltmp16:
0x103: {  	(pc) =	sbr.rel .LBB2_20-.Ltmp16, $4  }
0x104: {  	_ = 	snop  }
0x105: {  	s0 =	simm.s32 $0x2  }
0x106: {  	_ =	swait.ge [sflag:s0], $0x0  }
0x107: {  	s30 =	smov.u32 s29;
	[sflag:s0] =	ssyncset.done $0x0;
	s0 =	simm.s32 $0x0  }
.LBB2_22:
0x108: {  	_ =	sfence.sel $0x180000  }
0x109: {  	s0 =	simm.s32 $0x9;
	[bflag:$0x0] =	sbarrier.arrive $0xFFFF  }
0x10a: {  	s24 =	simm.s32 $0xA;
	[sflag:s0] =	ssyncpa.u1 $0x1  }
0x10b: {  	s25 =	simm.s32 $0xB;
	[sflag:s24] =	ssyncpa.u1 $0x1  }
0x10c: {  	s26 =	simm.s32 $0x2;
	[sflag:s25] =	ssyncpa.u1 $0x1  }
0x10d: {  	[sflag:s26] =	ssyncpa.u1 $0x1  }
0x10e: {  	v0 =	vld [tilespmem:$0xF208];
	_ =	sdelay $0x4  }
0x10f: {  	(v2sf) =	vpush v0, $0x0  }
0x110: {  	(v2sf) =	vpush v0, $0x1;
	_ =	sdelay $0x1  }
0x111: {  	(v2sf) =	vpush v0, $0x2;
	_ =	sdelay $0xb  }
0x112: {  	s0 =	spop (v2sf)  }
0x113: {  	s2 =	spop (v2sf)  }
0x114: {  	s3 =	smov.u32 s0;
	p0 =	sne.s32 s0, s2  }
0x115: {  	s4 =	spop (v2sf);
	s3 =	simm.s32 @!p0 $0xFFFFFFFF  }
0x116: {  	v2 =	vimm.s32 $0x1;
	v3 =	vlaneseq.u32;
	p0 =	seq.s32 s4, $0xFFFFFFFF;
	v1 =	vmov s3  }
0x117: {  	s16 =	stileid.u32;
	v0 =	vperm.xlane v0, v2;
	p1 =	sne.s32 @!p0 s0, s2;
	v1 =	vperm.xlane v1, v3  }
0x118: {  	vm0 =	vcmask $0x3F04;
	s6 =	simm.s32 $0xF208;
	s0 =	simm.s32 @!p0 $0x1;
	p1 =	por !p1, p0  }
0x119: {  	s3 =	sshll.u32 s16, $0x1;
	s2 =	sshll.u32 @!p0 s4, $0x9;
	s0 =	simm.s32 @p1 $0x0;
	v0 =	vsel vm0, v1, v0  }
0x11a: {  	s5 =	sor.u32 $0x1000, s3;
	s2 =	sshra.s32 @!p0 s2, $0x2;
	s0 =	sor.u32 @!p0 s0, s3;
	[tilespmem:$0xF208] =	vst v0  }
0x11b: {  	[spmem:s5] =	stream.linear.scatter [tilespmem:s6], [sflag:$0x1], $0x2, $0x38;
	[tilespmem:$0x1F6F8] =	vst v63  }
0x11c: {  	s2 =	sadd.s32 @!p0 $0x108, s2;
	s0 =	sshll.u32 @!p0 s0, $0x7  }
0x11d: {  	[spmem:s0] =	stream.linear.scatter @!p0 [tilespmem:s2], [sflag:$0x1], $0x80, $0x38;
	[tilespmem:$0x1F6F8] =	vst v63  }
0x11e: {  	s0 =	simm.s32 @!p0 $0x82  }
0x11f: {  	s28 =	simm.s32 $0x1;
	s0 =	simm.s32 @p0 $0x2  }
0x120: {  	_ =	swait.ge [sflag:s28], s0  }
0x121: {  	s0 =	ssub.s32 $0x0, s0;
	[sflag:s28] =	ssyncset.done $0x0  }
0x122: {  	p0 =	sne.s32 s16, $0x0;
	[sflag:s28] =	ssyncadd.s32 s0  }
.Ltmp17:
0x123: {  	_ =	sfence.stream.spmem;
	(pc) =	sbr.rel @p0 .LBB2_39-.Ltmp17, $4  }
0x124: {  	s29 =	simm.s32 $0x3;
	[bflag:$0x0] =	sbarrier.arrive $0xFFFF  }
0x125: {  	s30 =	simm.s32 $0x4;
	[sflag:s29] =	ssyncpa.u1 $0x1  }
0x126: {  	s31 =	simm.s32 $0x3C;
	[sflag:s30] =	ssyncpa.u1 $0x1  }
0x127: {  	s15 =	rddreg [dreg:$0x4];
	[sflag:s31] =	ssyncpa.u1 $0x1  }
0x128: {  	_ =	sfence.stream.spmem;
	s0 =	simm.s32 $0x5  }
0x129: {  	s2 =	simm.s32 $0x1000;
	s3 =	simm.s32 $0xF218;
	[sflag:s0] =	ssyncpa.u1 $0x0  }
0x12a: {  	[tilespmem:s3], [sflag:$0x5] =	stream.linear.gather [spmem:s2], $0x20, $0x38;
	[tilespmem:$0x1F6F8] =	vst v63  }
0x12b: {  	s26 =	simm.s32 $0x0;
	s28 =	simm.s32 $0xF238  }
0x12c: {  	[tilespmem:s28], [sflag:$0x5] =	stream.linear.gather [spmem:s26], $0x1000, $0x38;
	[tilespmem:$0x1F6F8] =	vst v63  }
0x12d: {  	_ =	swait.ge [sflag:s0], $0x1020  }
0x12e: {  	[sflag:s0] =	ssyncset.done $0x0  }
0x12f: {  	s29 =	simm.s32 $0x0;
	[sflag:s0] =	ssyncadd.s32 $0xFFFFEFE0  }
0x130: {  	v0 =	vld.msk [tilespmem:s29+$0xF218], $0x1;
	_ =	sdelay $0x1  }
0x131: {  	s30 =	simm.s32 $0x1  }
0x132: {  	v1 =	vld.msk [tilespmem:s30+$0xF218], $0x1;
	_ =	sdelay $0x1  }
0x133: {  	(v2sf) =	vpush v0, $0x0;
	_ =	sdelay $0x2  }
0x134: {  	(v2sf) =	vpush v1, $0x0;
	_ =	sdelay $0x2  }
0x135: {  	s31 =	simm.s32 $0x2  }
0x136: {  	v0 =	vld.msk [tilespmem:s31+$0xF218], $0x1;
	_ =	sdelay $0x2  }
0x137: {  	s4 =	simm.s32 $0xFFFFFFFF;
	s5 =	simm.s32 $0xFFFFFFFF;
	s0 =	simm.s32 $0xC  }
.LBB2_24:
0x138: {  	s2 =	smov.u32 s5;
	s3 =	smov.u32 s4  }
0x139: {  	s4 =	sshra.s32 s0, $0x2;
	p1 =	sne.s32 s0, $0x7C;
	s0 =	sadd.s32 $0x4, s0;
	(v2sf) =	vpush v0, $0x0  }
0x13a: {  	v0 =	vld.msk [tilespmem:s4+$0xF218], $0x1  }
.Ltmp18:
0x13b: {  	(pc) =	sbr.rel @p1 .LBB2_24-.Ltmp18, $4  }
0x13c: {  	s5 =	spop (v2sf)  }
0x13d: {  	p2 =	sne.s32 s3, $0xFFFFFFFF;
	s4 =	smov.u32 s5  }
0x13e: {  	p3 =	seq.s32 s5, $0xFFFFFFFF;
	s4 =	smov.u32 @p2 s3  }
0x13f: {  	s5 =	smov.u32 @p3 s2;
	s4 =	smov.u32 @p3 s3  }
0x140: {  	(v2sf) =	vpush v0, $0x0;
	_ =	sdelay $0x8  }
0x141: {  	s0 =	spop (v2sf)  }
0x142: {  	p1 =	sne.s32 s4, $0xFFFFFFFF;
	s2 =	smov.u32 s0  }
0x143: {  	s9 =	simm.s32 $0x6;
	p2 =	seq.s32 s0, $0xFFFFFFFF;
	s2 =	smov.u32 @p1 s4  }
0x144: {  	s6 =	simm.s32 $0x0;
	s2 =	smov.u32 @p2 s4;
	s3 =	spop (v2sf)  }
0x145: {  	s0 =	smov.u32 @p2 s5;
	p1 =	sne.s32 s2, $0xFFFFFFFF;
	s4 =	smov.u32 s3  }
.Ltmp19:
0x146: {  	p2 =	seq.s32 s3, $0xFFFFFFFF;
	s4 =	smov.u32 @p1 s2;
	(pc) =	sbr.rel .LBB2_26-.Ltmp19, $4  }
0x147: {  	s10 =	simm.s32 $0xF188;
	s4 =	smov.u32 @p2 s2;
	s7 =	spop (v2sf)  }
0x148: {  	s11 =	simm.s32 $0x0;
	p1 =	sne.s32 s4, $0xFFFFFFFF;
	s8 =	smov.u32 s7  }
0x149: {  	s3 =	smov.u32 @p2 s0;
	p2 =	seq.s32 s7, $0xFFFFFFFF;
	s8 =	smov.u32 @p1 s4  }
0x14a: {  	[sflag:s9] =	ssyncpa.u1 $0x0;
	s7 =	smov.u32 @p2 s3;
	s8 =	smov.u32 @p2 s4  }
.LBB2_32:
0x14b: {  	p1 =	sgt.u32 s12, $0xFF0  }
0x14c: {  	p2 =	seq.s32 @!p1 s12, s8  }
0x14d: {  	p1 =	por p1, p2  }
0x14e: {  	p2 =	sne.s32 @!p1 s12, s7  }
0x14f: {  	p1 =	por p1, !p2  }
0x150: {  	s0 =	sshll.u32 @p1 s11, $0x9  }
0x151: {  	s0 =	sand.u32 @!p1 $0xFF8, s12  }
0x152: {  	s2 =	sand.u32 @!p1 $0x7, s12;
	s0 =	sadd.s32 @!p1 s1, s0  }
0x153: {  	[tilespmem:s10], [sflag:$0x6] =	stream.linear.gather @!p1 [hbm4b:s0+s2], $0x80, $0x38;
	[tilespmem:$0x1F6F8] =	vst v63  }
0x154: {  	_ =	swait.ge @!p1 [sflag:s9], $0x80  }
0x155: {  	[sflag:s9] =	ssyncset.done @!p1 $0x0  }
0x156: {  	[sflag:s9] =	ssyncadd.s32 @!p1 $0xFFFFFF80  }
0x157: {  	v1 =	vld @!p1 [tilespmem:$0xF188];
	_ =	sdelay $0x2  }
0x158: {  	s0 =	sshll.u32 @!p1 s11, $0x9  }
0x159: {  	s2 =	sshrl.u32 @!p1 s0, $0x2  }
0x15a: {  	[tilespmem:s2+$0xF238] =	vst.add.f32.msk @!p1 $0xffff, v1  }
0x15b: {  	v1 =	vld @!p1 [tilespmem:$0xF198];
	_ =	sdelay $0x4  }
0x15c: {  	[tilespmem:s2+$0xF248] =	vst.add.f32.msk @!p1 $0xffff, v1  }
0x15d: {  	v1 =	vld @!p1 [tilespmem:$0xF1A8];
	_ =	sdelay $0x4  }
0x15e: {  	[tilespmem:s2+$0xF258] =	vst.add.f32.msk @!p1 $0xffff, v1  }
0x15f: {  	v1 =	vld @!p1 [tilespmem:$0xF1B8];
	_ =	sdelay $0x4  }
0x160: {  	[tilespmem:s2+$0xF268] =	vst.add.f32.msk @!p1 $0xffff, v1  }
0x161: {  	v1 =	vld @!p1 [tilespmem:$0xF1C8];
	_ =	sdelay $0x4  }
0x162: {  	[tilespmem:s2+$0xF278] =	vst.add.f32.msk @!p1 $0xffff, v1  }
0x163: {  	v1 =	vld @!p1 [tilespmem:$0xF1D8];
	_ =	sdelay $0x4  }
0x164: {  	[tilespmem:s2+$0xF288] =	vst.add.f32.msk @!p1 $0xffff, v1  }
0x165: {  	v1 =	vld @!p1 [tilespmem:$0xF1E8];
	_ =	sdelay $0x4  }
0x166: {  	[tilespmem:s2+$0xF298] =	vst.add.f32.msk @!p1 $0xffff, v1  }
0x167: {  	v1 =	vld @!p1 [tilespmem:$0xF1F8];
	_ =	sdelay $0x4  }
0x168: {  	[tilespmem:s2+$0xF2A8] =	vst.add.f32.msk @!p1 $0xffff, v1  }
0x169: {  	s0 =	sshrl.u32 s0, $0x2;
	[tilespmem:s6+$0xF218] =	vst.msk $0x1, v0  }
0x16a: {  	v0 =	vld [tilespmem:s0+$0xF238];
	_ =	sdelay $0x2  }
0x16b: {  	s31 =	sshll.u32 s6, $0x9  }
0x16c: {  	s2 =	sshra.s32 s31, $0x2  }
0x16d: {  	[tilespmem:s2+$0xF238] =	vst v0  }
0x16e: {  	v0 =	vld [tilespmem:s0+$0xF248];
	_ =	sdelay $0x4  }
0x16f: {  	[tilespmem:s2+$0xF248] =	vst v0  }
0x170: {  	v0 =	vld [tilespmem:s0+$0xF258];
	_ =	sdelay $0x4  }
0x171: {  	[tilespmem:s2+$0xF258] =	vst v0  }
0x172: {  	v0 =	vld [tilespmem:s0+$0xF268];
	_ =	sdelay $0x4  }
0x173: {  	[tilespmem:s2+$0xF268] =	vst v0  }
0x174: {  	v0 =	vld [tilespmem:s0+$0xF278];
	_ =	sdelay $0x4  }
0x175: {  	[tilespmem:s2+$0xF278] =	vst v0  }
0x176: {  	v0 =	vld [tilespmem:s0+$0xF288];
	_ =	sdelay $0x4  }
0x177: {  	[tilespmem:s2+$0xF288] =	vst v0  }
0x178: {  	v0 =	vld [tilespmem:s0+$0xF298];
	_ =	sdelay $0x4  }
0x179: {  	[tilespmem:s2+$0xF298] =	vst v0  }
0x17a: {  	v0 =	vld [tilespmem:s0+$0xF2A8];
	_ =	sdelay $0x4  }
0x17b: {  	s6 =	sadd.s32 $0x1, s6;
	[tilespmem:s2+$0xF2A8] =	vst v0  }
.LBB2_33:
0x17c: {  	s11 =	sadd.s32 $0x1, s11  }
0x17d: {  	p1 =	sne.s32 s11, $0x20  }
.Ltmp20:
0x17e: {  	_ = 	snop;
	(pc) =	sbr.rel @!p1 .LBB2_34-.Ltmp20, $1  }
0x17f: {  	_ =	sdelay $0x3  }
.LBB2_26:
0x180: {  	v0 =	vld.msk [tilespmem:s11+$0xF218], $0x1;
	_ =	sdelay $0x4  }
0x181: {  	(v2sf) =	vpush v0, $0x0;
	_ =	sdelay $0xe  }
0x182: {  	s12 =	spop (v2sf)  }
0x183: {  	p1 =	seq.s32 s12, $0xFFFFFFFF  }
.Ltmp21:
0x184: {  	_ = 	snop;
	(pc) =	sbr.rel @p1 .LBB2_33-.Ltmp21, $1  }
0x185: {  	_ =	sdelay $0x3  }
0x186: {  	p1 =	slt.s32 s6, $0x1  }
.Ltmp22:
0x187: {  	_ = 	snop;
	(pc) =	sbr.rel @p1 .LBB2_32-.Ltmp22, $1  }
0x188: {  	_ =	sdelay $0x3  }
0x189: {  	s13 =	simm.s32 $0xF218;
	p1 =	por $0x0, $0x0  }
0x18a: {  	v1 =	vld.msk @!p1 [tilespmem:s13+$0x0], $0x1;
	_ =	sdelay $0x4  }
0x18b: {  	(v2sf) =	vpush @!p1 v1, $0x0;
	_ =	sdelay $0xd  }
0x18c: {  	p3 =	sne.s32 s6, $0x1  }
.Ltmp23:
0x18d: {  	s0 =	spop @!p1 (v2sf);
	(pc) =	sbr.rel @!p3 .LBB2_30-.Ltmp23, $4  }
0x18e: {  	p2 =	seq.s32 @!p1 s12, s0  }
0x18f: {  	s14 =	simm.s32 $0x0;
	p2 =	por !p2, p1  }
0x190: {  	s2 =	simm.s32 $0xFFFFFFFF;
	s14 =	simm.s32 @p2 $0xFFFFFFFF  }
0x191: {  	s0 =	simm.s32 $0x1;
	s14 =	smov.u32 @p1 s2  }
.LBB2_29:
0x192: {  	s2 =	smov.u32 s14;
	p1 =	sne.s32 s14, $0xFFFFFFFF  }
0x193: {  	s13 =	sadd.s32 $0x1, s13;
	s14 =	smov.u32 s0;
	s0 =	sadd.s32 $0x1, s0  }
0x194: {  	p2 =	sne.s32 s6, s0;
	v1 =	vld.msk @!p1 [tilespmem:s13+$0x0], $0x1;
	_ =	sdelay $0x4  }
0x195: {  	(v2sf) =	vpush @!p1 v1, $0x0;
	_ =	sdelay $0xe  }
.Ltmp24:
0x196: {  	s3 =	spop @!p1 (v2sf);
	(pc) =	sbr.rel @p2 .LBB2_29-.Ltmp24, $4  }
0x197: {  	p3 =	seq.s32 @!p1 s12, s3  }
0x198: {  	p3 =	por !p3, p1  }
0x199: {  	s14 =	simm.s32 @p3 $0xFFFFFFFF  }
0x19a: {  	s14 =	smov.u32 @p1 s2  }
.LBB2_30:
0x19b: {  	p1 =	seq.s32 s14, $0xFFFFFFFF  }
.Ltmp25:
0x19c: {  	_ = 	snop;
	(pc) =	sbr.rel @p1 .LBB2_32-.Ltmp25, $1  }
0x19d: {  	_ =	sdelay $0x3  }
0x19e: {  	s0 =	sshll.u32 s11, $0x7  }
0x19f: {  	s0 =	sand.u32 $0x3FFFFF80, s0  }
0x1a0: {  	v0 =	vld [tilespmem:s0+$0xF238];
	_ =	sdelay $0x2  }
0x1a1: {  	s2 =	sshll.u32 s14, $0x9  }
0x1a2: {  	s2 =	sshra.s32 s2, $0x2  }
0x1a3: {  	[tilespmem:s2+$0xF238] =	vst.add.f32.msk $0xffff, v0  }
0x1a4: {  	v0 =	vld [tilespmem:s0+$0xF248];
	_ =	sdelay $0x4  }
0x1a5: {  	[tilespmem:s2+$0xF248] =	vst.add.f32.msk $0xffff, v0  }
0x1a6: {  	v0 =	vld [tilespmem:s0+$0xF258];
	_ =	sdelay $0x4  }
0x1a7: {  	[tilespmem:s2+$0xF258] =	vst.add.f32.msk $0xffff, v0  }
0x1a8: {  	v0 =	vld [tilespmem:s0+$0xF268];
	_ =	sdelay $0x4  }
0x1a9: {  	[tilespmem:s2+$0xF268] =	vst.add.f32.msk $0xffff, v0  }
0x1aa: {  	v0 =	vld [tilespmem:s0+$0xF278];
	_ =	sdelay $0x4  }
0x1ab: {  	[tilespmem:s2+$0xF278] =	vst.add.f32.msk $0xffff, v0  }
0x1ac: {  	v0 =	vld [tilespmem:s0+$0xF288];
	_ =	sdelay $0x4  }
0x1ad: {  	[tilespmem:s2+$0xF288] =	vst.add.f32.msk $0xffff, v0  }
0x1ae: {  	v0 =	vld [tilespmem:s0+$0xF298];
	_ =	sdelay $0x4  }
0x1af: {  	[tilespmem:s2+$0xF298] =	vst.add.f32.msk $0xffff, v0  }
0x1b0: {  	v0 =	vld [tilespmem:s0+$0xF2A8]  }
.Ltmp26:
0x1b1: {  	_ = 	snop;
	(pc) =	sbr.rel .LBB2_33-.Ltmp26, $2  }
0x1b2: {  	_ =	sdelay $0x2  }
0x1b3: {  	[tilespmem:s2+$0xF2A8] =	vst.add.f32.msk $0xffff, v0  }
.LBB2_34:
0x1b4: {  	s0 =	simm.s32 $0x6;
	p1 =	seq.s32 s6, $0x0  }
0x1b5: {  	[sflag:s0] =	ssyncpa.u1 $0x1;
	v0 =	vimm.s32 @p1 $0xFFFFFFFF  }
0x1b6: {  	s9 =	sadd.s32 $0xFFFFFFFF, s6;
	[tilespmem:$0x10238] =	vst @p1 v0  }
0x1b7: {  	v0 =	vld.msk @!p1 [tilespmem:s9+$0xF218], $0x1;
	_ =	sdelay $0x1  }
0x1b8: {  	v1 =	vld.msk @!p1 [tilespmem:$0xF218], $0x1;
	_ =	sdelay $0x2  }
0x1b9: {  	p2 =	seq.s32 @!p1 s9, $0x0;
	v0 =	vbroadcast @!p1 v0, $0x0  }
0x1ba: {  	vm0 =	vmmov @!p1 $0x1;
	p2 =	por !p2, p1  }
0x1bb: {  	v1 =	vnsel @!p1 vm0, $0xFFFFFFFF, v1;
	vm0 =	vcmask @!p1 $0x308;
	v0 =	vpsel !p2, $0xFFFFFFFF, v0  }
0x1bc: {  	p2 =	sne.s32 @!p1 s8, s7;
	v0 =	vsel @!p1 vm0, v1, v0  }
0x1bd: {  	s0 =	simm.s32 @!p1 $0xF238;
	s2 =	simm.s32 @!p1 $0x0;
	p3 =	por !p2, p1;
	[tilespmem:$0x10238] =	vst @!p1 v0  }
0x1be: {  	[spmem:s2] =	stream.linear.scatter @!p1 [tilespmem:s0], [sflag:$0x1], $0x80, $0x38;
	[tilespmem:$0x1F6F8] =	vst v63  }
0x1bf: {  	s0 =	sshll.u32 @!p3 s9, $0x9  }
0x1c0: {  	s0 =	sshra.s32 @!p3 s0, $0x2  }
0x1c1: {  	s2 =	simm.s32 @!p3 $0x80;
	s0 =	sadd.s32 @!p3 $0xF238, s0  }
0x1c2: {  	[spmem:s2] =	stream.linear.scatter @!p3 [tilespmem:s0], [sflag:$0x1], $0x80, $0x38;
	[tilespmem:$0x1F6F8] =	vst v63  }
0x1c3: {  	s0 =	simm.s32 @!p3 $0x1  }
0x1c4: {  	_ =	swait.ge @!p3 [sflag:s0], $0x100  }
0x1c5: {  	p1 =	por p2, p1;
	[sflag:s0] =	ssyncset.done @!p3 $0x0  }
0x1c6: {  	[sflag:s0] =	ssyncadd.s32 @!p3 $0xFFFFFF00;
	s0 =	simm.s32 @!p1 $0x1  }
0x1c7: {  	_ =	swait.ge @!p1 [sflag:s0], $0x80  }
0x1c8: {  	s29 =	simm.s32 $0x10238;
	[sflag:s0] =	ssyncset.done @!p1 $0x0  }
0x1c9: {  	s30 =	simm.s32 $0x1000;
	s31 =	simm.s32 $0x1;
	[sflag:s0] =	ssyncadd.s32 @!p1 $0xFFFFFF80  }
0x1ca: {  	[spmem:s30] =	stream.linear.scatter [tilespmem:s29], [sflag:$0x1], $0x10, $0x38;
	[tilespmem:$0x1F6F8] =	vst v63  }
0x1cb: {  	_ =	swait.ge [sflag:s31], $0x10  }
0x1cc: {  	[sflag:s31] =	ssyncset.done $0x0  }
0x1cd: {  	p1 =	seq.s32 s15, $0x0;
	s8 =	rddreg [dreg:$0x1];
	[sflag:s31] =	ssyncadd.s32 $0xFFFFFFF0  }
0x1ce: {  	s2 =	sshll.u32 @p1 s8, $0xE;
	s7 =	rddreg [dreg:$0x2]  }
0x1cf: {  	s0 =	sadd.s32 @p1 $0x15C3C, s2;
	s2 =	sshll.u32 @p1 s7, $0x11  }
0x1d0: {  	_ =	sfence.stream.spmem;
	s0 =	sor.u32 @p1 s2, s0  }
0x1d1: {  	[sflag:s0] =	ssyncadd.remote.s32 @p1 $0x1;
	s0 =	simm.s32 @p1 $0x4  }
0x1d2: {  	s3 =	simm.s32 @!p1 $0x3C;
	s2 =	sand.u32 $0xFFFFFFFE, s8;
	_ =	swait.ge @p1 [sflag:s0], $0x22  }
0x1d3: {  	s4 =	simm.s32 @!p1 $0x0;
	s2 =	sadd.s32 @!p1 $0x4, s2;
	[sflag:s0] =	ssyncset.done @p1 $0x0  }
0x1d4: {  	s5 =	simm.s32 @!p1 $0x100;
	[sflag:s0] =	ssyncadd.s32 @p1 $0xFFFFFFDE;
	s0 =	sshll.u32 @!p1 s2, $0x1A  }
0x1d5: {  	s2 =	sshll.u32 @!p1 s2, $0xD;
	s0 =	sor.u32 @!p1 s0, s7;
	_ =	swait.eq @!p1 [sflag:s3], $0x1  }
0x1d6: {  	s2 =	sor.u32 @!p1 $0x1C04, s2;
	s3 =	simm.s32 @!p1 $0x1C03;
	s0 =	sor.u32 @!p1 $0x80004000, s0  }
0x1d7: {  	[spmem:s5], [sflag:s2] =	dma.general @!p1 [spmem:s4], [sflag:s3], length:$0x20, [dreg:$0x0], stride_count:$0x0, ici_dest:s0, dma_misc:DstOpCode:WRITE  }
0x1d8: {  	p2 =	slt.s32 s9, $0x2;
	s4 =	simm.s32 @!p1 $0x200;
	s5 =	simm.s32 @!p1 $0x202  }
0x1d9: {  	[spmem:s5], [sflag:s2] =	dma.general @!p1 [spmem:s4], [sflag:s3], length:$0x2, [dreg:$0x0], stride_count:$0x0, ici_dest:s0, dma_misc:DstOpCode:WRITE  }
.Ltmp27:
0x1da: {  	s0 =	simm.s32 @!p1 $0x3;
	(pc) =	sbr.rel @p2 .LBB2_38-.Ltmp27, $4  }
0x1db: {  	s2 =	sshll.u32 @!p1 s8, $0xE;
	_ =	swait.ge @!p1 [sflag:s0], $0x22  }
0x1dc: {  	s3 =	sshll.u32 @!p1 s7, $0x11;
	s2 =	sadd.s32 @!p1 $0x11C3C, s2;
	[sflag:s0] =	ssyncset.done @!p1 $0x0  }
0x1dd: {  	[sflag:s0] =	ssyncadd.s32 @!p1 $0xFFFFFFDE;
	s0 =	sor.u32 @!p1 s3, s2  }
0x1de: {  	[sflag:s0] =	ssyncadd.remote.s32 @!p1 $0xFFFFFFFF;
	s0 =	simm.s32 $0x0  }
0x1df: {  	s0 =	simm.s32 $0xF219  }
0x1e0: {  	v0 =	vld.msk [tilespmem:s0+$0x0], $0x1;
	_ =	sdelay $0x4  }
0x1e1: {  	(v2sf) =	vpush v0, $0x0;
	_ =	sdelay $0xb  }
0x1e2: {  	s31 =	sadd.s32 $0xFFFFFFFE, s6  }
0x1e3: {  	s0 =	sadd.s32 $0xFFFFFFFF, s31  }
0x1e4: {  	p2 =	sne.s32 s0, $0x0  }
.Ltmp28:
0x1e5: {  	s2 =	spop (v2sf);
	(pc) =	sbr.rel @!p2 .LBB2_37-.Ltmp28, $4  }
0x1e6: {  	s4 =	simm.s32 $0xF2B8;
	s7 =	simm.s32 $0x0;
	p1 =	sgt.u32 s2, $0xFF0  }
0x1e7: {  	s5 =	simm.s32 $0x0;
	s6 =	simm.s32 $0xF21A;
	s3 =	sand.u32 @!p1 $0xFF8, s2  }
0x1e8: {  	s2 =	sand.u32 @!p1 $0x7, s2;
	s7 =	simm.s32 @!p1 $0x200;
	s3 =	sadd.s32 @!p1 s1, s3  }
0x1e9: {  	[hbm4b:s3+s2] =	stream.linear.scatter @!p1 [tilespmem:s4], [sflag:$0x5], $0x80, $0x38;
	[tilespmem:$0x1F6F8] =	vst v63  }
.LBB2_36:
0x1ea: {  	v0 =	vld.msk [tilespmem:s6+$0x0], $0x1;
	s0 =	sadd.s32 $0xFFFFFFFF, s0;
	s5 =	sadd.s32 s5, s7  }
0x1eb: {  	p1 =	sne.s32 s0, $0x0;
	_ =	sdelay $0x3  }
0x1ec: {  	(v2sf) =	vpush v0, $0x0;
	_ =	sdelay $0xe  }
.Ltmp29:
0x1ed: {  	s2 =	spop (v2sf);
	(pc) =	sbr.rel @p1 .LBB2_36-.Ltmp29, $4  }
0x1ee: {  	s7 =	simm.s32 $0x0;
	p2 =	sgt.u32 s2, $0xFF0  }
0x1ef: {  	s4 =	sadd.s32 $0x80, s4;
	s7 =	simm.s32 @!p2 $0x200;
	s3 =	sand.u32 @!p2 $0xFF8, s2  }
0x1f0: {  	s6 =	sadd.s32 $0x1, s6;
	s2 =	sand.u32 @!p2 $0x7, s2;
	s3 =	sadd.s32 @!p2 s1, s3  }
0x1f1: {  	[hbm4b:s3+s2] =	stream.linear.scatter @!p2 [tilespmem:s4], [sflag:$0x5], $0x80, $0x38;
	[tilespmem:$0x1F6F8] =	vst v63  }
.LBB2_37:
0x1f2: {  	s0 =	sadd.s32 s5, s7  }
0x1f3: {  	s0 =	sshrl.u32 s0, $0x2  }
.LBB2_38:
0x1f4: {  	s2 =	simm.s32 $0x5  }
0x1f5: {  	_ =	swait.ge [sflag:s2], s0  }
0x1f6: {  	s31 =	ssub.s32 $0x0, s0;
	[sflag:s2] =	ssyncset.done $0x0  }
0x1f7: {  	[sflag:s2] =	ssyncadd.s32 s31  }
0x1f8: {  	[sflag:s2] =	ssyncpa.u1 $0x1  }
.LBB2_39:
0x1f9: {  	s0 =	sor.u32 s15, s16  }
0x1fa: {  	p1 =	sne.s32 s0, $0x0  }
.Ltmp30:
0x1fb: {  	_ = 	snop;
	(pc) =	sbr.rel @p1 .LBB2_54-.Ltmp30, $3  }
0x1fc: {  	_ =	sdelay $0x1  }
0x1fd: {  	[bflag:$0x0] =	sbarrier.arrive $0xFFFF  }
0x1fe: {  	_ =	sfence  }
0x1ff: {  	s0 =	simm.s32 $0x7  }
0x200: {  	s2 =	simm.s32 $0x1000;
	s3 =	simm.s32 $0xF218;
	[sflag:s0] =	ssyncpa.u1 $0x0  }
0x201: {  	[tilespmem:s3], [sflag:$0x7] =	stream.linear.gather [spmem:s2], $0x20, $0x38;
	[tilespmem:$0x1F6F8] =	vst v63  }
0x202: {  	s30 =	simm.s32 $0xF238;
	s2 =	simm.s32 $0x0  }
0x203: {  	[tilespmem:s30], [sflag:$0x7] =	stream.linear.gather [spmem:s2], $0x1000, $0x38;
	[tilespmem:$0x1F6F8] =	vst v63  }
.Ltmp31:
0x204: {  	_ = 	snop;
	(pc) =	sbr.rel .LBB2_41-.Ltmp31, $4  }
0x205: {  	_ =	swait.ge [sflag:s0], $0x1020  }
0x206: {  	[sflag:s0] =	ssyncset.done $0x0  }
0x207: {  	s31 =	simm.s32 $0x8;
	[sflag:s0] =	ssyncadd.s32 $0xFFFFEFE0  }
0x208: {  	s3 =	simm.s32 $0x0;
	[sflag:s31] =	ssyncpa.u1 $0x0  }
.LBB2_47:
0x209: {  	p1 =	slt.u32 s4, $0xFF1  }
0x20a: {  	s0 =	sand.u32 @p1 $0xFF8, s4  }
0x20b: {  	s4 =	sand.u32 @p1 $0x7, s4;
	s5 =	simm.s32 @p1 $0xF188;
	s0 =	sadd.s32 @p1 s1, s0  }
0x20c: {  	[tilespmem:s5], [sflag:$0x8] =	stream.linear.gather @p1 [hbm4b:s0+s4], $0x80, $0x38;
	[tilespmem:$0x1F6F8] =	vst v63  }
0x20d: {  	s0 =	simm.s32 @p1 $0x8  }
0x20e: {  	_ =	swait.ge @p1 [sflag:s0], $0x80  }
0x20f: {  	[sflag:s0] =	ssyncset.done @p1 $0x0  }
0x210: {  	[sflag:s0] =	ssyncadd.s32 @p1 $0xFFFFFF80  }
0x211: {  	v1 =	vld @p1 [tilespmem:$0xF188];
	_ =	sdelay $0x2  }
0x212: {  	s0 =	sshll.u32 @p1 s3, $0x9  }
0x213: {  	s4 =	sshrl.u32 @p1 s0, $0x2  }
0x214: {  	[tilespmem:s4+$0xF238] =	vst.add.f32.msk @p1 $0xffff, v1  }
0x215: {  	v1 =	vld @p1 [tilespmem:$0xF198];
	_ =	sdelay $0x4  }
0x216: {  	[tilespmem:s4+$0xF248] =	vst.add.f32.msk @p1 $0xffff, v1  }
0x217: {  	v1 =	vld @p1 [tilespmem:$0xF1A8];
	_ =	sdelay $0x4  }
0x218: {  	[tilespmem:s4+$0xF258] =	vst.add.f32.msk @p1 $0xffff, v1  }
0x219: {  	v1 =	vld @p1 [tilespmem:$0xF1B8];
	_ =	sdelay $0x4  }
0x21a: {  	[tilespmem:s4+$0xF268] =	vst.add.f32.msk @p1 $0xffff, v1  }
0x21b: {  	v1 =	vld @p1 [tilespmem:$0xF1C8];
	_ =	sdelay $0x4  }
0x21c: {  	[tilespmem:s4+$0xF278] =	vst.add.f32.msk @p1 $0xffff, v1  }
0x21d: {  	v1 =	vld @p1 [tilespmem:$0xF1D8];
	_ =	sdelay $0x4  }
0x21e: {  	[tilespmem:s4+$0xF288] =	vst.add.f32.msk @p1 $0xffff, v1  }
0x21f: {  	v1 =	vld @p1 [tilespmem:$0xF1E8];
	_ =	sdelay $0x4  }
0x220: {  	[tilespmem:s4+$0xF298] =	vst.add.f32.msk @p1 $0xffff, v1  }
0x221: {  	v1 =	vld @p1 [tilespmem:$0xF1F8];
	_ =	sdelay $0x3  }
0x222: {  	s5 =	sshll.u32 @!p1 s3, $0x9  }
0x223: {  	s5 =	smov.u32 @p1 s0;
	[tilespmem:s4+$0xF2A8] =	vst.add.f32.msk @p1 $0xffff, v1  }
0x224: {  	s0 =	sshrl.u32 s5, $0x2;
	[tilespmem:s2+$0xF218] =	vst.msk $0x1, v0  }
0x225: {  	v0 =	vld [tilespmem:s0+$0xF238];
	_ =	sdelay $0x2  }
0x226: {  	s31 =	sshll.u32 s2, $0x9  }
0x227: {  	s4 =	sshra.s32 s31, $0x2  }
0x228: {  	[tilespmem:s4+$0xF238] =	vst v0  }
0x229: {  	v0 =	vld [tilespmem:s0+$0xF248];
	_ =	sdelay $0x4  }
0x22a: {  	[tilespmem:s4+$0xF248] =	vst v0  }
0x22b: {  	v0 =	vld [tilespmem:s0+$0xF258];
	_ =	sdelay $0x4  }
0x22c: {  	[tilespmem:s4+$0xF258] =	vst v0  }
0x22d: {  	v0 =	vld [tilespmem:s0+$0xF268];
	_ =	sdelay $0x4  }
0x22e: {  	[tilespmem:s4+$0xF268] =	vst v0  }
0x22f: {  	v0 =	vld [tilespmem:s0+$0xF278];
	_ =	sdelay $0x4  }
0x230: {  	[tilespmem:s4+$0xF278] =	vst v0  }
0x231: {  	v0 =	vld [tilespmem:s0+$0xF288];
	_ =	sdelay $0x4  }
0x232: {  	[tilespmem:s4+$0xF288] =	vst v0  }
0x233: {  	v0 =	vld [tilespmem:s0+$0xF298];
	_ =	sdelay $0x4  }
0x234: {  	[tilespmem:s4+$0xF298] =	vst v0  }
0x235: {  	v0 =	vld [tilespmem:s0+$0xF2A8];
	_ =	sdelay $0x4  }
0x236: {  	s2 =	sadd.s32 $0x1, s2;
	[tilespmem:s4+$0xF2A8] =	vst v0  }
.LBB2_48:
0x237: {  	s3 =	sadd.s32 $0x1, s3  }
0x238: {  	p1 =	sne.s32 s3, $0x20  }
.Ltmp32:
0x239: {  	_ = 	snop;
	(pc) =	sbr.rel @!p1 .LBB2_49-.Ltmp32, $1  }
0x23a: {  	_ =	sdelay $0x3  }
.LBB2_41:
0x23b: {  	v0 =	vld.msk [tilespmem:s3+$0xF218], $0x1;
	_ =	sdelay $0x4  }
0x23c: {  	(v2sf) =	vpush v0, $0x0;
	_ =	sdelay $0xe  }
0x23d: {  	s4 =	spop (v2sf)  }
0x23e: {  	p1 =	seq.s32 s4, $0xFFFFFFFF  }
.Ltmp33:
0x23f: {  	_ = 	snop;
	(pc) =	sbr.rel @p1 .LBB2_48-.Ltmp33, $1  }
0x240: {  	_ =	sdelay $0x3  }
0x241: {  	p1 =	slt.s32 s2, $0x1  }
.Ltmp34:
0x242: {  	_ = 	snop;
	(pc) =	sbr.rel @p1 .LBB2_47-.Ltmp34, $1  }
0x243: {  	_ =	sdelay $0x3  }
0x244: {  	s5 =	simm.s32 $0xF218;
	p1 =	por $0x0, $0x0  }
0x245: {  	v1 =	vld.msk @!p1 [tilespmem:s5+$0x0], $0x1;
	_ =	sdelay $0x4  }
0x246: {  	(v2sf) =	vpush @!p1 v1, $0x0;
	_ =	sdelay $0xd  }
0x247: {  	p3 =	sne.s32 s2, $0x1  }
.Ltmp35:
0x248: {  	s0 =	spop @!p1 (v2sf);
	(pc) =	sbr.rel @!p3 .LBB2_45-.Ltmp35, $4  }
0x249: {  	p2 =	seq.s32 @!p1 s4, s0  }
0x24a: {  	s6 =	simm.s32 $0x0;
	p2 =	por !p2, p1  }
0x24b: {  	s7 =	simm.s32 $0xFFFFFFFF;
	s6 =	simm.s32 @p2 $0xFFFFFFFF  }
0x24c: {  	s0 =	simm.s32 $0x1;
	s6 =	smov.u32 @p1 s7  }
.LBB2_44:
0x24d: {  	s7 =	smov.u32 s6;
	p1 =	sne.s32 s6, $0xFFFFFFFF  }
0x24e: {  	s5 =	sadd.s32 $0x1, s5;
	s6 =	smov.u32 s0;
	s0 =	sadd.s32 $0x1, s0  }
0x24f: {  	p2 =	sne.s32 s2, s0;
	v1 =	vld.msk @!p1 [tilespmem:s5+$0x0], $0x1;
	_ =	sdelay $0x4  }
0x250: {  	(v2sf) =	vpush @!p1 v1, $0x0;
	_ =	sdelay $0xe  }
.Ltmp36:
0x251: {  	s8 =	spop @!p1 (v2sf);
	(pc) =	sbr.rel @p2 .LBB2_44-.Ltmp36, $4  }
0x252: {  	p3 =	seq.s32 @!p1 s4, s8  }
0x253: {  	p3 =	por !p3, p1  }
0x254: {  	s6 =	simm.s32 @p3 $0xFFFFFFFF  }
0x255: {  	s6 =	smov.u32 @p1 s7  }
.LBB2_45:
0x256: {  	p1 =	seq.s32 s6, $0xFFFFFFFF  }
.Ltmp37:
0x257: {  	_ = 	snop;
	(pc) =	sbr.rel @p1 .LBB2_47-.Ltmp37, $1  }
0x258: {  	_ =	sdelay $0x3  }
0x259: {  	s0 =	sshll.u32 s3, $0x7  }
0x25a: {  	s0 =	sand.u32 $0x3FFFFF80, s0  }
0x25b: {  	v0 =	vld [tilespmem:s0+$0xF238];
	_ =	sdelay $0x2  }
0x25c: {  	s4 =	sshll.u32 s6, $0x9  }
0x25d: {  	s4 =	sshra.s32 s4, $0x2  }
0x25e: {  	[tilespmem:s4+$0xF238] =	vst.add.f32.msk $0xffff, v0  }
0x25f: {  	v0 =	vld [tilespmem:s0+$0xF248];
	_ =	sdelay $0x4  }
0x260: {  	[tilespmem:s4+$0xF248] =	vst.add.f32.msk $0xffff, v0  }
0x261: {  	v0 =	vld [tilespmem:s0+$0xF258];
	_ =	sdelay $0x4  }
0x262: {  	[tilespmem:s4+$0xF258] =	vst.add.f32.msk $0xffff, v0  }
0x263: {  	v0 =	vld [tilespmem:s0+$0xF268];
	_ =	sdelay $0x4  }
0x264: {  	[tilespmem:s4+$0xF268] =	vst.add.f32.msk $0xffff, v0  }
0x265: {  	v0 =	vld [tilespmem:s0+$0xF278];
	_ =	sdelay $0x4  }
0x266: {  	[tilespmem:s4+$0xF278] =	vst.add.f32.msk $0xffff, v0  }
0x267: {  	v0 =	vld [tilespmem:s0+$0xF288];
	_ =	sdelay $0x4  }
0x268: {  	[tilespmem:s4+$0xF288] =	vst.add.f32.msk $0xffff, v0  }
0x269: {  	v0 =	vld [tilespmem:s0+$0xF298];
	_ =	sdelay $0x4  }
0x26a: {  	[tilespmem:s4+$0xF298] =	vst.add.f32.msk $0xffff, v0  }
0x26b: {  	v0 =	vld [tilespmem:s0+$0xF2A8]  }
.Ltmp38:
0x26c: {  	_ = 	snop;
	(pc) =	sbr.rel .LBB2_48-.Ltmp38, $2  }
0x26d: {  	_ =	sdelay $0x2  }
0x26e: {  	[tilespmem:s4+$0xF2A8] =	vst.add.f32.msk $0xffff, v0  }
.LBB2_49:
0x26f: {  	p1 =	slt.s32 s2, $0x1  }
.Ltmp39:
0x270: {  	_ = 	snop;
	(pc) =	sbr.rel @p1 .LBB2_53-.Ltmp39, $3  }
0x271: {  	_ =	sdelay $0x1  }
0x272: {  	s0 =	simm.s32 $0x8  }
0x273: {  	s3 =	simm.s32 $0x0;
	[sflag:s0] =	ssyncpa.u1 $0x1  }
0x274: {  	s0 =	simm.s32 $0xF218  }
0x275: {  	v0 =	vld.msk [tilespmem:s0+$0x0], $0x1;
	_ =	sdelay $0x4  }
0x276: {  	(v2sf) =	vpush v0, $0x0;
	_ =	sdelay $0xe  }
0x277: {  	s0 =	sadd.s32 $0xFFFFFFFF, s2;
	s5 =	spop (v2sf)  }
0x278: {  	p2 =	sne.s32 s0, $0x0;
	p1 =	sgt.u32 s5, $0xFF0  }
.Ltmp40:
0x279: {  	s6 =	sand.u32 @!p1 $0xFF8, s5;
	(pc) =	sbr.rel @!p2 .LBB2_52-.Ltmp40, $4  }
0x27a: {  	s4 =	simm.s32 $0xF238;
	s5 =	sand.u32 @!p1 $0x7, s5;
	s2 =	sadd.s32 @!p1 s1, s6  }
0x27b: {  	[hbm4b:s2+s5] =	stream.linear.scatter @!p1 [tilespmem:s4], [sflag:$0x7], $0x80, $0x38;
	[tilespmem:$0x1F6F8] =	vst v63  }
0x27c: {  	s5 =	simm.s32 $0x0  }
0x27d: {  	s2 =	simm.s32 $0xF219;
	s5 =	simm.s32 @!p1 $0x200  }
.LBB2_51:
0x27e: {  	v0 =	vld.msk [tilespmem:s2+$0x0], $0x1;
	s0 =	sadd.s32 $0xFFFFFFFF, s0;
	s3 =	sadd.s32 s3, s5  }
0x27f: {  	p1 =	sne.s32 s0, $0x0;
	_ =	sdelay $0x3  }
0x280: {  	(v2sf) =	vpush v0, $0x0;
	_ =	sdelay $0xe  }
.Ltmp41:
0x281: {  	s6 =	spop (v2sf);
	(pc) =	sbr.rel @p1 .LBB2_51-.Ltmp41, $4  }
0x282: {  	s5 =	simm.s32 $0x0;
	p2 =	sgt.u32 s6, $0xFF0  }
0x283: {  	s4 =	sadd.s32 $0x80, s4;
	s5 =	simm.s32 @!p2 $0x200;
	s7 =	sand.u32 @!p2 $0xFF8, s6  }
0x284: {  	s2 =	sadd.s32 $0x1, s2;
	s6 =	sand.u32 @!p2 $0x7, s6;
	s7 =	sadd.s32 @!p2 s1, s7  }
0x285: {  	[hbm4b:s7+s6] =	stream.linear.scatter @!p2 [tilespmem:s4], [sflag:$0x7], $0x80, $0x38;
	[tilespmem:$0x1F6F8] =	vst v63  }
.LBB2_52:
0x286: {  	s0 =	sadd.s32 s3, s5  }
0x287: {  	s3 =	sshrl.u32 s0, $0x2  }
.LBB2_53:
0x288: {  	s0 =	simm.s32 $0x7  }
0x289: {  	_ =	swait.ge [sflag:s0], s3  }
0x28a: {  	s1 =	ssub.s32 $0x0, s3;
	[sflag:s0] =	ssyncset.done $0x0  }
0x28b: {  	[sflag:s0] =	ssyncadd.s32 s1  }
0x28c: {  	[sflag:s0] =	ssyncpa.u1 $0x1  }
.LBB2_54:
0x28d: {  	_ =	sfence;
	s0 =	simm.s32 $0x1  }
0x28e: {  	[sflag:s0] =	ssyncpa.u1 $0x1  }
0x28f: {  	_ =	strace $0x90000053  }
0x290: {  	[bflag:$0x2] =	sbarrier.arrive $0xFFFF  }
0x291: {  	s0 =	rddreg [dreg:$0x3]  }
0x292: {  	s0 =	sadd.s32 @!p0 $0x100000, s0  }
0x293: {  	[sflag:s0] =	ssyncadd.tile.s32 @!p0 $0x1;
	_ =	shalt  }
.Lfunc_end2:
_tile_overlayer_lowered:
.L_overlay_start_2:
0x294: {  	(tag) =	ssettag $0x2  }
0x295: {  	s0 =	rddreg [dreg:$0x0];
	s2 =	stileid.u32  }
0x296: {  	s1 =	rddreg [dreg:$0x1];
	p0 =	sne.s32 s2, $0x0  }
0x297: {  	s3 =	rddreg [dreg:$0x2];
	[bflag:$0x3] =	sbarrier.arrive $0xFFFF;
	s2 =	simm.s32 @!p0 $0x1C01  }
0x298: {  	[timem:s3], [sflag:s2] =	dma.local @!p0 [hbm:s0], s1  }
0x299: {  	s0 =	simm.s32 @!p0 $0x1  }
0x29a: {  	_ =	swait.ge @!p0 [sflag:s0], s1  }
0x29b: {  	s1 =	ssub.s32 @!p0 $0x0, s1;
	[sflag:s0] =	ssyncset.done @!p0 $0x0  }
0x29c: {  	[sflag:s0] =	ssyncadd.s32 @!p0 s1  }
0x29d: {  	[bflag:$0x3] =	sbarrier.arrive $0xFFFF  }
0x29e: {  	_ =	shalt  }

// kernel: scatter_offload_async_start
scs
__scs_entry_jumppad:
0x0: {  	(pc) =	sbr.rel $0x88, $3  }
0x1: {  	(tag) =	ssettag $0x0;
	lr =	simm.s32 $0x1  }
0x2: {  	[smem:$0x3F79] =	sst lr;
	_ =	strace $0xD0000000  }
0x3: {  	_ = 	snop  }
0x4: {  	_ = 	snop  }
0x5: {  	_ = 	snop  }
0x6: {  	_ = 	snop  }
0x7: {  	_ = 	snop  }
__scs_overlays_trampoline_lowered:
0x8: {  	[smem:$0x3F88] =	sst s0  }
0x9: {  	[smem:$0x3F89] =	sst s1  }
0xa: {  	[smem:$0x3F8A] =	sst s2  }
0xb: {  	[smem:$0x3F8B] =	sst s3  }
0xc: {  	[smem:$0x3F8C] =	sst s4  }
0xd: {  	[smem:$0x3F8D] =	sst s5  }
0xe: {  	[smem:$0x3F8E] =	sst s6  }
0xf: {  	[smem:$0x3F8F] =	sst s7  }
0x10: {  	[smem:$0x3F90] =	sst s8  }
0x11: {  	[smem:$0x3F91] =	sst s9;
	s0 =	simm.s32 @!p0 $0x0  }
0x12: {  	s1 =	sld [smem:$0x3F77];
	s0 =	simm.s32 @p0 $0x1  }
0x13: {  	[smem:$0x3F92] =	sst s0;
	s0 =	simm.s32 @!p1 $0x0  }
0x14: {  	s2 =	sld [smem:$0x3F76];
	s0 =	simm.s32 @p1 $0x1  }
0x15: {  	[smem:$0x3F93] =	sst s0;
	s0 =	simm.s32 @!p2 $0x0  }
0x16: {  	s3 =	sld [smem:$0x3FDB];
	s0 =	simm.s32 @p2 $0x1  }
0x17: {  	s4 =	simm.s32 $0x1BF5;
	[smem:$0x3F95] =	sst s0  }
0x18: {  	s0 =	sld [smem:$0x3F78];
	_ =	swait.ge [sflag:s4], $0x0  }
0x19: {  	s7 =	sld [smem:$0x3F79]  }
0x1a: {  	s8 =	sadd.s32 $0xFFFFE003, lr  }
0x1b: {  	s9 =	sadd.s32 $0xFFFFFEF7, lr;
	s5 =	simm.s32 $0xFFFFFFFF;
	p2 =	slt.u32 s8, $0xFFFFF086  }
0x1c: {  	p1 =	slt.u32 s9, $0xF7A;
	s5 =	simm.s32 @!p2 $0x0  }
0x1d: {  	s5 =	simm.s32 @p1 $0x1;
	p0 =	seq.s32 s7, s2  }
0x1e: {  	s7 =	smul.u32 @!p0 $0xF7A, s2;
	p2 =	seq.s32 @!p0 s5, $0x0  }
0x1f: {  	s9 =	smul.u32 $0xF7A, s1;
	s8 =	simm.s32 @!p0 $0x1BF5;
	p2 =	por !p2, p0  }
0x20: {  	[sflag:s8] =	ssyncset.s32 @!p0 $0xFFFFF086;
	s6 =	sadd.s32 @!p0 s3, s7;
	s7 =	simm.s32 @!p0 $0x108  }
0x21: {  	s3 =	sadd.s32 s3, s9;
	s6 =	sadd.s32 @!p0 $0x88, s6;
	s7 =	simm.s32 @p2 $0x1082  }
0x22: {  	[simem:s7], [sflag:s8] =	dma.local @!p0 [hbm:s6], $0xF7A  }
0x23: {  	s9 =	sor.u32 $0xD0000000, s2;
	s6 =	simm.s32 $0x108;
	_ =	swait.ge @!p0 [sflag:s8], $0x0  }
0x24: {  	s3 =	sadd.s32 $0x88, s3;
	s6 =	simm.s32 @!p1 $0x1082;
	[sflag:s4] =	ssyncset.s32 $0xFFFFF086  }
0x25: {  	[simem:s6], [sflag:s4] =	dma.local [hbm:s3], $0xF7A  }
0x26: {  	[smem:$0x3F79] =	sst s1;
	(tag) =	ssettag s2;
	_ =	strace s9  }
0x27: {  	s1 =	sld [smem:$0x3F89]  }
0x28: {  	s2 =	sld [smem:$0x3F8A]  }
0x29: {  	s4 =	sld [smem:$0x3F8C]  }
0x2a: {  	p0 =	seq.s32 s5, $0x0;
	s5 =	sld [smem:$0x3F8D]  }
0x2b: {  	s6 =	sld [smem:$0x3F8E]  }
0x2c: {  	s7 =	sld [smem:$0x3F8F]  }
0x2d: {  	s3 =	simm.s32 $0x108;
	s8 =	sld [smem:$0x3F90]  }
0x2e: {  	s3 =	simm.s32 @!p0 $0x1082;
	s9 =	sld [smem:$0x3F91]  }
0x2f: {  	lr =	sadd.s32 s0, s3;
	s0 =	sld [smem:$0x3F88]  }
0x30: {  	s3 =	sld [smem:$0x3F8B]  }
0x31: {  	[smem:$0x3F94] =	sst s10  }
0x32: {  	s10 =	sld [smem:$0x3F92];
	_ =	sdelay $0x3  }
0x33: {  	p0 =	seq.s32 s10, $0x1;
	s10 =	sld [smem:$0x3F94];
	_ =	sdelay $0x3  }
0x34: {  	[smem:$0x3F94] =	sst s10  }
0x35: {  	s10 =	sld [smem:$0x3F93];
	_ =	sdelay $0x3  }
0x36: {  	p1 =	seq.s32 s10, $0x1;
	s10 =	sld [smem:$0x3F94];
	_ =	sdelay $0x3  }
0x37: {  	[smem:$0x3F94] =	sst s10  }
0x38: {  	s10 =	sld [smem:$0x3F95]  }
0x39: {  	_ = 	snop;
	(pc) =	sbr.ind lr, $3  }
0x3a: {  	_ = 	snop  }
0x3b: {  	_ = 	snop  }
0x3c: {  	p2 =	seq.s32 s10, $0x1;
	s10 =	sld [smem:$0x3F94]  }
0x3d: {  	_ =	shalt  }
0x3e: {  	_ =	shalt  }
0x3f: {  	_ =	shalt  }
0x40: {  	_ =	shalt  }
0x41: {  	_ =	shalt  }
0x42: {  	_ =	shalt  }
0x43: {  	_ =	shalt  }
0x44: {  	_ =	shalt  }
0x45: {  	_ =	shalt  }
0x46: {  	_ =	shalt  }
0x47: {  	_ =	shalt  }
0x48: {  	_ =	shalt  }
0x49: {  	_ =	shalt  }
0x4a: {  	_ =	shalt  }
0x4b: {  	_ =	shalt  }
0x4c: {  	_ =	shalt  }
0x4d: {  	_ =	shalt  }
0x4e: {  	_ =	shalt  }
0x4f: {  	_ =	shalt  }
0x50: {  	_ =	shalt  }
0x51: {  	_ =	shalt  }
0x52: {  	_ =	shalt  }
0x53: {  	_ =	shalt  }
0x54: {  	_ =	shalt  }
0x55: {  	_ =	shalt  }
0x56: {  	_ =	shalt  }
0x57: {  	_ =	shalt  }
0x58: {  	_ =	shalt  }
0x59: {  	_ =	shalt  }
0x5a: {  	_ =	shalt  }
0x5b: {  	_ =	shalt  }
0x5c: {  	_ =	shalt  }
0x5d: {  	_ =	shalt  }
0x5e: {  	_ =	shalt  }
0x5f: {  	_ =	shalt  }
0x60: {  	_ =	shalt  }
0x61: {  	_ =	shalt  }
0x62: {  	_ =	shalt  }
0x63: {  	_ =	shalt  }
0x64: {  	_ =	shalt  }
0x65: {  	_ =	shalt  }
0x66: {  	_ =	shalt  }
0x67: {  	_ =	shalt  }
0x68: {  	_ =	shalt  }
0x69: {  	_ =	shalt  }
0x6a: {  	_ =	shalt  }
0x6b: {  	_ =	shalt  }
0x6c: {  	_ =	shalt  }
0x6d: {  	_ =	shalt  }
0x6e: {  	_ =	shalt  }
0x6f: {  	_ =	shalt  }
0x70: {  	_ =	shalt  }
0x71: {  	_ =	shalt  }
0x72: {  	_ =	shalt  }
0x73: {  	_ =	shalt  }
0x74: {  	_ =	shalt  }
0x75: {  	_ =	shalt  }
0x76: {  	_ =	shalt  }
0x77: {  	_ =	shalt  }
0x78: {  	_ =	shalt  }
0x79: {  	_ =	shalt  }
0x7a: {  	_ =	shalt  }
0x7b: {  	_ =	shalt  }
0x7c: {  	_ =	shalt  }
0x7d: {  	_ =	shalt  }
0x7e: {  	_ =	shalt  }
0x7f: {  	_ =	shalt  }
0x80: {  	_ =	shalt  }
0x81: {  	_ =	shalt  }
0x82: {  	_ =	shalt  }
0x83: {  	_ =	shalt  }
0x84: {  	_ =	shalt  }
0x85: {  	_ =	shalt  }
0x86: {  	_ =	shalt  }
0x87: {  	_ =	shalt  }
.Lfunc_end0:
.L_simem_size_0:
called_computation_lowered:
.L_overlay_start_0:
0x88: {  	s2 =	sld [smem:$0x3FD9]  }
0x89: {  	s3 =	sld [smem:$0x3FFE];
	_ =	sdelay $0x1  }
0x8a: {  	s1 =	srdreg.scid  }
0x8b: {  	s0 =	sand.u32 $0x1, s1  }
0x8c: {  	s15 =	sshll.u32 s0, $0xA;
	s2 =	sadd.s32 s3, s2  }
0x8d: {  	s2 =	sadd.s32 s2, s15  }
0x8e: {  	[smem:$0x3FA0] =	sst s2  }
0x8f: {  	_ = 	snop  }
0x90: {  	(tm) =	ssettm $0x1  }
0x91: {  	s16 =	sld [smem:$0x3FFB];
	_ =	sdelay $0x3  }
0x92: {  	_ =	strace s16  }
0x93: {  	s2 =	sld [smem:$0x3FFC];
	_ =	sdelay $0x3  }
0x94: {  	_ =	strace s2  }
0x95: {  	s2 =	sld [smem:$0x3FFD];
	_ =	sdelay $0x3  }
0x96: {  	_ =	strace s2  }
0x97: {  	_ =	strace $0x8FFFFFFF  }
0x98: {  	s17 =	sld [smem:$0x3FDB];
	_ =	sdelay $0x1  }
0x99: {  	s18 =	simm.s32 $_scs_section_size  }
0x9a: {  	s4 =	simm.s32 $_size__tile_overlayer_lowered;
	s5 =	simm.s32 $_tile_overlayer_lowered  }
0x9b: {  	s6 =	simm.s32 $0x1BFF;
	s19 =	sshll.u32 s5, $0x1;
	s3 =	sadd.s32 s18, s17  }
0x9c: {  	s20 =	simm.s32 $0x0;
	s4 =	sshll.u32 s4, $0x1;
	s5 =	sadd.s32 s19, s3  }
0x9d: {  	[timem:s20], [sflag:s6] =	dma.local [hbm:s5], s4  }
0x9e: {  	_ =	swait.ge [sflag:s6], s4  }
0x9f: {  	s4 =	ssub.s32 $0x0, s4;
	[sflag:s6] =	ssyncset.done $0x0  }
0xa0: {  	[sflag:s6] =	ssyncadd.s32 s4;
	_ =	sdelay $0x1  }
0xa1: {  	s21 =	simm.s32 $0x1B8B  }
0xa2: {  	_ =	swait.ge [sflag:s21], $0x1  }
0xa3: {  	[sflag:s21] =	ssyncset.done $0x0  }
0xa4: {  	s22 =	sld [smem:$0x3FFE];
	[sflag:s21] =	ssyncadd.s32 $0xFFFFFFFF  }
0xa5: {  	s24 =	simm.s32 $0x1B8E;
	s23 =	sld [smem:$0x0]  }
0xa6: {  	s25 =	simm.s32 $execute0_lowered;
	[smem:$0x3FD2] =	sst s24  }
0xa7: {  	s6 =	sshll.u32 s25, $0x1;
	_ =	strace $0x80000046;
	[dreg:$0x1] =	wrdreg $0xFFFFFFFF  }
0xa8: {  	s7 =	simm.s32 $_size_execute0_lowered;
	s6 =	sadd.s32 s3, s6;
	[dreg:$0x0] =	wrdreg $0x0  }
0xa9: {  	s7 =	sshll.u32 s7, $0x1;
	[dreg:$0x2] =	wrdreg s6  }
0xaa: {  	[dreg:$0x3] =	wrdreg s7  }
0xab: {  	[dreg:$0x4] =	wrdreg $0xC0  }
0xac: {  	s26 =	simm.s32 $execute1_lowered;
	_ =	task [dreg:s20], $0x5FFFF  }
0xad: {  	s6 =	sshll.u32 s26, $0x1;
	[dreg:$0x1] =	wrdreg $0xFFFFFFFF  }
0xae: {  	s3 =	sadd.s32 s3, s6;
	[dreg:$0x0] =	wrdreg $0x60  }
0xaf: {  	[dreg:$0x2] =	wrdreg s3  }
0xb0: {  	[dreg:$0x3] =	wrdreg s22  }
0xb1: {  	[dreg:$0x4] =	wrdreg $0x9  }
0xb2: {  	_ =	task.clear_ibuf [dreg:s20], $0x5FFFF;
	_ =	strace $0x90000046  }
0xb3: {  	s28 =	simm.s32 $0x9;
	_ =	strace $0x80000048  }
0xb4: {  	_ =	swait.ge [sflag:s28], $0x1  }
0xb5: {  	[sflag:s28] =	ssyncadd.s32 $0xFFFFFFFF  }
0xb6: {  	_ =	strace $0x90000048  }
0xb7: {  	s3 =	sld [smem:$0x0]  }
0xb8: {  	s6 =	sand.u32 $0xFFFFFFFE, s1  }
0xb9: {  	p0 =	sne.s32 s1, s6  }
0xba: {  	s6 =	sshll.u32 @p0 s6, $0xE  }
0xbb: {  	s6 =	sadd.s32 @p0 $0x11BF3, s6;
	s7 =	sshll.u32 @p0 s3, $0x11  }
0xbc: {  	s6 =	sor.u32 @p0 s7, s6  }
0xbd: {  	[sflag:s6] =	ssyncadd.remote.s32 @p0 $0x1;
	_ =	sdelay $0x1  }
0xbe: {  	s6 =	simm.s32 @p0 $0x1BF3  }
0xbf: {  	_ =	swait.eq @p0 [sflag:s6], $0x1  }
0xc0: {  	[sflag:s6] =	ssyncadd.s32 @p0 $0xFFFFFFFF  }
0xc1: {  	s7 =	sshll.u32 @!p0 s1, $0xE  }
0xc2: {  	s7 =	sor.u32 @!p0 $0x4000, s7;
	s6 =	simm.s32 @!p0 $0x1BF3  }
0xc3: {  	s3 =	sshll.u32 @!p0 s3, $0x11;
	s7 =	sadd.s32 @!p0 $0x11BF3, s7;
	_ =	swait.eq @!p0 [sflag:s6], $0x1  }
0xc4: {  	s3 =	sor.u32 @!p0 s3, s7;
	[sflag:s6] =	ssyncadd.s32 @!p0 $0xFFFFFFFF  }
0xc5: {  	[sflag:s3] =	ssyncadd.remote.s32 @!p0 $0x1  }
0xc6: {  	_ =	strace $0x80000049;
	[dreg:$0x1] =	wrdreg $0xFFFFFFFF  }
0xc7: {  	[dreg:$0x0] =	wrdreg $0x2030  }
0xc8: {  	[dreg:$0x2] =	wrdreg s22  }
0xc9: {  	[dreg:$0x3] =	wrdreg s1  }
0xca: {  	[dreg:$0x4] =	wrdreg s23  }
0xcb: {  	[dreg:$0x5] =	wrdreg $0xA  }
0xcc: {  	_ =	task.clear_ibuf [dreg:s20], $0x6FFFF;
	_ =	strace $0x90000049  }
0xcd: {  	s29 =	simm.s32 $0xA;
	_ =	strace $0x8000004B  }
0xce: {  	_ =	swait.ge [sflag:s29], $0x1  }
0xcf: {  	[sflag:s29] =	ssyncadd.s32 $0xFFFFFFFF  }
0xd0: {  	_ =	strace $0x9000004B  }
0xd1: {  	_ =	sfence  }
0xd2: {  	s30 =	sld [smem:$0x0];
	_ =	sdelay $0x2  }
0xd3: {  	s31 =	sshll.u32 s1, $0xD;
	s1 =	sshrl.u32 s1, $0x2  }
0xd4: {  	s4 =	sand.u32 $0x4000, s31;
	s1 =	sadd.s32 s1, s30  }
0xd5: {  	s0 =	sor.u32 s4, s0;
	s1 =	sshll.u32 s1, $0x11  }
0xd6: {  	s0 =	sor.u32 s1, s0  }
0xd7: {  	s0 =	sadd.s32 $0x8F2B, s0  }
0xd8: {  	[sflag:s0] =	ssyncadd.remote.s32 $0x1  }
0xd9: {  	_ =	sfence.sel $0xFFFF  }
0xda: {  	[dreg:$0x0] =	wrdreg $0xFFFFFFFF;
	(pc) =	sbr.abs _section_cstart, $3  }
0xdb: {  	[dreg:$0x1] =	wrdreg $0xFFFFFFFF  }
0xdc: {  	_ =	task.clear_ibuf [dreg:s20], $0x2FFFF;
	_ =	strace $0x9FFFFFFF  }
0xdd: {  	(tm) =	ssettm $0x7FFFFFFF  }
tec
execute0_lowered:
.L_overlay_start_1:
0x0: {  	(tag) =	ssettag $0x1  }
0x1: {  	s2 =	rddreg [dreg:$0x0]  }
0x2: {  	s4 =	rddreg [dreg:$0x1]  }
0x3: {  	s0 =	rddreg [dreg:$0x2];
	s3 =	stileid.u32;
	[bflag:$0x3] =	sbarrier.arrive $0xFFFF  }
0x4: {  	s1 =	simm.s32 $_size_execute1_lowered;
	s29 =	srdreg.scid;
	p0 =	sne.s32 s3, $0x0  }
0x5: {  	s1 =	sshll.u32 s1, $0x1;
	s5 =	simm.s32 @!p0 $0x1C3F;
	s6 =	simm.s32 @!p0 $0x4060  }
0x6: {  	[timem:s6], [sflag:s5] =	dma.local @!p0 [hbm:s2], s1  }
0x7: {  	s8 =	simm.s32 $0x2;
	s2 =	sshll.u32 s29, $0x3  }
0x8: {  	s9 =	simm.s32 $0x0;
	s3 =	sshll.u32 s3, $0x4;
	s2 =	sand.u32 $0x8, s2  }
0x9: {  	s11 =	simm.s32 $0x0;
	s10 =	simm.s32 $0x0;
	s2 =	sor.u32 s3, s2  }
0xa: {  	_ =	strace $0x80000047;
	s3 =	sshll.u32 s2, $0x4;
	s30 =	ssub.s32 $0x100, s2  }
.Ltmp0:
0xb: {  	s31 =	sadd.s32 s3, s4;
	s7 =	sand.u32 $0xF8, s30;
	(pc) =	sbr.rel .LBB2_1-.Ltmp0, $4  }
0xc: {  	s3 =	simm.s32 $0x1;
	p1 =	sne.s32 s7, $0x0;
	s7 =	simm.s32 $0x1  }
0xd: {  	s5 =	sshrl.u32 s30, $0x8;
	s4 =	sadd.s32 $0x10A00, s4;
	s7 =	simm.s32 @!p1 $0x0  }
0xe: {  	[sflag:s3] =	ssyncpa.u1 $0x0;
	s6 =	sadd.s32 $0xFA00, s31;
	s5 =	sadd.s32 s7, s5  }
0xf: {  	[sflag:s8] =	ssyncpa.u1 $0x0;
	s8 =	simm.s32 $0x0;
	s7 =	sadd.s32 $0x1, s5  }
.LBB2_4:
0x10: {  	_ =	sdelay $0x3  }
0x11: {  	[tilespmem:v0+s13+$0xFFFFFFA0 ss:$0x1] =	vst.idx.msk $0xffff, v6  }
0x12: {  	v56 =	vld.idx.msk [tilespmem:v1+s14+$0x30 ss:$0x1], $0xffff;
	[tilespmem:v0+s13+$0xFFFFFFB0 ss:$0x1] =	vst.idx.msk $0xffff, v4  }
0x13: {  	v57 =	vld.idx.msk [tilespmem:v1+s14+$0xFFFFFFC0 ss:$0x1], $0xffff;
	[tilespmem:v0+s13+$0xFFFFFFC0 ss:$0x1] =	vst.idx.msk $0xffff, v2  }
0x14: {  	v58 =	vld.idx.msk [tilespmem:v1+s14+$0xFFFFFFD0 ss:$0x1], $0xffff;
	[tilespmem:v0+s13+$0xFFFFFFD0 ss:$0x1] =	vst.idx.msk $0xffff, v3  }
0x15: {  	v59 =	vld.idx.msk [tilespmem:v1+s14+$0xFFFFFFE0 ss:$0x1], $0xffff;
	[tilespmem:v0+s13+$0xFFFFFFE0 ss:$0x1] =	vst.idx.msk $0xffff, v5  }
0x16: {  	v60 =	vld.idx.msk [tilespmem:v1+s14+$0xFFFFFFF0 ss:$0x1], $0xffff;
	[tilespmem:v0+s13+$0xFFFFFFF0 ss:$0x1] =	vst.idx.msk $0xffff, v7  }
0x17: {  	v61 =	vld.idx.msk [tilespmem:v1+s14+$0x0 ss:$0x1], $0xffff;
	[tilespmem:v0+s14+$0x0 ss:$0x1] =	vst.idx.msk $0xffff, v56  }
0x18: {  	v62 =	vld.idx.msk [tilespmem:v1+s14+$0x10 ss:$0x1], $0xffff;
	[tilespmem:v0+s14+$0xFFFFFF90 ss:$0x1] =	vst.idx.msk $0xffff, v57  }
0x19: {  	v63 =	vld.idx.msk [tilespmem:v1+s14+$0x20 ss:$0x1], $0xffff;
	[tilespmem:v0+s14+$0xFFFFFFA0 ss:$0x1] =	vst.idx.msk $0xffff, v58  }
0x1a: {  	[tilespmem:v0+s14+$0xFFFFFFB0 ss:$0x1] =	vst.idx.msk $0xffff, v59  }
0x1b: {  	[tilespmem:v0+s14+$0xFFFFFFC0 ss:$0x1] =	vst.idx.msk $0xffff, v60  }
0x1c: {  	s11 =	sshll.u32 s11, $0x4;
	[tilespmem:v0+s14+$0xFFFFFFD0 ss:$0x1] =	vst.idx.msk $0xffff, v61  }
0x1d: {  	s11 =	sand.u32 $0xFF0, s11;
	[tilespmem:v0+s14+$0xFFFFFFE0 ss:$0x1] =	vst.idx.msk $0xffff, v62  }
0x1e: {  	s11 =	sadd.s32 s4, s11;
	[tilespmem:v0+s14+$0xFFFFFFF0 ss:$0x1] =	vst.idx.msk $0xffff, v63  }
0x1f: {  	[hbm4b:s11+s8] =	stream.linear.scatter [tilespmem:s12], [sflag:$0x2], $0x400, $0x38;
	[tilespmem:$0x1000] =	vst v63  }
.LBB2_5:
0x20: {  	p2 =	sne.s32 s10, s7  }
.Ltmp1:
0x21: {  	p1 =	slt.u32 s10, $0x2;
	(pc) =	sbr.rel @!p2 .LBB2_6-.Ltmp1, $4  }
0x22: {  	s11 =	simm.s32 @!p1 $0x2  }
0x23: {  	_ =	swait.ge @!p1 [sflag:s11], $0x400  }
0x24: {  	s12 =	sadd.s32 $0x1, s10;
	s9 =	sadd.s32 $0x400, s9;
	[sflag:s11] =	ssyncset.done @!p1 $0x0  }
0x25: {  	s10 =	smov.u32 s12;
	[sflag:s11] =	ssyncadd.s32 @!p1 $0xFFFFFC00;
	s11 =	smov.u32 s2  }
.LBB2_1:
0x26: {  	p1 =	sge.u32 s10, s5  }
0x27: {  	s12 =	sxor.u32 @!p1 $0xFFFFFFFF, s10  }
0x28: {  	s12 =	sshll.u32 @!p1 s12, $0xA  }
0x29: {  	s31 =	sadd.s32 $0xFFFFFFFF, s10;
	s13 =	simm.s32 @!p1 $0x0;
	s12 =	sand.u32 @!p1 $0x400, s12  }
0x2a: {  	[tilespmem:s12], [sflag:$0x1] =	stream.linear.gather @!p1 [hbm4b:s6+s13], $0x400, $0x38;
	[tilespmem:$0x1000] =	vst v63  }
0x2b: {  	p1 =	sge.u32 s31, s5  }
.Ltmp2:
0x2c: {  	_ = 	snop;
	(pc) =	sbr.rel @p1 .LBB2_5-.Ltmp2, $1  }
0x2d: {  	_ =	sdelay $0x3  }
0x2e: {  	s12 =	sand.u32 $0x400, s9  }
0x2f: {  	s13 =	sor.u32 $0x40, s12  }
0x30: {  	v1 =	vmov s13;
	_ =	sdelay $0x1  }
0x31: {  	_ =	swait.ge [sflag:s3], $0x400  }
0x32: {  	[sflag:s3] =	ssyncset.done $0x0  }
0x33: {  	[sflag:s3] =	ssyncadd.s32 $0xFFFFFC00;
	s13 =	simm.s32 $0x0  }
0x34: {  	s12 =	sor.u32 $0x870, s12;
	v7 =	vld.idx.msk [tilespmem:v1+s13+$0x30 ss:$0x1], $0xffff  }
0x35: {  	v0 =	vmov s12;
	v8 =	vld.idx.msk [tilespmem:v1+s13+$0xFFFFFFC0 ss:$0x1], $0xffff  }
0x36: {  	v6 =	vld.idx.msk [tilespmem:v1+s13+$0xFFFFFFD0 ss:$0x1], $0xffff  }
0x37: {  	v4 =	vld.idx.msk [tilespmem:v1+s13+$0xFFFFFFE0 ss:$0x1], $0xffff  }
0x38: {  	v2 =	vld.idx.msk [tilespmem:v1+s13+$0xFFFFFFF0 ss:$0x1], $0xffff  }
0x39: {  	s31 =	sshll.u32 s10, $0xA;
	v3 =	vld.idx.msk [tilespmem:v1+s13+$0x0 ss:$0x1], $0xffff  }
0x3a: {  	s12 =	sand.u32 $0x400, s31;
	v5 =	vld.idx.msk [tilespmem:v1+s13+$0x10 ss:$0x1], $0xffff;
	[tilespmem:v0+s13+$0x0 ss:$0x1] =	vst.idx.msk $0xffff, v7  }
0x3b: {  	s14 =	simm.s32 $0x80;
	s15 =	simm.s32 $0x400;
	s12 =	sor.u32 $0x800, s12;
	[tilespmem:v0+s13+$0xFFFFFF90 ss:$0x1] =	vst.idx.msk $0xffff, v8;
	v7 =	vld.idx.msk [tilespmem:v1+s13+$0x20 ss:$0x1], $0xffff  }
.LBB2_3:
0x3c: {  	p1 =	sne.s32 s15, $0xE00;
	v8 =	vld.idx.msk [tilespmem:v1+s14+$0x30 ss:$0x1], $0xffff;
	[tilespmem:v0+s13+$0xFFFFFFA0 ss:$0x1] =	vst.idx.msk $0xffff, v6  }
0x3d: {  	v9 =	vld.idx.msk [tilespmem:v1+s14+$0xFFFFFFC0 ss:$0x1], $0xffff;
	[tilespmem:v0+s13+$0xFFFFFFB0 ss:$0x1] =	vst.idx.msk $0xffff, v4  }
0x3e: {  	v6 =	vld.idx.msk [tilespmem:v1+s14+$0xFFFFFFD0 ss:$0x1], $0xffff;
	[tilespmem:v0+s13+$0xFFFFFFC0 ss:$0x1] =	vst.idx.msk $0xffff, v2  }
.Ltmp3:
0x3f: {  	v4 =	vld.idx.msk [tilespmem:v1+s14+$0xFFFFFFE0 ss:$0x1], $0xffff;
	[tilespmem:v0+s13+$0xFFFFFFD0 ss:$0x1] =	vst.idx.msk $0xffff, v3;
	(pc) =	sbr.rel @p1 .LBB2_3-.Ltmp3, $4  }
0x40: {  	v2 =	vld.idx.msk [tilespmem:v1+s14+$0xFFFFFFF0 ss:$0x1], $0xffff;
	[tilespmem:v0+s13+$0xFFFFFFE0 ss:$0x1] =	vst.idx.msk $0xffff, v5  }
0x41: {  	v3 =	vld.idx.msk [tilespmem:v1+s14+$0x0 ss:$0x1], $0xffff;
	[tilespmem:v0+s13+$0xFFFFFFF0 ss:$0x1] =	vst.idx.msk $0xffff, v7;
	s13 =	smov.u32 s14  }
0x42: {  	v5 =	vld.idx.msk [tilespmem:v1+s13+$0x10 ss:$0x1], $0xffff;
	[tilespmem:v0+s13+$0x0 ss:$0x1] =	vst.idx.msk $0xffff, v8  }
0x43: {  	s14 =	sshra.s32 s15, $0x2;
	s15 =	sadd.s32 $0x200, s15;
	[tilespmem:v0+s13+$0xFFFFFF90 ss:$0x1] =	vst.idx.msk $0xffff, v9;
	v7 =	vld.idx.msk [tilespmem:v1+s13+$0x20 ss:$0x1], $0xffff  }
.Ltmp4:
0x44: {  	_ = 	snop;
	(pc) =	sbr.rel .LBB2_4-.Ltmp4, $1  }
0x45: {  	_ =	sdelay $0x3  }
.LBB2_6:
0x46: {  	_ =	sfence.sel $0x180000  }
0x47: {  	s2 =	simm.s32 $0x1;
	[bflag:$0x0] =	sbarrier.arrive $0xFFFF  }
0x48: {  	s31 =	simm.s32 $0x2;
	[sflag:s2] =	ssyncpa.u1 $0x1  }
0x49: {  	[sflag:s31] =	ssyncpa.u1 $0x1  }
0x4a: {  	_ =	strace $0x90000047  }
0x4b: {  	s0 =	sadd.s32 @!p0 $0x100000, s0;
	[bflag:$0x2] =	sbarrier.arrive $0xFFFF  }
0x4c: {  	[sflag:s0] =	ssyncadd.tile.s32 @!p0 $0x1;
	s0 =	simm.s32 @!p0 $0x3F  }
0x4d: {  	_ =	swait.ge @!p0 [sflag:s0], s1  }
0x4e: {  	s1 =	ssub.s32 @!p0 $0x0, s1;
	[sflag:s0] =	ssyncset.done @!p0 $0x0  }
0x4f: {  	[sflag:s0] =	ssyncadd.s32 @!p0 s1  }
0x50: {  	[bflag:$0x3] =	sbarrier.arrive $0xFFFF  }
0x51: {  	_ =	shalt  }
.Lfunc_end2:
execute1_lowered:
.L_overlay_start_2:
0x52: {  	(tag) =	ssettag $0x2  }
0x53: {  	s0 =	rddreg [dreg:$0x0]  }
0x54: {  	s2 =	rddreg [dreg:$0x1];
	_ =	strace $0x8000004A;
	s1 =	simm.s32 $0x1  }
0x55: {  	s9 =	simm.s32 $0x108;
	v0 =	vimm.s32 $0x0;
	[sflag:s1] =	ssyncpa.u1 $0x0  }
0x56: {  	[tilespmem:s9+$0x70] =	vst v0  }
0x57: {  	[tilespmem:s9+$0x60] =	vst v0  }
0x58: {  	[tilespmem:s9+$0x50] =	vst v0  }
0x59: {  	[tilespmem:s9+$0x40] =	vst v0  }
0x5a: {  	s1 =	sadd.s32 $0x10A00, s0;
	s15 =	sadd.s32 $0x10FA00, s0;
	[tilespmem:s9+$0x30] =	vst v0  }
0x5b: {  	s6 =	sadd.s32 $0x114A00, s0;
	s2 =	sand.u32 $0x1, s2;
	s14 =	sadd.s32 $0x111A00, s0;
	[tilespmem:s9+$0x20] =	vst v0  }
0x5c: {  	s0 =	simm.s32 $0x40;
	[dreg:$0x4] =	wrdreg s2;
	s16 =	sshll.u32 s2, $0xC;
	[tilespmem:s9+$0x10] =	vst v0  }
.LBB3_1:
0x5d: {  	s0 =	sadd.s32 $0x40, s0;
	[tilespmem:s9+$0x0] =	vst v0;
	s9 =	sadd.s32 $0x80, s9  }
0x5e: {  	p0 =	slt.u32 s0, $0x3C40;
	[tilespmem:s9+$0x70] =	vst v0  }
0x5f: {  	[tilespmem:s9+$0x60] =	vst v0  }
.Ltmp5:
0x60: {  	[tilespmem:s9+$0x50] =	vst v0;
	(pc) =	sbr.rel @p0 .LBB3_1-.Ltmp5, $4  }
0x61: {  	[tilespmem:s9+$0x40] =	vst v0  }
0x62: {  	[tilespmem:s9+$0x30] =	vst v0  }
0x63: {  	[tilespmem:s9+$0x20] =	vst v0  }
0x64: {  	[tilespmem:s9+$0x10] =	vst v0  }
0x65: {  	s5 =	stileid.u32  }
0x66: {  	s0 =	smin.u32 s5, $0x9;
	s2 =	sshll.u32 s5, $0x3  }
0x67: {  	s0 =	sadd.s32 s0, s2  }
0x68: {  	p0 =	slt.u32 s5, $0x9;
	s7 =	smul.u32 $0xF0, s0;
	s0 =	simm.s32 $0x870  }
0x69: {  	s0 =	simm.s32 @!p0 $0x780  }
0x6a: {  	s0 =	sadd.s32 s0, s7  }
0x6b: {  	s8 =	smin.u32 s0, $0x8000  }
0x6c: {  	s0 =	ssub.s32 s8, s7  }
0x6d: {  	p0 =	sgt.s32 s0, $0x0  }
0x6e: {  	s0 =	simm.s32 @!p0 $0x0  }
0x6f: {  	s3 =	simm.s32 $0x2;
	s10 =	simm.s32 $0x9;
	s30 =	smul.u32 $0x8889, s0  }
0x70: {  	s4 =	simm.s32 $0xA;
	s11 =	simm.s32 $0xB;
	s12 =	simm.s32 $0x1  }
0x71: {  	s14 =	sadd.s32 s16, s14;
	s15 =	sadd.s32 s16, s15;
	s2 =	sshrl.u32 s30, $0x17  }
0x72: {  	s22 =	simm.s32 $0x0;
	s18 =	simm.s32 $0xC;
	s31 =	smul.u32 $0xF0, s2  }
.Ltmp6:
0x73: {  	[tilespmem:s9+$0x0] =	vst v0;
	v0 =	vimm.s32 $0xFFFFFFFF;
	s20 =	simm.s32 $0x0;
	[sflag:s3] =	ssyncpa.u1 $0x0;
	(pc) =	sbr.rel .LBB3_3-.Ltmp6, $4  }
0x74: {  	[tilespmem:$0xF208] =	vst v0;
	[sflag:s10] =	ssyncpa.u1 $0x0;
	p0 =	sne.s32 s0, s31;
	s0 =	simm.s32 $0x1  }
0x75: {  	s21 =	simm.s32 $0x0;
	[sflag:s4] =	ssyncpa.u1 $0x0;
	s0 =	simm.s32 @!p0 $0x0  }
0x76: {  	s16 =	sshll.u32 s5, $0x8;
	[sflag:s11] =	ssyncpa.u1 $0x0;
	s13 =	sadd.s32 s2, s0  }
0x77: {  	v0 =	vlaneseq.u32;
	s19 =	smov.u32 s7;
	p0 =	por $0x0, $0x0;
	s17 =	sadd.s32 $0x1, s13  }
.LBB3_18:
0x78: {  	s0 =	sshrl.u32 s31, $0x2  }
.LBB3_20:
0x79: {  	_ =	swait.ge [sflag:s18], s0  }
0x7a: {  	s31 =	ssub.s32 $0x0, s0;
	v1 =	vmov s24;
	vm0 =	veq.s32 v0, $0x0;
	[sflag:s18] =	ssyncset.done $0x0  }
0x7b: {  	vm15 =	veq.s32 v0, $0x2;
	v1 =	vsel vm0, s30, v1;
	[sflag:s18] =	ssyncadd.s32 s31  }
0x7c: {  	v1 =	vsel vm15, s22, v1;
	[sflag:s18] =	ssyncpa.u1 $0x1  }
0x7d: {  	[tilespmem:$0xF208] =	vst v1  }
.LBB3_21:
0x7e: {  	s0 =	sadd.s32 $0xF0, s19  }
0x7f: {  	s2 =	smov.u32 s7;
	p1 =	slt.s32 s0, s8  }
0x80: {  	s2 =	smov.u32 @p1 s0;
	p1 =	sne.s32 s21, s17  }
.Ltmp7:
0x81: {  	_ = 	snop;
	(pc) =	sbr.rel @!p1 .LBB3_22-.Ltmp7, $3  }
0x82: {  	_ =	sdelay $0x1  }
0x83: {  	s22 =	smov.u32 s20;
	s31 =	sadd.s32 $0x1, s21;
	s20 =	smov.u32 s19  }
0x84: {  	p0 =	por !p0, !p0;
	s21 =	smov.u32 s31;
	s19 =	smov.u32 s2  }
.LBB3_3:
0x85: {  	p1 =	sge.u32 s21, s13  }
0x86: {  	s0 =	smulhi.u32 @!p1 $0xAAAAAAAB, s21  }
0x87: {  	s2 =	smov.u32 s19;
	p2 =	sgt.s32 @!p1 s19, $0x7F10  }
0x88: {  	s3 =	sshra.s32 @!p1 s19, $0x1F;
	p2 =	por !p2, p1;
	s0 =	sshrl.u32 @!p1 s0, $0x1  }
0x89: {  	s3 =	sand.u32 @!p1 s3, s19;
	s2 =	simm.s32 @p2 $0x7F10;
	s0 =	smul.u32 @!p1 $0x3, s0  }
0x8a: {  	s2 =	ssub.s32 @!p1 s2, s3  }
0x8b: {  	s2 =	sadd.s32 @!p1 $0xFFFF80F0, s2;
	s0 =	ssub.s32 @!p1 s21, s0  }
0x8c: {  	s3 =	sshll.u32 @!p1 s2, $0x2;
	p2 =	sgt.s32 @!p1 s2, $0xEF;
	s0 =	smul.u32 @!p1 $0x3C0, s0  }
0x8d: {  	s4 =	sand.u32 @!p1 $0x7, s19;
	s2 =	ssub.s32 @!p1 $0x3C0, s3;
	p2 =	por !p2, p1  }
0x8e: {  	s3 =	sshrl.u32 @!p1 s19, $0x3;
	s2 =	sshrl.u32 @!p1 s2, $0x2;
	s0 =	sshrl.u32 @!p1 s0, $0x2  }
0x8f: {  	s3 =	sadd.s32 @!p1 s3, s14;
	s2 =	simm.s32 @!p2 $0x0;
	s0 =	sadd.s32 @!p1 $0x10248, s0  }
0x90: {  	[tilespmem:s0], [sflag:$0xA] =	stream.linear.gather @!p1 [hbm4b:s3+s4], s2, $0x38;
	[tilespmem:$0x1F6F8] =	vst v63  }
0x91: {  	s0 =	sadd.s32 $0xFFFFFFFF, s21  }
0x92: {  	p1 =	sge.u32 s0, s13  }
0x93: {  	p2 =	sgt.s32 @!p1 s20, $0x7F10  }
0x94: {  	s2 =	smov.u32 s20;
	s3 =	sshra.s32 @!p1 s20, $0x1F;
	p2 =	por !p2, p1  }
0x95: {  	s3 =	sand.u32 @!p1 s3, s20;
	s2 =	simm.s32 @p2 $0x7F10  }
0x96: {  	s2 =	ssub.s32 @!p1 s2, s3  }
0x97: {  	s2 =	sadd.s32 @!p1 $0xFFFF80F0, s2  }
0x98: {  	s4 =	sand.u32 @!p1 $0x1, s0;
	s3 =	sshll.u32 @!p1 s2, $0x2  }
0x99: {  	p2 =	sgt.s32 @!p1 s2, $0xEF;
	s2 =	ssub.s32 @!p1 $0x3C0, s3;
	s3 =	smulhi.u32 @!p1 $0xAAAAAAAB, s0  }
0x9a: {  	s23 =	smul.u32 @!p1 $0x3C0, s4;
	p2 =	por !p2, p1;
	s2 =	sshrl.u32 @!p1 s2, $0x2  }
0x9b: {  	s5 =	simm.s32 @!p1 $0xA;
	s2 =	simm.s32 @!p2 $0x0;
	s3 =	sshrl.u32 @!p1 s3, $0x1  }
0x9c: {  	s23 =	sshrl.u32 @!p1 s23, $0x2;
	_ =	swait.ge @!p1 [sflag:s5], s2;
	s3 =	smul.u32 @!p1 $0x3, s3  }
0x9d: {  	s23 =	sadd.s32 @!p1 $0x10518, s23;
	s24 =	ssub.s32 @!p1 $0x0, s2;
	[sflag:s5] =	ssyncset.done @!p1 $0x0  }
0x9e: {  	[sflag:s5] =	ssyncadd.s32 @!p1 s24;
	s5 =	sshrl.u32 @!p1 s20, $0x3;
	s0 =	ssub.s32 @!p1 s0, s3  }
0x9f: {  	s24 =	sand.u32 @!p1 $0x7, s20;
	s5 =	sadd.s32 @!p1 s5, s15;
	s0 =	smul.u32 @!p1 $0x3C0, s0  }
0xa0: {  	[tilespmem:s23], [sflag:$0xB] =	stream.linear.gather @!p1 [hbm4b:s5+s24], s2, $0x38;
	[tilespmem:$0x1F6F8] =	vst v63  }
0xa1: {  	s3 =	ssub.s32 @!p1 $0x8000, s20;
	s2 =	smul.u32 @!p1 $0x1E000, s4  }
0xa2: {  	p2 =	slt.s32 @!p1 s3, $0xF0  }
0xa3: {  	p2 =	por !p2, p1;
	s0 =	sshrl.u32 @!p1 s0, $0x2;
	s2 =	sshrl.u32 @!p1 s2, $0x2  }
0xa4: {  	s3 =	simm.s32 @p2 $0xF0;
	s0 =	sadd.s32 @!p1 $0x10248, s0;
	s2 =	sor.u32 @!p1 $0x106F8, s2  }
0xa5: {  	[tilespmem:s2], [sflag:$0x9] =	stream.indirect.gather @!p1 [hbm4b:s6+s3], $0x80, s0, s3, $0xb8;
	[tilespmem:$0x1F6F8] =	vst v63  }
0xa6: {  	p1 =	slt.u32 s21, $0x2  }
.Ltmp8:
0xa7: {  	_ = 	snop;
	(pc) =	sbr.rel @p1 .LBB3_21-.Ltmp8, $1  }
0xa8: {  	_ =	sdelay $0x3  }
0xa9: {  	p1 =	sgt.s32 s22, $0x7F10  }
0xaa: {  	s0 =	smov.u32 s22;
	s2 =	sshra.s32 s22, $0x1F;
	s3 =	ssub.s32 $0x8000, s22  }
0xab: {  	s0 =	simm.s32 @!p1 $0x7F10;
	s2 =	sand.u32 s2, s22;
	p1 =	slt.s32 s3, $0xF0  }
0xac: {  	s0 =	ssub.s32 s0, s2;
	s3 =	simm.s32 @!p1 $0xF0  }
0xad: {  	s0 =	sadd.s32 $0xFFFF80F0, s0;
	s25 =	sshll.u32 s3, $0x7  }
0xae: {  	s26 =	sshll.u32 s0, $0x2;
	s2 =	sand.u32 $0x3FFFFF80, s25  }
0xaf: {  	p1 =	sgt.s32 s0, $0xEF;
	s29 =	ssub.s32 $0x3C0, s26;
	_ =	swait.ge [sflag:s10], s2  }
0xb0: {  	s2 =	ssub.s32 $0x0, s2;
	[sflag:s10] =	ssyncset.done $0x0;
	s0 =	sshrl.u32 s29, $0x2  }
0xb1: {  	[sflag:s10] =	ssyncadd.s32 s2;
	s0 =	simm.s32 @p1 $0x0  }
0xb2: {  	_ =	swait.ge [sflag:s11], s0  }
0xb3: {  	s0 =	ssub.s32 $0x0, s0;
	[sflag:s11] =	ssyncset.done $0x0  }
0xb4: {  	[sflag:s11] =	ssyncadd.s32 s0  }
0xb5: {  	v1 =	vld [tilespmem:$0xF208];
	_ =	sdelay $0x4  }
0xb6: {  	(v2sf) =	vpush v1, $0x0  }
0xb7: {  	(v2sf) =	vpush v1, $0x1  }
0xb8: {  	(v2sf) =	vpush v1, $0x2;
	_ =	sdelay $0x3  }
0xb9: {  	s0 =	sadd.s32 $0xF0, s22  }
0xba: {  	s2 =	ssub.s32 $0x10000, s22;
	p1 =	slt.s32 s8, s0  }
0xbb: {  	s0 =	smov.u32 @p1 s8;
	p1 =	sgt.s32 s2, $0x0  }
0xbc: {  	s26 =	ssub.s32 s0, s22;
	s2 =	simm.s32 @!p1 $0x0  }
0xbd: {  	p1 =	slt.s32 s2, s26  }
0xbe: {  	s26 =	smov.u32 @p1 s2  }
0xbf: {  	s25 =	simm.s32 $0x1;
	p1 =	slt.s32 s26, $0x1  }
.Ltmp9:
0xc0: {  	s25 =	simm.s32 @!p0 $0x0;
	(pc) =	sbr.rel @p1 .LBB3_8-.Ltmp9, $4  }
0xc1: {  	s31 =	smul.u32 $0x3C0, s25  }
0xc2: {  	s28 =	spop (v2sf)  }
0xc3: {  	s0 =	sshrl.u32 s31, $0x2;
	s30 =	spop (v2sf)  }
0xc4: {  	s23 =	sadd.s32 $0x10518, s0;
	s22 =	spop (v2sf)  }
0xc5: {  	s0 =	smin.u32 s26, $0x10  }
0xc6: {  	v1 =	vmov s0  }
0xc7: {  	p2 =	sgt.s32 s26, $0x10;
	vm1 =	vgt.u32 v1, v0  }
.Ltmp10:
0xc8: {  	_ = 	snop;
	(pc) =	sbr.rel @!p2 .LBB3_7-.Ltmp10, $2  }
0xc9: {  	_ =	sdelay $0x2  }
0xca: {  	s4 =	simm.s32 $0x10;
	s24 =	sadd.s32 $0xFFFFFFF0, s26;
	s0 =	smov.u32 s23;
	vm0 =	vmmov vm1  }
.LBB3_6:
0xcb: {  	s2 =	smin.u32 s24, $0x10;
	s4 =	sadd.s32 $0x10, s4;
	v1 =	vld.msk [tilespmem:s0+$0x0 ss:$0x1], vm1  }
0xcc: {  	v2 =	vmov s2;
	p2 =	slt.s32 s4, s26  }
0xcd: {  	vm1 =	vgt.u32 v2, v0  }
.Ltmp11:
0xce: {  	(pc) =	sbr.rel @p2 .LBB3_6-.Ltmp11, $3  }
0xcf: {  	_ =	sdelay $0x1  }
0xd0: {  	v1 =	vshll.u32 v1, $0x4  }
0xd1: {  	s24 =	sadd.s32 $0xFFFFFFF0, s24;
	[tilespmem:s0+$0x0] =	vst.msk vm0, v1;
	s0 =	sadd.s32 $0x10, s0;
	vm0 =	vmmov vm1  }
.LBB3_7:
0xd2: {  	_ =	sdelay $0x4  }
0xd3: {  	v1 =	vld.msk [tilespmem:s0+$0x0 ss:$0x1], vm1;
	_ =	sdelay $0x4  }
0xd4: {  	v1 =	vshll.u32 v1, $0x4  }
0xd5: {  	[tilespmem:s0+$0x0] =	vst.msk vm0, v1  }
.LBB3_8:
0xd6: {  	s0 =	sand.u32 $0x1, s21  }
0xd7: {  	s0 =	smul.u32 $0xF0, s0  }
0xd8: {  	p2 =	sne.s32 s30, $0xFFFFFFFF  }
0xd9: {  	v1 =	vld.msk @!p2 [tilespmem:s0+$0x10518], $0x1;
	_ =	sdelay $0x4  }
0xda: {  	(v2sf) =	vpush @!p2 v1, $0x0;
	_ =	sdelay $0xc  }
.Ltmp12:
0xdb: {  	_ = 	snop;
	(pc) =	sbr.rel @p1 .LBB3_19-.Ltmp12, $4  }
0xdc: {  	_ = 	snop  }
0xdd: {  	s29 =	spop @!p2 (v2sf)  }
0xde: {  	s22 =	simm.s32 @!p2 $0x0;
	s24 =	smov.u32 s29  }
0xdf: {  	[sflag:s18] =	ssyncpa.u1 $0x0;
	s29 =	smov.u32 @p2 s28;
	s24 =	smov.u32 @p2 s30  }
0xe0: {  	v1 =	vld.msk [tilespmem:s23+$0x0], $0x1;
	_ =	sdelay $0x4  }
0xe1: {  	(v2sf) =	vpush v1, $0x0;
	_ =	sdelay $0xe  }
0xe2: {  	s2 =	smul.u32 $0x1E000, s25;
	s0 =	spop (v2sf)  }
0xe3: {  	s26 =	ssub.s32 $0x0, s26;
	p1 =	seq.s32 s29, s0  }
0xe4: {  	s30 =	sadd.s32 $0x1, s26;
	s2 =	sshrl.u32 s2, $0x2;
	p2 =	sgt.s32 @!p1 s29, $0x0  }
0xe5: {  	s25 =	sor.u32 $0x10738, s2;
	s2 =	smov.u32 s29;
	p2 =	por !p2, p1  }
0xe6: {  	s2 =	simm.s32 @p2 $0x0;
	p2 =	seq.s32 s30, $0x0  }
.Ltmp13:
0xe7: {  	_ = 	snop;
	(pc) =	sbr.rel @p2 .LBB3_11-.Ltmp13, $4  }
0xe8: {  	_ = 	snop  }
0xe9: {  	s28 =	simm.s32 $0x0;
	s31 =	sadd.s32 $0x1, s23;
	s2 =	smin.u32 @!p1 s2, $0xFF0  }
0xea: {  	s4 =	simm.s32 @!p1 $0x1;
	s5 =	simm.s32 @!p1 $0x7988;
	s3 =	sand.u32 @!p1 $0xFF8, s2  }
0xeb: {  	s4 =	smov.u32 @p1 s28;
	s2 =	sand.u32 @!p1 $0x7, s2;
	s3 =	sadd.s32 @!p1 s1, s3  }
.LBB3_10:
0xec: {  	s9 =	smov.u32 s4  }
0xed: {  	[tilespmem:s5], [sflag:$0x2] =	stream.linear.gather @!p1 [hbm4b:s3+s2], $0x80, $0x38;
	[tilespmem:$0x1F6F8] =	vst v63  }
0xee: {  	s30 =	sadd.s32 $0x1, s30;
	s2 =	smov.u32 s0;
	v1 =	vld.msk [tilespmem:s31+$0x0], $0x1  }
0xef: {  	p2 =	seq.s32 s30, $0x0;
	_ =	sdelay $0x3  }
0xf0: {  	(v2sf) =	vpush v1, $0x0;
	_ =	sdelay $0xe  }
0xf1: {  	s0 =	spop (v2sf)  }
0xf2: {  	p1 =	seq.s32 s2, s0  }
0xf3: {  	p3 =	sgt.s32 @!p1 s2, $0x0;
	s3 =	sshll.u32 @!p1 s4, $0x9;
	s4 =	sadd.s32 @!p1 $0x1, s4  }
.Ltmp14:
0xf4: {  	p3 =	por !p3, p1;
	s3 =	sshra.s32 @!p1 s3, $0x2;
	(pc) =	sbr.rel @!p2 .LBB3_10-.Ltmp14, $4  }
0xf5: {  	s4 =	smov.u32 @p1 s9;
	s2 =	simm.s32 @p3 $0x0;
	s5 =	sadd.s32 @!p1 $0x7988, s3  }
0xf6: {  	s2 =	smin.u32 @!p1 s2, $0xFF0  }
0xf7: {  	s3 =	sand.u32 @!p1 $0xFF8, s2;
	s2 =	sand.u32 @!p1 $0x7, s2  }
0xf8: {  	s31 =	sadd.s32 $0x1, s31;
	s3 =	sadd.s32 @!p1 s1, s3  }
.LBB3_11:
0xf9: {  	[tilespmem:s5], [sflag:$0x2] =	stream.linear.gather @!p1 [hbm4b:s3+s2], $0x80, $0x38;
	[tilespmem:$0x1F6F8] =	vst v63  }
.Ltmp15:
0xfa: {  	s0 =	sshll.u32 s4, $0x7;
	(pc) =	sbr.rel .LBB3_12-.Ltmp15, $4  }
0xfb: {  	s30 =	simm.s32 $0x2;
	s0 =	sand.u32 $0x3FFFFF80, s0  }
0xfc: {  	_ =	swait.ge [sflag:s30], s0  }
0xfd: {  	s0 =	ssub.s32 $0x0, s0;
	[sflag:s30] =	ssyncset.done $0x0  }
0xfe: {  	s31 =	simm.s32 $0x0;
	[sflag:s30] =	ssyncadd.s32 s0  }
.LBB3_13:
0xff: {  	v1 =	vld [tilespmem:s25+$0xFFFFFFC0];
	_ =	sdelay $0x3  }
0x100: {  	s0 =	sshra.s32 s0, $0x2  }
0x101: {  	[tilespmem:s0+$0x108] =	vst.add.f32.msk $0xffff, v1  }
0x102: {  	v1 =	vld [tilespmem:s25+$0xFFFFFFD0];
	_ =	sdelay $0x4  }
0x103: {  	[tilespmem:s0+$0x118] =	vst.add.f32.msk $0xffff, v1  }
0x104: {  	v1 =	vld [tilespmem:s25+$0xFFFFFFE0];
	_ =	sdelay $0x4  }
0x105: {  	[tilespmem:s0+$0x128] =	vst.add.f32.msk $0xffff, v1  }
0x106: {  	v1 =	vld [tilespmem:s25+$0xFFFFFFF0];
	_ =	sdelay $0x4  }
0x107: {  	[tilespmem:s0+$0x138] =	vst.add.f32.msk $0xffff, v1  }
0x108: {  	v1 =	vld [tilespmem:s25+$0x0];
	_ =	sdelay $0x4  }
0x109: {  	[tilespmem:s0+$0x148] =	vst.add.f32.msk $0xffff, v1  }
0x10a: {  	v1 =	vld [tilespmem:s25+$0x10];
	_ =	sdelay $0x4  }
0x10b: {  	[tilespmem:s0+$0x158] =	vst.add.f32.msk $0xffff, v1  }
0x10c: {  	v1 =	vld [tilespmem:s25+$0x20];
	_ =	sdelay $0x4  }
0x10d: {  	[tilespmem:s0+$0x168] =	vst.add.f32.msk $0xffff, v1  }
0x10e: {  	v1 =	vld [tilespmem:s25+$0x30];
	_ =	sdelay $0x4  }
0x10f: {  	[tilespmem:s0+$0x178] =	vst.add.f32.msk $0xffff, v1  }
.LBB3_17:
0x110: {  	s26 =	sadd.s32 $0x1, s26  }
0x111: {  	p1 =	seq.s32 s26, $0x0  }
.Ltmp16:
0x112: {  	_ = 	snop;
	(pc) =	sbr.rel @p1 .LBB3_18-.Ltmp16, $2  }
0x113: {  	_ =	sdelay $0x2  }
0x114: {  	s23 =	sadd.s32 $0x1, s23;
	s25 =	sadd.s32 $0x80, s25;
	s29 =	smov.u32 s30  }
.LBB3_12:
0x115: {  	v1 =	vld.msk [tilespmem:s23+$0x0], $0x1;
	_ =	sdelay $0x4  }
0x116: {  	(v2sf) =	vpush v1, $0x0;
	_ =	sdelay $0xe  }
0x117: {  	s30 =	spop (v2sf)  }
0x118: {  	p1 =	sne.s32 s29, s30  }
.Ltmp17:
0x119: {  	_ = 	snop;
	(pc) =	sbr.rel @!p1 .LBB3_13-.Ltmp17, $2  }
0x11a: {  	_ =	sdelay $0x2  }
0x11b: {  	s0 =	sshll.u32 s22, $0x9  }
0x11c: {  	p1 =	seq.s32 s29, s24  }
.Ltmp18:
0x11d: {  	_ = 	snop;
	(pc) =	sbr.rel @!p1 .LBB3_15-.Ltmp18, $1  }
0x11e: {  	_ =	sdelay $0x3  }
0x11f: {  	s0 =	sshra.s32 s0, $0x2  }
.Ltmp19:
0x120: {  	s0 =	sadd.s32 $0x108, s0;
	(pc) =	sbr.rel .LBB3_16-.Ltmp19, $4  }
0x121: {  	[spmem:s16] =	stream.linear.scatter [tilespmem:s0], [sflag:$0x1], $0x80, $0x38;
	[tilespmem:$0x1F6F8] =	vst v63  }
0x122: {  	_ =	swait.ge [sflag:s12], $0x80  }
0x123: {  	[sflag:s12] =	ssyncset.done $0x0  }
0x124: {  	[sflag:s12] =	ssyncadd.s32 $0xFFFFFF80  }
.LBB3_15:
0x125: {  	s2 =	sshll.u32 s28, $0x9  }
0x126: {  	s2 =	sshra.s32 s2, $0x2  }
0x127: {  	v1 =	vld [tilespmem:s2+$0x7988];
	_ =	sdelay $0x3  }
0x128: {  	s0 =	sshra.s32 s0, $0x2  }
0x129: {  	[tilespmem:s0+$0x108] =	vst.add.f32.msk $0xffff, v1  }
0x12a: {  	v1 =	vld [tilespmem:s2+$0x7998];
	_ =	sdelay $0x4  }
0x12b: {  	[tilespmem:s0+$0x118] =	vst.add.f32.msk $0xffff, v1  }
0x12c: {  	v1 =	vld [tilespmem:s2+$0x79A8];
	_ =	sdelay $0x4  }
0x12d: {  	[tilespmem:s0+$0x128] =	vst.add.f32.msk $0xffff, v1  }
0x12e: {  	v1 =	vld [tilespmem:s2+$0x79B8];
	_ =	sdelay $0x4  }
0x12f: {  	[tilespmem:s0+$0x138] =	vst.add.f32.msk $0xffff, v1  }
0x130: {  	v1 =	vld [tilespmem:s2+$0x79C8];
	_ =	sdelay $0x4  }
0x131: {  	[tilespmem:s0+$0x148] =	vst.add.f32.msk $0xffff, v1  }
0x132: {  	v1 =	vld [tilespmem:s2+$0x79D8];
	_ =	sdelay $0x4  }
0x133: {  	[tilespmem:s0+$0x158] =	vst.add.f32.msk $0xffff, v1  }
0x134: {  	v1 =	vld [tilespmem:s2+$0x79E8];
	_ =	sdelay $0x4  }
0x135: {  	[tilespmem:s0+$0x168] =	vst.add.f32.msk $0xffff, v1  }
0x136: {  	v1 =	vld [tilespmem:s2+$0x79F8];
	_ =	sdelay $0x2  }
0x137: {  	p1 =	sgt.u32 s29, $0xFF0  }
0x138: {  	s2 =	sand.u32 @!p1 $0xFF8, s29  }
0x139: {  	s3 =	sadd.s32 $0x108, s0;
	[tilespmem:s0+$0x178] =	vst.add.f32.msk $0xffff, v1;
	s0 =	sadd.s32 @!p1 s1, s2;
	s2 =	sand.u32 @!p1 $0x7, s29  }
0x13a: {  	[hbm4b:s0+s2] =	stream.linear.scatter @!p1 [tilespmem:s3], [sflag:$0xC], $0x80, $0x38;
	[tilespmem:$0x1F6F8] =	vst v63  }
0x13b: {  	s0 =	simm.s32 $0x0  }
0x13c: {  	s0 =	simm.s32 @!p1 $0x200  }
0x13d: {  	s31 =	sadd.s32 s0, s31  }
.LBB3_16:
0x13e: {  	s0 =	sadd.s32 $0x1, s22  }
0x13f: {  	s2 =	smulhi.u32 $0x88888889, s0;
	_ =	sdelay $0x1  }
0x140: {  	v1 =	vld [tilespmem:s25+$0xFFFFFFC0];
	s2 =	sshrl.u32 s2, $0x7  }
0x141: {  	s2 =	smul.u32 $0xF0, s2;
	_ =	sdelay $0x1  }
0x142: {  	s22 =	ssub.s32 s0, s2  }
0x143: {  	s0 =	sshll.u32 s22, $0x7  }
0x144: {  	[tilespmem:s0+$0x108] =	vst v1  }
0x145: {  	v1 =	vld [tilespmem:s25+$0xFFFFFFD0];
	_ =	sdelay $0x4  }
0x146: {  	[tilespmem:s0+$0x118] =	vst v1  }
0x147: {  	v1 =	vld [tilespmem:s25+$0xFFFFFFE0];
	_ =	sdelay $0x4  }
0x148: {  	[tilespmem:s0+$0x128] =	vst v1  }
0x149: {  	v1 =	vld [tilespmem:s25+$0xFFFFFFF0];
	_ =	sdelay $0x4  }
0x14a: {  	[tilespmem:s0+$0x138] =	vst v1  }
0x14b: {  	v1 =	vld [tilespmem:s25+$0x0];
	_ =	sdelay $0x4  }
0x14c: {  	[tilespmem:s0+$0x148] =	vst v1  }
0x14d: {  	v1 =	vld [tilespmem:s25+$0x10];
	_ =	sdelay $0x4  }
0x14e: {  	[tilespmem:s0+$0x158] =	vst v1  }
0x14f: {  	v1 =	vld [tilespmem:s25+$0x20];
	_ =	sdelay $0x4  }
0x150: {  	[tilespmem:s0+$0x168] =	vst v1  }
0x151: {  	v1 =	vld [tilespmem:s25+$0x30]  }
.Ltmp20:
0x152: {  	_ = 	snop;
	(pc) =	sbr.rel .LBB3_17-.Ltmp20, $2  }
0x153: {  	_ =	sdelay $0x2  }
0x154: {  	s28 =	sadd.s32 $0x1, s28;
	[tilespmem:s0+$0x178] =	vst v1  }
.LBB3_19:
.Ltmp21:
0x155: {  	(pc) =	sbr.rel .LBB3_20-.Ltmp21, $4  }
0x156: {  	_ = 	snop  }
0x157: {  	s0 =	simm.s32 $0x2  }
0x158: {  	_ =	swait.ge [sflag:s0], $0x0  }
0x159: {  	s30 =	smov.u32 s29;
	[sflag:s0] =	ssyncset.done $0x0;
	s0 =	simm.s32 $0x0  }
.LBB3_22:
0x15a: {  	_ =	sfence.sel $0x180000  }
0x15b: {  	s0 =	simm.s32 $0x9;
	[bflag:$0x0] =	sbarrier.arrive $0xFFFF  }
0x15c: {  	s24 =	simm.s32 $0xA;
	[sflag:s0] =	ssyncpa.u1 $0x1  }
0x15d: {  	s25 =	simm.s32 $0xB;
	[sflag:s24] =	ssyncpa.u1 $0x1  }
0x15e: {  	s26 =	simm.s32 $0x2;
	[sflag:s25] =	ssyncpa.u1 $0x1  }
0x15f: {  	[sflag:s26] =	ssyncpa.u1 $0x1  }
0x160: {  	v0 =	vld [tilespmem:$0xF208];
	_ =	sdelay $0x4  }
0x161: {  	(v2sf) =	vpush v0, $0x0  }
0x162: {  	(v2sf) =	vpush v0, $0x1;
	_ =	sdelay $0x1  }
0x163: {  	(v2sf) =	vpush v0, $0x2;
	_ =	sdelay $0xb  }
0x164: {  	s0 =	spop (v2sf)  }
0x165: {  	s2 =	spop (v2sf)  }
0x166: {  	s3 =	smov.u32 s0;
	p0 =	sne.s32 s0, s2  }
0x167: {  	s4 =	spop (v2sf);
	s3 =	simm.s32 @!p0 $0xFFFFFFFF  }
0x168: {  	v2 =	vimm.s32 $0x1;
	v3 =	vlaneseq.u32;
	p0 =	seq.s32 s4, $0xFFFFFFFF;
	v1 =	vmov s3  }
0x169: {  	s16 =	stileid.u32;
	v0 =	vperm.xlane v0, v2;
	p1 =	sne.s32 @!p0 s0, s2;
	v1 =	vperm.xlane v1, v3  }
0x16a: {  	vm0 =	vcmask $0x3F04;
	s6 =	simm.s32 $0xF208;
	s0 =	simm.s32 @!p0 $0x1;
	p1 =	por !p1, p0  }
0x16b: {  	s3 =	sshll.u32 s16, $0x1;
	s2 =	sshll.u32 @!p0 s4, $0x9;
	s0 =	simm.s32 @p1 $0x0;
	v0 =	vsel vm0, v1, v0  }
0x16c: {  	s5 =	sor.u32 $0x1000, s3;
	s2 =	sshra.s32 @!p0 s2, $0x2;
	s0 =	sor.u32 @!p0 s0, s3;
	[tilespmem:$0xF208] =	vst v0  }
0x16d: {  	[spmem:s5] =	stream.linear.scatter [tilespmem:s6], [sflag:$0x1], $0x2, $0x38;
	[tilespmem:$0x1F6F8] =	vst v63  }
0x16e: {  	s2 =	sadd.s32 @!p0 $0x108, s2;
	s0 =	sshll.u32 @!p0 s0, $0x7  }
0x16f: {  	[spmem:s0] =	stream.linear.scatter @!p0 [tilespmem:s2], [sflag:$0x1], $0x80, $0x38;
	[tilespmem:$0x1F6F8] =	vst v63  }
0x170: {  	s0 =	simm.s32 @!p0 $0x82  }
0x171: {  	s28 =	simm.s32 $0x1;
	s0 =	simm.s32 @p0 $0x2  }
0x172: {  	_ =	swait.ge [sflag:s28], s0  }
0x173: {  	s0 =	ssub.s32 $0x0, s0;
	[sflag:s28] =	ssyncset.done $0x0  }
0x174: {  	p0 =	sne.s32 s16, $0x0;
	[sflag:s28] =	ssyncadd.s32 s0  }
.Ltmp22:
0x175: {  	_ =	sfence.stream.spmem;
	(pc) =	sbr.rel @p0 .LBB3_39-.Ltmp22, $4  }
0x176: {  	s29 =	simm.s32 $0x3;
	[bflag:$0x0] =	sbarrier.arrive $0xFFFF  }
0x177: {  	s30 =	simm.s32 $0x4;
	[sflag:s29] =	ssyncpa.u1 $0x1  }
0x178: {  	s31 =	simm.s32 $0x3C;
	[sflag:s30] =	ssyncpa.u1 $0x1  }
0x179: {  	s15 =	rddreg [dreg:$0x4];
	[sflag:s31] =	ssyncpa.u1 $0x1  }
0x17a: {  	_ =	sfence.stream.spmem;
	s0 =	simm.s32 $0x5  }
0x17b: {  	s2 =	simm.s32 $0x1000;
	s3 =	simm.s32 $0xF218;
	[sflag:s0] =	ssyncpa.u1 $0x0  }
0x17c: {  	[tilespmem:s3], [sflag:$0x5] =	stream.linear.gather [spmem:s2], $0x20, $0x38;
	[tilespmem:$0x1F6F8] =	vst v63  }
0x17d: {  	s26 =	simm.s32 $0x0;
	s28 =	simm.s32 $0xF238  }
0x17e: {  	[tilespmem:s28], [sflag:$0x5] =	stream.linear.gather [spmem:s26], $0x1000, $0x38;
	[tilespmem:$0x1F6F8] =	vst v63  }
0x17f: {  	_ =	swait.ge [sflag:s0], $0x1020  }
0x180: {  	[sflag:s0] =	ssyncset.done $0x0  }
0x181: {  	s29 =	simm.s32 $0x0;
	[sflag:s0] =	ssyncadd.s32 $0xFFFFEFE0  }
0x182: {  	v0 =	vld.msk [tilespmem:s29+$0xF218], $0x1;
	_ =	sdelay $0x1  }
0x183: {  	s30 =	simm.s32 $0x1  }
0x184: {  	v1 =	vld.msk [tilespmem:s30+$0xF218], $0x1;
	_ =	sdelay $0x1  }
0x185: {  	(v2sf) =	vpush v0, $0x0;
	_ =	sdelay $0x2  }
0x186: {  	(v2sf) =	vpush v1, $0x0;
	_ =	sdelay $0x2  }
0x187: {  	s31 =	simm.s32 $0x2  }
0x188: {  	v0 =	vld.msk [tilespmem:s31+$0xF218], $0x1;
	_ =	sdelay $0x2  }
0x189: {  	s4 =	simm.s32 $0xFFFFFFFF;
	s5 =	simm.s32 $0xFFFFFFFF;
	s0 =	simm.s32 $0xC  }
.LBB3_24:
0x18a: {  	s2 =	smov.u32 s5;
	s3 =	smov.u32 s4  }
0x18b: {  	s4 =	sshra.s32 s0, $0x2;
	p1 =	sne.s32 s0, $0x7C;
	s0 =	sadd.s32 $0x4, s0;
	(v2sf) =	vpush v0, $0x0  }
0x18c: {  	v0 =	vld.msk [tilespmem:s4+$0xF218], $0x1  }
.Ltmp23:
0x18d: {  	(pc) =	sbr.rel @p1 .LBB3_24-.Ltmp23, $4  }
0x18e: {  	s5 =	spop (v2sf)  }
0x18f: {  	p2 =	sne.s32 s3, $0xFFFFFFFF;
	s4 =	smov.u32 s5  }
0x190: {  	p3 =	seq.s32 s5, $0xFFFFFFFF;
	s4 =	smov.u32 @p2 s3  }
0x191: {  	s5 =	smov.u32 @p3 s2;
	s4 =	smov.u32 @p3 s3  }
0x192: {  	(v2sf) =	vpush v0, $0x0;
	_ =	sdelay $0x8  }
0x193: {  	s0 =	spop (v2sf)  }
0x194: {  	p1 =	sne.s32 s4, $0xFFFFFFFF;
	s2 =	smov.u32 s0  }
0x195: {  	s9 =	simm.s32 $0x6;
	p2 =	seq.s32 s0, $0xFFFFFFFF;
	s2 =	smov.u32 @p1 s4  }
0x196: {  	s6 =	simm.s32 $0x0;
	s2 =	smov.u32 @p2 s4;
	s3 =	spop (v2sf)  }
0x197: {  	s0 =	smov.u32 @p2 s5;
	p1 =	sne.s32 s2, $0xFFFFFFFF;
	s4 =	smov.u32 s3  }
.Ltmp24:
0x198: {  	p2 =	seq.s32 s3, $0xFFFFFFFF;
	s4 =	smov.u32 @p1 s2;
	(pc) =	sbr.rel .LBB3_26-.Ltmp24, $4  }
0x199: {  	s10 =	simm.s32 $0xF188;
	s4 =	smov.u32 @p2 s2;
	s7 =	spop (v2sf)  }
0x19a: {  	s11 =	simm.s32 $0x0;
	p1 =	sne.s32 s4, $0xFFFFFFFF;
	s8 =	smov.u32 s7  }
0x19b: {  	s3 =	smov.u32 @p2 s0;
	p2 =	seq.s32 s7, $0xFFFFFFFF;
	s8 =	smov.u32 @p1 s4  }
0x19c: {  	[sflag:s9] =	ssyncpa.u1 $0x0;
	s7 =	smov.u32 @p2 s3;
	s8 =	smov.u32 @p2 s4  }
.LBB3_32:
0x19d: {  	p1 =	sgt.u32 s12, $0xFF0  }
0x19e: {  	p2 =	seq.s32 @!p1 s12, s8  }
0x19f: {  	p1 =	por p1, p2  }
0x1a0: {  	p2 =	sne.s32 @!p1 s12, s7  }
0x1a1: {  	p1 =	por p1, !p2  }
0x1a2: {  	s0 =	sshll.u32 @p1 s11, $0x9  }
0x1a3: {  	s0 =	sand.u32 @!p1 $0xFF8, s12  }
0x1a4: {  	s2 =	sand.u32 @!p1 $0x7, s12;
	s0 =	sadd.s32 @!p1 s1, s0  }
0x1a5: {  	[tilespmem:s10], [sflag:$0x6] =	stream.linear.gather @!p1 [hbm4b:s0+s2], $0x80, $0x38;
	[tilespmem:$0x1F6F8] =	vst v63  }
0x1a6: {  	_ =	swait.ge @!p1 [sflag:s9], $0x80  }
0x1a7: {  	[sflag:s9] =	ssyncset.done @!p1 $0x0  }
0x1a8: {  	[sflag:s9] =	ssyncadd.s32 @!p1 $0xFFFFFF80  }
0x1a9: {  	v1 =	vld @!p1 [tilespmem:$0xF188];
	_ =	sdelay $0x2  }
0x1aa: {  	s0 =	sshll.u32 @!p1 s11, $0x9  }
0x1ab: {  	s2 =	sshrl.u32 @!p1 s0, $0x2  }
0x1ac: {  	[tilespmem:s2+$0xF238] =	vst.add.f32.msk @!p1 $0xffff, v1  }
0x1ad: {  	v1 =	vld @!p1 [tilespmem:$0xF198];
	_ =	sdelay $0x4  }
0x1ae: {  	[tilespmem:s2+$0xF248] =	vst.add.f32.msk @!p1 $0xffff, v1  }
0x1af: {  	v1 =	vld @!p1 [tilespmem:$0xF1A8];
	_ =	sdelay $0x4  }
0x1b0: {  	[tilespmem:s2+$0xF258] =	vst.add.f32.msk @!p1 $0xffff, v1  }
0x1b1: {  	v1 =	vld @!p1 [tilespmem:$0xF1B8];
	_ =	sdelay $0x4  }
0x1b2: {  	[tilespmem:s2+$0xF268] =	vst.add.f32.msk @!p1 $0xffff, v1  }
0x1b3: {  	v1 =	vld @!p1 [tilespmem:$0xF1C8];
	_ =	sdelay $0x4  }
0x1b4: {  	[tilespmem:s2+$0xF278] =	vst.add.f32.msk @!p1 $0xffff, v1  }
0x1b5: {  	v1 =	vld @!p1 [tilespmem:$0xF1D8];
	_ =	sdelay $0x4  }
0x1b6: {  	[tilespmem:s2+$0xF288] =	vst.add.f32.msk @!p1 $0xffff, v1  }
0x1b7: {  	v1 =	vld @!p1 [tilespmem:$0xF1E8];
	_ =	sdelay $0x4  }
0x1b8: {  	[tilespmem:s2+$0xF298] =	vst.add.f32.msk @!p1 $0xffff, v1  }
0x1b9: {  	v1 =	vld @!p1 [tilespmem:$0xF1F8];
	_ =	sdelay $0x4  }
0x1ba: {  	[tilespmem:s2+$0xF2A8] =	vst.add.f32.msk @!p1 $0xffff, v1  }
0x1bb: {  	s0 =	sshrl.u32 s0, $0x2;
	[tilespmem:s6+$0xF218] =	vst.msk $0x1, v0  }
0x1bc: {  	v0 =	vld [tilespmem:s0+$0xF238];
	_ =	sdelay $0x2  }
0x1bd: {  	s31 =	sshll.u32 s6, $0x9  }
0x1be: {  	s2 =	sshra.s32 s31, $0x2  }
0x1bf: {  	[tilespmem:s2+$0xF238] =	vst v0  }
0x1c0: {  	v0 =	vld [tilespmem:s0+$0xF248];
	_ =	sdelay $0x4  }
0x1c1: {  	[tilespmem:s2+$0xF248] =	vst v0  }
0x1c2: {  	v0 =	vld [tilespmem:s0+$0xF258];
	_ =	sdelay $0x4  }
0x1c3: {  	[tilespmem:s2+$0xF258] =	vst v0  }
0x1c4: {  	v0 =	vld [tilespmem:s0+$0xF268];
	_ =	sdelay $0x4  }
0x1c5: {  	[tilespmem:s2+$0xF268] =	vst v0  }
0x1c6: {  	v0 =	vld [tilespmem:s0+$0xF278];
	_ =	sdelay $0x4  }
0x1c7: {  	[tilespmem:s2+$0xF278] =	vst v0  }
0x1c8: {  	v0 =	vld [tilespmem:s0+$0xF288];
	_ =	sdelay $0x4  }
0x1c9: {  	[tilespmem:s2+$0xF288] =	vst v0  }
0x1ca: {  	v0 =	vld [tilespmem:s0+$0xF298];
	_ =	sdelay $0x4  }
0x1cb: {  	[tilespmem:s2+$0xF298] =	vst v0  }
0x1cc: {  	v0 =	vld [tilespmem:s0+$0xF2A8];
	_ =	sdelay $0x4  }
0x1cd: {  	s6 =	sadd.s32 $0x1, s6;
	[tilespmem:s2+$0xF2A8] =	vst v0  }
.LBB3_33:
0x1ce: {  	s11 =	sadd.s32 $0x1, s11  }
0x1cf: {  	p1 =	sne.s32 s11, $0x20  }
.Ltmp25:
0x1d0: {  	_ = 	snop;
	(pc) =	sbr.rel @!p1 .LBB3_34-.Ltmp25, $1  }
0x1d1: {  	_ =	sdelay $0x3  }
.LBB3_26:
0x1d2: {  	v0 =	vld.msk [tilespmem:s11+$0xF218], $0x1;
	_ =	sdelay $0x4  }
0x1d3: {  	(v2sf) =	vpush v0, $0x0;
	_ =	sdelay $0xe  }
0x1d4: {  	s12 =	spop (v2sf)  }
0x1d5: {  	p1 =	seq.s32 s12, $0xFFFFFFFF  }
.Ltmp26:
0x1d6: {  	_ = 	snop;
	(pc) =	sbr.rel @p1 .LBB3_33-.Ltmp26, $1  }
0x1d7: {  	_ =	sdelay $0x3  }
0x1d8: {  	p1 =	slt.s32 s6, $0x1  }
.Ltmp27:
0x1d9: {  	_ = 	snop;
	(pc) =	sbr.rel @p1 .LBB3_32-.Ltmp27, $1  }
0x1da: {  	_ =	sdelay $0x3  }
0x1db: {  	s13 =	simm.s32 $0xF218;
	p1 =	por $0x0, $0x0  }
0x1dc: {  	v1 =	vld.msk @!p1 [tilespmem:s13+$0x0], $0x1;
	_ =	sdelay $0x4  }
0x1dd: {  	(v2sf) =	vpush @!p1 v1, $0x0;
	_ =	sdelay $0xd  }
0x1de: {  	p3 =	sne.s32 s6, $0x1  }
.Ltmp28:
0x1df: {  	s0 =	spop @!p1 (v2sf);
	(pc) =	sbr.rel @!p3 .LBB3_30-.Ltmp28, $4  }
0x1e0: {  	p2 =	seq.s32 @!p1 s12, s0  }
0x1e1: {  	s14 =	simm.s32 $0x0;
	p2 =	por !p2, p1  }
0x1e2: {  	s2 =	simm.s32 $0xFFFFFFFF;
	s14 =	simm.s32 @p2 $0xFFFFFFFF  }
0x1e3: {  	s0 =	simm.s32 $0x1;
	s14 =	smov.u32 @p1 s2  }
.LBB3_29:
0x1e4: {  	s2 =	smov.u32 s14;
	p1 =	sne.s32 s14, $0xFFFFFFFF  }
0x1e5: {  	s13 =	sadd.s32 $0x1, s13;
	s14 =	smov.u32 s0;
	s0 =	sadd.s32 $0x1, s0  }
0x1e6: {  	p2 =	sne.s32 s6, s0;
	v1 =	vld.msk @!p1 [tilespmem:s13+$0x0], $0x1;
	_ =	sdelay $0x4  }
0x1e7: {  	(v2sf) =	vpush @!p1 v1, $0x0;
	_ =	sdelay $0xe  }
.Ltmp29:
0x1e8: {  	s3 =	spop @!p1 (v2sf);
	(pc) =	sbr.rel @p2 .LBB3_29-.Ltmp29, $4  }
0x1e9: {  	p3 =	seq.s32 @!p1 s12, s3  }
0x1ea: {  	p3 =	por !p3, p1  }
0x1eb: {  	s14 =	simm.s32 @p3 $0xFFFFFFFF  }
0x1ec: {  	s14 =	smov.u32 @p1 s2  }
.LBB3_30:
0x1ed: {  	p1 =	seq.s32 s14, $0xFFFFFFFF  }
.Ltmp30:
0x1ee: {  	_ = 	snop;
	(pc) =	sbr.rel @p1 .LBB3_32-.Ltmp30, $1  }
0x1ef: {  	_ =	sdelay $0x3  }
0x1f0: {  	s0 =	sshll.u32 s11, $0x7  }
0x1f1: {  	s0 =	sand.u32 $0x3FFFFF80, s0  }
0x1f2: {  	v0 =	vld [tilespmem:s0+$0xF238];
	_ =	sdelay $0x2  }
0x1f3: {  	s2 =	sshll.u32 s14, $0x9  }
0x1f4: {  	s2 =	sshra.s32 s2, $0x2  }
0x1f5: {  	[tilespmem:s2+$0xF238] =	vst.add.f32.msk $0xffff, v0  }
0x1f6: {  	v0 =	vld [tilespmem:s0+$0xF248];
	_ =	sdelay $0x4  }
0x1f7: {  	[tilespmem:s2+$0xF248] =	vst.add.f32.msk $0xffff, v0  }
0x1f8: {  	v0 =	vld [tilespmem:s0+$0xF258];
	_ =	sdelay $0x4  }
0x1f9: {  	[tilespmem:s2+$0xF258] =	vst.add.f32.msk $0xffff, v0  }
0x1fa: {  	v0 =	vld [tilespmem:s0+$0xF268];
	_ =	sdelay $0x4  }
0x1fb: {  	[tilespmem:s2+$0xF268] =	vst.add.f32.msk $0xffff, v0  }
0x1fc: {  	v0 =	vld [tilespmem:s0+$0xF278];
	_ =	sdelay $0x4  }
0x1fd: {  	[tilespmem:s2+$0xF278] =	vst.add.f32.msk $0xffff, v0  }
0x1fe: {  	v0 =	vld [tilespmem:s0+$0xF288];
	_ =	sdelay $0x4  }
0x1ff: {  	[tilespmem:s2+$0xF288] =	vst.add.f32.msk $0xffff, v0  }
0x200: {  	v0 =	vld [tilespmem:s0+$0xF298];
	_ =	sdelay $0x4  }
0x201: {  	[tilespmem:s2+$0xF298] =	vst.add.f32.msk $0xffff, v0  }
0x202: {  	v0 =	vld [tilespmem:s0+$0xF2A8]  }
.Ltmp31:
0x203: {  	_ = 	snop;
	(pc) =	sbr.rel .LBB3_33-.Ltmp31, $2  }
0x204: {  	_ =	sdelay $0x2  }
0x205: {  	[tilespmem:s2+$0xF2A8] =	vst.add.f32.msk $0xffff, v0  }
.LBB3_34:
0x206: {  	s0 =	simm.s32 $0x6;
	p1 =	seq.s32 s6, $0x0  }
0x207: {  	[sflag:s0] =	ssyncpa.u1 $0x1;
	v0 =	vimm.s32 @p1 $0xFFFFFFFF  }
0x208: {  	s9 =	sadd.s32 $0xFFFFFFFF, s6;
	[tilespmem:$0x10238] =	vst @p1 v0  }
0x209: {  	v0 =	vld.msk @!p1 [tilespmem:s9+$0xF218], $0x1;
	_ =	sdelay $0x1  }
0x20a: {  	v1 =	vld.msk @!p1 [tilespmem:$0xF218], $0x1;
	_ =	sdelay $0x2  }
0x20b: {  	p2 =	seq.s32 @!p1 s9, $0x0;
	v0 =	vbroadcast @!p1 v0, $0x0  }
0x20c: {  	vm0 =	vmmov @!p1 $0x1;
	p2 =	por !p2, p1  }
0x20d: {  	v1 =	vnsel @!p1 vm0, $0xFFFFFFFF, v1;
	vm0 =	vcmask @!p1 $0x308;
	v0 =	vpsel !p2, $0xFFFFFFFF, v0  }
0x20e: {  	p2 =	sne.s32 @!p1 s8, s7;
	v0 =	vsel @!p1 vm0, v1, v0  }
0x20f: {  	s0 =	simm.s32 @!p1 $0xF238;
	s2 =	simm.s32 @!p1 $0x0;
	p3 =	por !p2, p1;
	[tilespmem:$0x10238] =	vst @!p1 v0  }
0x210: {  	[spmem:s2] =	stream.linear.scatter @!p1 [tilespmem:s0], [sflag:$0x1], $0x80, $0x38;
	[tilespmem:$0x1F6F8] =	vst v63  }
0x211: {  	s0 =	sshll.u32 @!p3 s9, $0x9  }
0x212: {  	s0 =	sshra.s32 @!p3 s0, $0x2  }
0x213: {  	s2 =	simm.s32 @!p3 $0x80;
	s0 =	sadd.s32 @!p3 $0xF238, s0  }
0x214: {  	[spmem:s2] =	stream.linear.scatter @!p3 [tilespmem:s0], [sflag:$0x1], $0x80, $0x38;
	[tilespmem:$0x1F6F8] =	vst v63  }
0x215: {  	s0 =	simm.s32 @!p3 $0x1  }
0x216: {  	_ =	swait.ge @!p3 [sflag:s0], $0x100  }
0x217: {  	p1 =	por p2, p1;
	[sflag:s0] =	ssyncset.done @!p3 $0x0  }
0x218: {  	[sflag:s0] =	ssyncadd.s32 @!p3 $0xFFFFFF00;
	s0 =	simm.s32 @!p1 $0x1  }
0x219: {  	_ =	swait.ge @!p1 [sflag:s0], $0x80  }
0x21a: {  	s29 =	simm.s32 $0x10238;
	[sflag:s0] =	ssyncset.done @!p1 $0x0  }
0x21b: {  	s30 =	simm.s32 $0x1000;
	s31 =	simm.s32 $0x1;
	[sflag:s0] =	ssyncadd.s32 @!p1 $0xFFFFFF80  }
0x21c: {  	[spmem:s30] =	stream.linear.scatter [tilespmem:s29], [sflag:$0x1], $0x10, $0x38;
	[tilespmem:$0x1F6F8] =	vst v63  }
0x21d: {  	_ =	swait.ge [sflag:s31], $0x10  }
0x21e: {  	[sflag:s31] =	ssyncset.done $0x0  }
0x21f: {  	p1 =	seq.s32 s15, $0x0;
	s8 =	rddreg [dreg:$0x1];
	[sflag:s31] =	ssyncadd.s32 $0xFFFFFFF0  }
0x220: {  	s2 =	sshll.u32 @p1 s8, $0xE;
	s7 =	rddreg [dreg:$0x2]  }
0x221: {  	s0 =	sadd.s32 @p1 $0x15C3C, s2;
	s2 =	sshll.u32 @p1 s7, $0x11  }
0x222: {  	_ =	sfence.stream.spmem;
	s0 =	sor.u32 @p1 s2, s0  }
0x223: {  	[sflag:s0] =	ssyncadd.remote.s32 @p1 $0x1;
	s0 =	simm.s32 @p1 $0x4  }
0x224: {  	s3 =	simm.s32 @!p1 $0x3C;
	s2 =	sand.u32 $0xFFFFFFFE, s8;
	_ =	swait.ge @p1 [sflag:s0], $0x22  }
0x225: {  	s4 =	simm.s32 @!p1 $0x0;
	s2 =	sadd.s32 @!p1 $0x4, s2;
	[sflag:s0] =	ssyncset.done @p1 $0x0  }
0x226: {  	s5 =	simm.s32 @!p1 $0x100;
	[sflag:s0] =	ssyncadd.s32 @p1 $0xFFFFFFDE;
	s0 =	sshll.u32 @!p1 s2, $0x1A  }
0x227: {  	s2 =	sshll.u32 @!p1 s2, $0xD;
	s0 =	sor.u32 @!p1 s0, s7;
	_ =	swait.eq @!p1 [sflag:s3], $0x1  }
0x228: {  	s2 =	sor.u32 @!p1 $0x1C04, s2;
	s3 =	simm.s32 @!p1 $0x1C03;
	s0 =	sor.u32 @!p1 $0x80004000, s0  }
0x229: {  	[spmem:s5], [sflag:s2] =	dma.general @!p1 [spmem:s4], [sflag:s3], length:$0x20, [dreg:$0x0], stride_count:$0x0, ici_dest:s0, dma_misc:DstOpCode:WRITE  }
0x22a: {  	p2 =	slt.s32 s9, $0x2;
	s4 =	simm.s32 @!p1 $0x200;
	s5 =	simm.s32 @!p1 $0x202  }
0x22b: {  	[spmem:s5], [sflag:s2] =	dma.general @!p1 [spmem:s4], [sflag:s3], length:$0x2, [dreg:$0x0], stride_count:$0x0, ici_dest:s0, dma_misc:DstOpCode:WRITE  }
.Ltmp32:
0x22c: {  	s0 =	simm.s32 @!p1 $0x3;
	(pc) =	sbr.rel @p2 .LBB3_38-.Ltmp32, $4  }
0x22d: {  	s2 =	sshll.u32 @!p1 s8, $0xE;
	_ =	swait.ge @!p1 [sflag:s0], $0x22  }
0x22e: {  	s3 =	sshll.u32 @!p1 s7, $0x11;
	s2 =	sadd.s32 @!p1 $0x11C3C, s2;
	[sflag:s0] =	ssyncset.done @!p1 $0x0  }
0x22f: {  	[sflag:s0] =	ssyncadd.s32 @!p1 $0xFFFFFFDE;
	s0 =	sor.u32 @!p1 s3, s2  }
0x230: {  	[sflag:s0] =	ssyncadd.remote.s32 @!p1 $0xFFFFFFFF;
	s0 =	simm.s32 $0x0  }
0x231: {  	s0 =	simm.s32 $0xF219  }
0x232: {  	v0 =	vld.msk [tilespmem:s0+$0x0], $0x1;
	_ =	sdelay $0x4  }
0x233: {  	(v2sf) =	vpush v0, $0x0;
	_ =	sdelay $0xb  }
0x234: {  	s31 =	sadd.s32 $0xFFFFFFFE, s6  }
0x235: {  	s0 =	sadd.s32 $0xFFFFFFFF, s31  }
0x236: {  	p2 =	sne.s32 s0, $0x0  }
.Ltmp33:
0x237: {  	s2 =	spop (v2sf);
	(pc) =	sbr.rel @!p2 .LBB3_37-.Ltmp33, $4  }
0x238: {  	s4 =	simm.s32 $0xF2B8;
	s7 =	simm.s32 $0x0;
	p1 =	sgt.u32 s2, $0xFF0  }
0x239: {  	s5 =	simm.s32 $0x0;
	s6 =	simm.s32 $0xF21A;
	s3 =	sand.u32 @!p1 $0xFF8, s2  }
0x23a: {  	s2 =	sand.u32 @!p1 $0x7, s2;
	s7 =	simm.s32 @!p1 $0x200;
	s3 =	sadd.s32 @!p1 s1, s3  }
0x23b: {  	[hbm4b:s3+s2] =	stream.linear.scatter @!p1 [tilespmem:s4], [sflag:$0x5], $0x80, $0x38;
	[tilespmem:$0x1F6F8] =	vst v63  }
.LBB3_36:
0x23c: {  	v0 =	vld.msk [tilespmem:s6+$0x0], $0x1;
	s0 =	sadd.s32 $0xFFFFFFFF, s0;
	s5 =	sadd.s32 s5, s7  }
0x23d: {  	p1 =	sne.s32 s0, $0x0;
	_ =	sdelay $0x3  }
0x23e: {  	(v2sf) =	vpush v0, $0x0;
	_ =	sdelay $0xe  }
.Ltmp34:
0x23f: {  	s2 =	spop (v2sf);
	(pc) =	sbr.rel @p1 .LBB3_36-.Ltmp34, $4  }
0x240: {  	s7 =	simm.s32 $0x0;
	p2 =	sgt.u32 s2, $0xFF0  }
0x241: {  	s4 =	sadd.s32 $0x80, s4;
	s7 =	simm.s32 @!p2 $0x200;
	s3 =	sand.u32 @!p2 $0xFF8, s2  }
0x242: {  	s6 =	sadd.s32 $0x1, s6;
	s2 =	sand.u32 @!p2 $0x7, s2;
	s3 =	sadd.s32 @!p2 s1, s3  }
0x243: {  	[hbm4b:s3+s2] =	stream.linear.scatter @!p2 [tilespmem:s4], [sflag:$0x5], $0x80, $0x38;
	[tilespmem:$0x1F6F8] =	vst v63  }
.LBB3_37:
0x244: {  	s0 =	sadd.s32 s5, s7  }
0x245: {  	s0 =	sshrl.u32 s0, $0x2  }
.LBB3_38:
0x246: {  	s2 =	simm.s32 $0x5  }
0x247: {  	_ =	swait.ge [sflag:s2], s0  }
0x248: {  	s31 =	ssub.s32 $0x0, s0;
	[sflag:s2] =	ssyncset.done $0x0  }
0x249: {  	[sflag:s2] =	ssyncadd.s32 s31  }
0x24a: {  	[sflag:s2] =	ssyncpa.u1 $0x1  }
.LBB3_39:
0x24b: {  	s0 =	sor.u32 s15, s16  }
0x24c: {  	p1 =	sne.s32 s0, $0x0  }
.Ltmp35:
0x24d: {  	_ = 	snop;
	(pc) =	sbr.rel @p1 .LBB3_54-.Ltmp35, $3  }
0x24e: {  	_ =	sdelay $0x1  }
0x24f: {  	[bflag:$0x0] =	sbarrier.arrive $0xFFFF  }
0x250: {  	_ =	sfence  }
0x251: {  	s0 =	simm.s32 $0x7  }
0x252: {  	s2 =	simm.s32 $0x1000;
	s3 =	simm.s32 $0xF218;
	[sflag:s0] =	ssyncpa.u1 $0x0  }
0x253: {  	[tilespmem:s3], [sflag:$0x7] =	stream.linear.gather [spmem:s2], $0x20, $0x38;
	[tilespmem:$0x1F6F8] =	vst v63  }
0x254: {  	s30 =	simm.s32 $0xF238;
	s2 =	simm.s32 $0x0  }
0x255: {  	[tilespmem:s30], [sflag:$0x7] =	stream.linear.gather [spmem:s2], $0x1000, $0x38;
	[tilespmem:$0x1F6F8] =	vst v63  }
.Ltmp36:
0x256: {  	_ = 	snop;
	(pc) =	sbr.rel .LBB3_41-.Ltmp36, $4  }
0x257: {  	_ =	swait.ge [sflag:s0], $0x1020  }
0x258: {  	[sflag:s0] =	ssyncset.done $0x0  }
0x259: {  	s31 =	simm.s32 $0x8;
	[sflag:s0] =	ssyncadd.s32 $0xFFFFEFE0  }
0x25a: {  	s3 =	simm.s32 $0x0;
	[sflag:s31] =	ssyncpa.u1 $0x0  }
.LBB3_47:
0x25b: {  	p1 =	slt.u32 s4, $0xFF1  }
0x25c: {  	s0 =	sand.u32 @p1 $0xFF8, s4  }
0x25d: {  	s4 =	sand.u32 @p1 $0x7, s4;
	s5 =	simm.s32 @p1 $0xF188;
	s0 =	sadd.s32 @p1 s1, s0  }
0x25e: {  	[tilespmem:s5], [sflag:$0x8] =	stream.linear.gather @p1 [hbm4b:s0+s4], $0x80, $0x38;
	[tilespmem:$0x1F6F8] =	vst v63  }
0x25f: {  	s0 =	simm.s32 @p1 $0x8  }
0x260: {  	_ =	swait.ge @p1 [sflag:s0], $0x80  }
0x261: {  	[sflag:s0] =	ssyncset.done @p1 $0x0  }
0x262: {  	[sflag:s0] =	ssyncadd.s32 @p1 $0xFFFFFF80  }
0x263: {  	v1 =	vld @p1 [tilespmem:$0xF188];
	_ =	sdelay $0x2  }
0x264: {  	s0 =	sshll.u32 @p1 s3, $0x9  }
0x265: {  	s4 =	sshrl.u32 @p1 s0, $0x2  }
0x266: {  	[tilespmem:s4+$0xF238] =	vst.add.f32.msk @p1 $0xffff, v1  }
0x267: {  	v1 =	vld @p1 [tilespmem:$0xF198];
	_ =	sdelay $0x4  }
0x268: {  	[tilespmem:s4+$0xF248] =	vst.add.f32.msk @p1 $0xffff, v1  }
0x269: {  	v1 =	vld @p1 [tilespmem:$0xF1A8];
	_ =	sdelay $0x4  }
0x26a: {  	[tilespmem:s4+$0xF258] =	vst.add.f32.msk @p1 $0xffff, v1  }
0x26b: {  	v1 =	vld @p1 [tilespmem:$0xF1B8];
	_ =	sdelay $0x4  }
0x26c: {  	[tilespmem:s4+$0xF268] =	vst.add.f32.msk @p1 $0xffff, v1  }
0x26d: {  	v1 =	vld @p1 [tilespmem:$0xF1C8];
	_ =	sdelay $0x4  }
0x26e: {  	[tilespmem:s4+$0xF278] =	vst.add.f32.msk @p1 $0xffff, v1  }
0x26f: {  	v1 =	vld @p1 [tilespmem:$0xF1D8];
	_ =	sdelay $0x4  }
0x270: {  	[tilespmem:s4+$0xF288] =	vst.add.f32.msk @p1 $0xffff, v1  }
0x271: {  	v1 =	vld @p1 [tilespmem:$0xF1E8];
	_ =	sdelay $0x4  }
0x272: {  	[tilespmem:s4+$0xF298] =	vst.add.f32.msk @p1 $0xffff, v1  }
0x273: {  	v1 =	vld @p1 [tilespmem:$0xF1F8];
	_ =	sdelay $0x3  }
0x274: {  	s5 =	sshll.u32 @!p1 s3, $0x9  }
0x275: {  	s5 =	smov.u32 @p1 s0;
	[tilespmem:s4+$0xF2A8] =	vst.add.f32.msk @p1 $0xffff, v1  }
0x276: {  	s0 =	sshrl.u32 s5, $0x2;
	[tilespmem:s2+$0xF218] =	vst.msk $0x1, v0  }
0x277: {  	v0 =	vld [tilespmem:s0+$0xF238];
	_ =	sdelay $0x2  }
0x278: {  	s31 =	sshll.u32 s2, $0x9  }
0x279: {  	s4 =	sshra.s32 s31, $0x2  }
0x27a: {  	[tilespmem:s4+$0xF238] =	vst v0  }
0x27b: {  	v0 =	vld [tilespmem:s0+$0xF248];
	_ =	sdelay $0x4  }
0x27c: {  	[tilespmem:s4+$0xF248] =	vst v0  }
0x27d: {  	v0 =	vld [tilespmem:s0+$0xF258];
	_ =	sdelay $0x4  }
0x27e: {  	[tilespmem:s4+$0xF258] =	vst v0  }
0x27f: {  	v0 =	vld [tilespmem:s0+$0xF268];
	_ =	sdelay $0x4  }
0x280: {  	[tilespmem:s4+$0xF268] =	vst v0  }
0x281: {  	v0 =	vld [tilespmem:s0+$0xF278];
	_ =	sdelay $0x4  }
0x282: {  	[tilespmem:s4+$0xF278] =	vst v0  }
0x283: {  	v0 =	vld [tilespmem:s0+$0xF288];
	_ =	sdelay $0x4  }
0x284: {  	[tilespmem:s4+$0xF288] =	vst v0  }
0x285: {  	v0 =	vld [tilespmem:s0+$0xF298];
	_ =	sdelay $0x4  }
0x286: {  	[tilespmem:s4+$0xF298] =	vst v0  }
0x287: {  	v0 =	vld [tilespmem:s0+$0xF2A8];
	_ =	sdelay $0x4  }
0x288: {  	s2 =	sadd.s32 $0x1, s2;
	[tilespmem:s4+$0xF2A8] =	vst v0  }
.LBB3_48:
0x289: {  	s3 =	sadd.s32 $0x1, s3  }
0x28a: {  	p1 =	sne.s32 s3, $0x20  }
.Ltmp37:
0x28b: {  	_ = 	snop;
	(pc) =	sbr.rel @!p1 .LBB3_49-.Ltmp37, $1  }
0x28c: {  	_ =	sdelay $0x3  }
.LBB3_41:
0x28d: {  	v0 =	vld.msk [tilespmem:s3+$0xF218], $0x1;
	_ =	sdelay $0x4  }
0x28e: {  	(v2sf) =	vpush v0, $0x0;
	_ =	sdelay $0xe  }
0x28f: {  	s4 =	spop (v2sf)  }
0x290: {  	p1 =	seq.s32 s4, $0xFFFFFFFF  }
.Ltmp38:
0x291: {  	_ = 	snop;
	(pc) =	sbr.rel @p1 .LBB3_48-.Ltmp38, $1  }
0x292: {  	_ =	sdelay $0x3  }
0x293: {  	p1 =	slt.s32 s2, $0x1  }
.Ltmp39:
0x294: {  	_ = 	snop;
	(pc) =	sbr.rel @p1 .LBB3_47-.Ltmp39, $1  }
0x295: {  	_ =	sdelay $0x3  }
0x296: {  	s5 =	simm.s32 $0xF218;
	p1 =	por $0x0, $0x0  }
0x297: {  	v1 =	vld.msk @!p1 [tilespmem:s5+$0x0], $0x1;
	_ =	sdelay $0x4  }
0x298: {  	(v2sf) =	vpush @!p1 v1, $0x0;
	_ =	sdelay $0xd  }
0x299: {  	p3 =	sne.s32 s2, $0x1  }
.Ltmp40:
0x29a: {  	s0 =	spop @!p1 (v2sf);
	(pc) =	sbr.rel @!p3 .LBB3_45-.Ltmp40, $4  }
0x29b: {  	p2 =	seq.s32 @!p1 s4, s0  }
0x29c: {  	s6 =	simm.s32 $0x0;
	p2 =	por !p2, p1  }
0x29d: {  	s7 =	simm.s32 $0xFFFFFFFF;
	s6 =	simm.s32 @p2 $0xFFFFFFFF  }
0x29e: {  	s0 =	simm.s32 $0x1;
	s6 =	smov.u32 @p1 s7  }
.LBB3_44:
0x29f: {  	s7 =	smov.u32 s6;
	p1 =	sne.s32 s6, $0xFFFFFFFF  }
0x2a0: {  	s5 =	sadd.s32 $0x1, s5;
	s6 =	smov.u32 s0;
	s0 =	sadd.s32 $0x1, s0  }
0x2a1: {  	p2 =	sne.s32 s2, s0;
	v1 =	vld.msk @!p1 [tilespmem:s5+$0x0], $0x1;
	_ =	sdelay $0x4  }
0x2a2: {  	(v2sf) =	vpush @!p1 v1, $0x0;
	_ =	sdelay $0xe  }
.Ltmp41:
0x2a3: {  	s8 =	spop @!p1 (v2sf);
	(pc) =	sbr.rel @p2 .LBB3_44-.Ltmp41, $4  }
0x2a4: {  	p3 =	seq.s32 @!p1 s4, s8  }
0x2a5: {  	p3 =	por !p3, p1  }
0x2a6: {  	s6 =	simm.s32 @p3 $0xFFFFFFFF  }
0x2a7: {  	s6 =	smov.u32 @p1 s7  }
.LBB3_45:
0x2a8: {  	p1 =	seq.s32 s6, $0xFFFFFFFF  }
.Ltmp42:
0x2a9: {  	_ = 	snop;
	(pc) =	sbr.rel @p1 .LBB3_47-.Ltmp42, $1  }
0x2aa: {  	_ =	sdelay $0x3  }
0x2ab: {  	s0 =	sshll.u32 s3, $0x7  }
0x2ac: {  	s0 =	sand.u32 $0x3FFFFF80, s0  }
0x2ad: {  	v0 =	vld [tilespmem:s0+$0xF238];
	_ =	sdelay $0x2  }
0x2ae: {  	s4 =	sshll.u32 s6, $0x9  }
0x2af: {  	s4 =	sshra.s32 s4, $0x2  }
0x2b0: {  	[tilespmem:s4+$0xF238] =	vst.add.f32.msk $0xffff, v0  }
0x2b1: {  	v0 =	vld [tilespmem:s0+$0xF248];
	_ =	sdelay $0x4  }
0x2b2: {  	[tilespmem:s4+$0xF248] =	vst.add.f32.msk $0xffff, v0  }
0x2b3: {  	v0 =	vld [tilespmem:s0+$0xF258];
	_ =	sdelay $0x4  }
0x2b4: {  	[tilespmem:s4+$0xF258] =	vst.add.f32.msk $0xffff, v0  }
0x2b5: {  	v0 =	vld [tilespmem:s0+$0xF268];
	_ =	sdelay $0x4  }
0x2b6: {  	[tilespmem:s4+$0xF268] =	vst.add.f32.msk $0xffff, v0  }
0x2b7: {  	v0 =	vld [tilespmem:s0+$0xF278];
	_ =	sdelay $0x4  }
0x2b8: {  	[tilespmem:s4+$0xF278] =	vst.add.f32.msk $0xffff, v0  }
0x2b9: {  	v0 =	vld [tilespmem:s0+$0xF288];
	_ =	sdelay $0x4  }
0x2ba: {  	[tilespmem:s4+$0xF288] =	vst.add.f32.msk $0xffff, v0  }
0x2bb: {  	v0 =	vld [tilespmem:s0+$0xF298];
	_ =	sdelay $0x4  }
0x2bc: {  	[tilespmem:s4+$0xF298] =	vst.add.f32.msk $0xffff, v0  }
0x2bd: {  	v0 =	vld [tilespmem:s0+$0xF2A8]  }
.Ltmp43:
0x2be: {  	_ = 	snop;
	(pc) =	sbr.rel .LBB3_48-.Ltmp43, $2  }
0x2bf: {  	_ =	sdelay $0x2  }
0x2c0: {  	[tilespmem:s4+$0xF2A8] =	vst.add.f32.msk $0xffff, v0  }
.LBB3_49:
0x2c1: {  	p1 =	slt.s32 s2, $0x1  }
.Ltmp44:
0x2c2: {  	_ = 	snop;
	(pc) =	sbr.rel @p1 .LBB3_53-.Ltmp44, $3  }
0x2c3: {  	_ =	sdelay $0x1  }
0x2c4: {  	s0 =	simm.s32 $0x8  }
0x2c5: {  	s3 =	simm.s32 $0x0;
	[sflag:s0] =	ssyncpa.u1 $0x1  }
0x2c6: {  	s0 =	simm.s32 $0xF218  }
0x2c7: {  	v0 =	vld.msk [tilespmem:s0+$0x0], $0x1;
	_ =	sdelay $0x4  }
0x2c8: {  	(v2sf) =	vpush v0, $0x0;
	_ =	sdelay $0xe  }
0x2c9: {  	s0 =	sadd.s32 $0xFFFFFFFF, s2;
	s5 =	spop (v2sf)  }
0x2ca: {  	p2 =	sne.s32 s0, $0x0;
	p1 =	sgt.u32 s5, $0xFF0  }
.Ltmp45:
0x2cb: {  	s6 =	sand.u32 @!p1 $0xFF8, s5;
	(pc) =	sbr.rel @!p2 .LBB3_52-.Ltmp45, $4  }
0x2cc: {  	s4 =	simm.s32 $0xF238;
	s5 =	sand.u32 @!p1 $0x7, s5;
	s2 =	sadd.s32 @!p1 s1, s6  }
0x2cd: {  	[hbm4b:s2+s5] =	stream.linear.scatter @!p1 [tilespmem:s4], [sflag:$0x7], $0x80, $0x38;
	[tilespmem:$0x1F6F8] =	vst v63  }
0x2ce: {  	s5 =	simm.s32 $0x0  }
0x2cf: {  	s2 =	simm.s32 $0xF219;
	s5 =	simm.s32 @!p1 $0x200  }
.LBB3_51:
0x2d0: {  	v0 =	vld.msk [tilespmem:s2+$0x0], $0x1;
	s0 =	sadd.s32 $0xFFFFFFFF, s0;
	s3 =	sadd.s32 s3, s5  }
0x2d1: {  	p1 =	sne.s32 s0, $0x0;
	_ =	sdelay $0x3  }
0x2d2: {  	(v2sf) =	vpush v0, $0x0;
	_ =	sdelay $0xe  }
.Ltmp46:
0x2d3: {  	s6 =	spop (v2sf);
	(pc) =	sbr.rel @p1 .LBB3_51-.Ltmp46, $4  }
0x2d4: {  	s5 =	simm.s32 $0x0;
	p2 =	sgt.u32 s6, $0xFF0  }
0x2d5: {  	s4 =	sadd.s32 $0x80, s4;
	s5 =	simm.s32 @!p2 $0x200;
	s7 =	sand.u32 @!p2 $0xFF8, s6  }
0x2d6: {  	s2 =	sadd.s32 $0x1, s2;
	s6 =	sand.u32 @!p2 $0x7, s6;
	s7 =	sadd.s32 @!p2 s1, s7  }
0x2d7: {  	[hbm4b:s7+s6] =	stream.linear.scatter @!p2 [tilespmem:s4], [sflag:$0x7], $0x80, $0x38;
	[tilespmem:$0x1F6F8] =	vst v63  }
.LBB3_52:
0x2d8: {  	s0 =	sadd.s32 s3, s5  }
0x2d9: {  	s3 =	sshrl.u32 s0, $0x2  }
.LBB3_53:
0x2da: {  	s0 =	simm.s32 $0x7  }
0x2db: {  	_ =	swait.ge [sflag:s0], s3  }
0x2dc: {  	s1 =	ssub.s32 $0x0, s3;
	[sflag:s0] =	ssyncset.done $0x0  }
0x2dd: {  	[sflag:s0] =	ssyncadd.s32 s1  }
0x2de: {  	[sflag:s0] =	ssyncpa.u1 $0x1  }
.LBB3_54:
0x2df: {  	_ =	sfence;
	s0 =	simm.s32 $0x1  }
0x2e0: {  	[sflag:s0] =	ssyncpa.u1 $0x1  }
0x2e1: {  	_ =	strace $0x9000004A  }
0x2e2: {  	[bflag:$0x2] =	sbarrier.arrive $0xFFFF  }
0x2e3: {  	s0 =	rddreg [dreg:$0x3]  }
0x2e4: {  	s0 =	sadd.s32 @!p0 $0x100000, s0  }
0x2e5: {  	[sflag:s0] =	ssyncadd.tile.s32 @!p0 $0x1;
	_ =	shalt  }
.Lfunc_end3:
_tile_overlayer_lowered:
.L_overlay_start_3:
0x2e6: {  	(tag) =	ssettag $0x3  }
0x2e7: {  	s0 =	rddreg [dreg:$0x0];
	s2 =	stileid.u32  }
0x2e8: {  	s1 =	rddreg [dreg:$0x1];
	p0 =	sne.s32 s2, $0x0  }
0x2e9: {  	s3 =	rddreg [dreg:$0x2];
	[bflag:$0x3] =	sbarrier.arrive $0xFFFF;
	s2 =	simm.s32 @!p0 $0x1C01  }
0x2ea: {  	[timem:s3], [sflag:s2] =	dma.local @!p0 [hbm:s0], s1  }
0x2eb: {  	s0 =	simm.s32 @!p0 $0x1  }
0x2ec: {  	_ =	swait.ge @!p0 [sflag:s0], s1  }
0x2ed: {  	s1 =	ssub.s32 @!p0 $0x0, s1;
	[sflag:s0] =	ssyncset.done @!p0 $0x0  }
0x2ee: {  	[sflag:s0] =	ssyncadd.s32 @!p0 s1  }
0x2ef: {  	[bflag:$0x3] =	sbarrier.arrive $0xFFFF  }
0x2f0: {  	_ =	shalt  }

</sc_bundles>
